<compile_context>
chip_gen: v7x
topology: tpu7x:2x2x1
jax: 0.10.2.dev20260603
libtpu: 0.0.44.dev20260713+nightly
codegen_flags: <defaults>
</compile_context>

<pallas_src>
import functools
import jax
import jax.numpy as jnp
from jax import lax
from jax.experimental import pallas as pl
from jax.experimental.pallas import tpu as pltpu
from jax.experimental.pallas import tpu_sc as plsc

NN = 10000
EE = 320000
DD = 128
HH = 128
BBG = 256
NPAD = 10240
PB = 384
NC = 2
NS = 16
CH = 80
RB = 512

_f32 = jnp.float32


def _mesh():
    return plsc.VectorSubcoreMesh(core_axis_name="c", subcore_axis_name="s")


def _sc_hist(dst, batch_ext, z1d):
    epw = EE // (NC * NS)
    npw = NPAD // (NC * NS)
    rpt = NPAD // NS

    def body(dst_ref, batch_ref, z1d_ref, deg_out, cnt_out,
             idxv, onesv, degS, cntS):
        cid = lax.axis_index("c")
        sid = lax.axis_index("s")
        for k in range(CH // 16):
            onesv[pl.ds(16 * k, 16)] = jnp.ones((16,), _f32)
        pltpu.sync_copy(z1d_ref.at[pl.ds(sid * rpt, rpt)],
                        degS.at[pl.ds(sid * rpt, rpt)])

        @pl.when(sid == 0)
        def _():
            pltpu.sync_copy(z1d_ref.at[pl.ds(0, PB)], cntS)

        plsc.subcore_barrier()
        ebase = (cid * NS + sid) * epw

        def eloop(i, c):
            b = pl.multiple_of(ebase + i * CH, 8)
            pltpu.sync_copy(dst_ref.at[pl.ds(b, CH)], idxv)
            pltpu.sync_copy(onesv, degS.at[idxv], add=True)
            return c

        lax.fori_loop(0, epw // CH, eloop, 0)
        nbase = (cid * NS + sid) * npw

        def nloop(i, c):
            b = pl.multiple_of(nbase + i * CH, 8)
            pltpu.sync_copy(batch_ref.at[pl.ds(b, CH)], idxv)
            pltpu.sync_copy(onesv, cntS.at[idxv], add=True)
            return c

        lax.fori_loop(0, npw // CH, nloop, 0)
        plsc.subcore_barrier()
        pltpu.sync_copy(degS.at[pl.ds(sid * rpt, rpt)],
                        deg_out.at[cid, pl.ds(sid * rpt, rpt)])

        @pl.when(sid == 0)
        def _():
            pltpu.sync_copy(cntS, cnt_out.at[cid])

    return pl.kernel(
        body,
        out_type=(jax.ShapeDtypeStruct((NC, NPAD), _f32),
                  jax.ShapeDtypeStruct((NC, PB), _f32)),
        mesh=_mesh(),
        scratch_types=[
            pltpu.VMEM((CH,), jnp.int32),
            pltpu.VMEM((CH,), _f32),
            pltpu.VMEM_SHARED((NPAD,), _f32),
            pltpu.VMEM_SHARED((PB,), _f32),
        ],
    )(dst, batch_ext, z1d)


def _sc_edge_agg(zs, src, dst, z2d):
    epw = EE // (NC * NS)
    rpt = NPAD // NS

    def body(zs_ref, src_ref, dst_ref, z2d_ref, acc_out,
             sidx, didx, rows, accS):
        cid = lax.axis_index("c")
        sid = lax.axis_index("s")
        pltpu.sync_copy(z2d_ref.at[pl.ds(sid * rpt, rpt), :],
                        accS.at[pl.ds(sid * rpt, rpt), :])
        plsc.subcore_barrier()
        ebase = (cid * NS + sid) * epw

        def eloop(i, c):
            b = pl.multiple_of(ebase + i * CH, 8)
            pltpu.sync_copy(src_ref.at[pl.ds(b, CH)], sidx)
            pltpu.sync_copy(dst_ref.at[pl.ds(b, CH)], didx)
            pltpu.sync_copy(zs_ref.at[sidx], rows)
            pltpu.sync_copy(rows, accS.at[didx], add=True)
            return c

        lax.fori_loop(0, epw // CH, eloop, 0)
        plsc.subcore_barrier()
        pltpu.sync_copy(accS.at[pl.ds(sid * rpt, rpt), :],
                        acc_out.at[cid, pl.ds(sid * rpt, rpt), :])

    return pl.kernel(
        body,
        out_type=jax.ShapeDtypeStruct((NC, NPAD, HH), _f32),
        mesh=_mesh(),
        scratch_types=[
            pltpu.VMEM((CH,), jnp.int32),
            pltpu.VMEM((CH,), jnp.int32),
            pltpu.VMEM((CH, HH), _f32),
            pltpu.VMEM_SHARED((NPAD, HH), _f32),
        ],
    )(zs, src, dst, z2d)


def _sc_pool(node_emb, batch_ext, ntab, focus_idx, new_idx, z2d):
    npw = NPAD // (NC * NS)
    gpw = BBG // (NC * NS)
    ppt = PB // NS

    def body(ne_ref, batch_ref, ntab_ref, fidx_ref, nidx_ref, z2d_ref,
             pool_out, pair2_out, foc_out, new_out,
             idxv, idx2v, rows, rows2, sidx8, rows8, poolS):
        cid = lax.axis_index("c")
        sid = lax.axis_index("s")

        @pl.when(sid == 0)
        def _():
            pltpu.sync_copy(z2d_ref.at[pl.ds(0, PB), :], poolS)

        plsc.subcore_barrier()
        nbase = (cid * NS + sid) * npw

        def nloop(i, c):
            b = pl.multiple_of(nbase + i * CH, 8)
            pltpu.sync_copy(batch_ref.at[pl.ds(b, CH)], idxv)
            pltpu.sync_copy(ne_ref.at[pl.ds(b, CH), :], rows)
            pltpu.sync_copy(rows, poolS.at[idxv], add=True)
            pltpu.sync_copy(ntab_ref.at[idxv], idx2v)
            pltpu.sync_copy(ne_ref.at[idx2v], rows2)
            pltpu.sync_copy(rows2, pair2_out.at[pl.ds(b, CH), :])
            return c

        lax.fori_loop(0, npw // CH, nloop, 0)
        fb = (cid * NS + sid) * gpw
        pltpu.sync_copy(fidx_ref.at[pl.ds(fb, gpw)], sidx8)
        pltpu.sync_copy(ne_ref.at[sidx8], rows8)
        pltpu.sync_copy(rows8, foc_out.at[pl.ds(fb, gpw), :])
        pltpu.sync_copy(nidx_ref.at[pl.ds(fb, gpw)], sidx8)
        pltpu.sync_copy(ne_ref.at[sidx8], rows8)
        pltpu.sync_copy(rows8, new_out.at[pl.ds(fb, gpw), :])
        plsc.subcore_barrier()
        pltpu.sync_copy(poolS.at[pl.ds(sid * ppt, ppt), :],
                        pool_out.at[cid, pl.ds(sid * ppt, ppt), :])

    return pl.kernel(
        body,
        out_type=(jax.ShapeDtypeStruct((NC, PB, HH), _f32),
                  jax.ShapeDtypeStruct((NPAD, HH), _f32),
                  jax.ShapeDtypeStruct((BBG, HH), _f32),
                  jax.ShapeDtypeStruct((BBG, HH), _f32)),
        mesh=_mesh(),
        scratch_types=[
            pltpu.VMEM((CH,), jnp.int32),
            pltpu.VMEM((CH,), jnp.int32),
            pltpu.VMEM((CH, HH), _f32),
            pltpu.VMEM((CH, HH), _f32),
            pltpu.VMEM((gpw,), jnp.int32),
            pltpu.VMEM((gpw, HH), _f32),
            pltpu.VMEM_SHARED((PB, HH), _f32),
        ],
    )(node_emb, batch_ext, ntab, focus_idx, new_idx, z2d)


def _tc_prep(degp, x, W):
    def body(deg_ref, x_ref, W_ref, zs_ref, dinv_ref):
        deg = deg_ref[0, :] + deg_ref[1, :] + 1.0
        dinv = lax.rsqrt(jnp.maximum(deg, 1.0))
        z = jnp.dot(x_ref[...], W_ref[...], preferred_element_type=_f32)
        zs_ref[...] = z * dinv[:, None]
        dinv_ref[...] = dinv[:, None]

    return pl.pallas_call(
        body,
        grid=(NPAD // RB,),
        in_specs=[
            pl.BlockSpec((NC, RB), lambda i: (0, i)),
            pl.BlockSpec((RB, DD), lambda i: (i, 0)),
            pl.BlockSpec((DD, HH), lambda i: (0, 0)),
        ],
        out_specs=[
            pl.BlockSpec((RB, HH), lambda i: (i, 0)),
            pl.BlockSpec((RB, 1), lambda i: (i, 0)),
        ],
        out_shape=[
            jax.ShapeDtypeStruct((NPAD, HH), _f32),
            jax.ShapeDtypeStruct((NPAD, 1), _f32),
        ],
    )(degp, x, W)


def _tc_layer(accp, zs, dinv, h_in, b, g, beta, W_next):
    has_next = W_next is not None

    def body(accp_ref, zs_ref, dinv_ref, hin_ref, b_ref, g_ref, beta_ref,
             *rest):
        if has_next:
            Wn_ref, h_ref, zsn_ref = rest
        else:
            (h_ref,) = rest
        acc = accp_ref[0] + accp_ref[1] + zs_ref[...]
        dinv = dinv_ref[...]
        conv = acc * dinv + b_ref[...]
        m = jnp.mean(conv, axis=-1, keepdims=True)
        v = jnp.mean((conv - m) ** 2, axis=-1, keepdims=True)
        ln = (conv - m) / jnp.sqrt(v + 1e-5) * g_ref[...] + beta_ref[...]
        h = jnp.maximum(ln, 0.0) + hin_ref[...]
        h_ref[...] = h
        if has_next:
            zn = jnp.dot(h, Wn_ref[...], preferred_element_type=_f32)
            zsn_ref[...] = zn * dinv

    in_specs = [
        pl.BlockSpec((NC, RB, HH), lambda i: (0, i, 0)),
        pl.BlockSpec((RB, HH), lambda i: (i, 0)),
        pl.BlockSpec((RB, 1), lambda i: (i, 0)),
        pl.BlockSpec((RB, HH), lambda i: (i, 0)),
        pl.BlockSpec((1, HH), lambda i: (0, 0)),
        pl.BlockSpec((1, HH), lambda i: (0, 0)),
        pl.BlockSpec((1, HH), lambda i: (0, 0)),
    ]
    out_specs = [pl.BlockSpec((RB, HH), lambda i: (i, 0))]
    out_shape = [jax.ShapeDtypeStruct((NPAD, HH), _f32)]
    args = [accp, zs, dinv, h_in, b, g, beta]
    if has_next:
        in_specs.append(pl.BlockSpec((HH, HH), lambda i: (0, 0)))
        out_specs.append(pl.BlockSpec((RB, HH), lambda i: (i, 0)))
        out_shape.append(jax.ShapeDtypeStruct((NPAD, HH), _f32))
        args.append(W_next)

    res = pl.pallas_call(
        body,
        grid=(NPAD // RB,),
        in_specs=in_specs,
        out_specs=out_specs,
        out_shape=out_shape,
    )(*args)
    return res if has_next else (res[0], None)


def _tc_graph_heads(poolp, cntp, focus_emb, Ws1, bs1, Ws2, bs2,
                    Wa1, ba1, Wa2, ba2, Wb1, bb1, Wb2, bb2):
    def body(poolp_ref, cntp_ref, foc_ref, Ws1_ref, bs1_ref, Ws2_ref,
             bs2_ref, Wa1_ref, ba1_ref, Wa2_ref, ba2_ref, Wb1_ref, bb1_ref,
             Wb2_ref, bb2_ref, stop_ref, addn_ref, addb_ref):
        cnt = cntp_ref[0] + cntp_ref[1]
        pool = poolp_ref[0] + poolp_ref[1]
        ge = pool / jnp.maximum(cnt, 1.0)[:, None]

        def mlp2(z, W1r, b1r, W2r, b2r):
            z1 = jnp.maximum(
                jnp.dot(z, W1r[...], preferred_element_type=_f32)
                + b1r[...], 0.0)
            return jnp.dot(z1, W2r[...], preferred_element_type=_f32) \
                + b2r[...]

        stop_ref[...] = mlp2(ge, Ws1_ref, bs1_ref, Ws2_ref, bs2_ref)[:BBG]
        addn_ref[...] = mlp2(ge, Wa1_ref, ba1_ref, Wa2_ref, ba2_ref)[:BBG]
        addb_ref[...] = mlp2(foc_ref[...], Wb1_ref, bb1_ref, Wb2_ref,
                             bb2_ref)

    full = lambda s: pl.BlockSpec(s, lambda: tuple(0 for _ in s))
    return pl.pallas_call(
        body,
        in_specs=[
            full((NC, PB, HH)), full((NC, PB)), full((BBG, HH)),
            full((HH, HH)), full((1, HH)), full((HH, 1)), full((1, 1)),
            full((HH, HH)), full((1, HH)), full((HH, 10)), full((1, 10)),
            full((HH, HH)), full((1, HH)), full((HH, 4)), full((1, 4)),
        ],
        out_specs=[full((BBG, 1)), full((BBG, 10)), full((BBG, 4))],
        out_shape=[
            jax.ShapeDtypeStruct((BBG, 1), _f32),
            jax.ShapeDtypeStruct((BBG, 10), _f32),
            jax.ShapeDtypeStruct((BBG, 4), _f32),
        ],
    )(poolp, cntp, focus_emb, Ws1, bs1, Ws2, bs2,
      Wa1, ba1, Wa2, ba2, Wb1, bb1, Wb2, bb2)


def _tc_pair_heads(node_emb, pair2, We1a, We1b, be1, We2, be2, We3, be3,
                   Wt1a, Wt1b, bt1, Wt2, bt2, Wt3, bt3):
    def body(ne_ref, p2_ref, We1a_ref, We1b_ref, be1_ref, We2_ref, be2_ref,
             We3_ref, be3_ref, Wt1a_ref, Wt1b_ref, bt1_ref, Wt2_ref,
             bt2_ref, Wt3_ref, bt3_ref, oe_ref, ot_ref):
        ne = ne_ref[...]
        p2 = p2_ref[...]

        def head(W1a, W1b, b1, W2, b2, W3, b3):
            z = jnp.maximum(
                jnp.dot(ne, W1a[...], preferred_element_type=_f32)
                + jnp.dot(p2, W1b[...], preferred_element_type=_f32)
                + b1[...], 0.0)
            z = jnp.maximum(
                jnp.dot(z, W2[...], preferred_element_type=_f32)
                + b2[...], 0.0)
            return jnp.dot(z, W3[...], preferred_element_type=_f32) + b3[...]

        oe_ref[...] = head(We1a_ref, We1b_ref, be1_ref, We2_ref, be2_ref,
                           We3_ref, be3_ref)
        ot_ref[...] = head(Wt1a_ref, Wt1b_ref, bt1_ref, Wt2_ref, bt2_ref,
                           Wt3_ref, bt3_ref)

    hh2 = HH // 2
    return pl.pallas_call(
        body,
        grid=(NPAD // RB,),
        in_specs=[
            pl.BlockSpec((RB, HH), lambda i: (i, 0)),
            pl.BlockSpec((RB, HH), lambda i: (i, 0)),
            pl.BlockSpec((HH, HH), lambda i: (0, 0)),
            pl.BlockSpec((HH, HH), lambda i: (0, 0)),
            pl.BlockSpec((1, HH), lambda i: (0, 0)),
            pl.BlockSpec((HH, hh2), lambda i: (0, 0)),
            pl.BlockSpec((1, hh2), lambda i: (0, 0)),
            pl.BlockSpec((hh2, 1), lambda i: (0, 0)),
            pl.BlockSpec((1, 1), lambda i: (0, 0)),
            pl.BlockSpec((HH, HH), lambda i: (0, 0)),
            pl.BlockSpec((HH, HH), lambda i: (0, 0)),
            pl.BlockSpec((1, HH), lambda i: (0, 0)),
            pl.BlockSpec((HH, hh2), lambda i: (0, 0)),
            pl.BlockSpec((1, hh2), lambda i: (0, 0)),
            pl.BlockSpec((hh2, 4), lambda i: (0, 0)),
            pl.BlockSpec((1, 4), lambda i: (0, 0)),
        ],
        out_specs=[
            pl.BlockSpec((RB, 1), lambda i: (i, 0)),
            pl.BlockSpec((RB, 4), lambda i: (i, 0)),
        ],
        out_shape=[
            jax.ShapeDtypeStruct((NPAD, 1), _f32),
            jax.ShapeDtypeStruct((NPAD, 4), _f32),
        ],
    )(node_emb, pair2, We1a, We1b, be1, We2, be2, We3, be3,
      Wt1a, Wt1b, bt1, Wt2, bt2, Wt3, bt3)


def kernel(x, edge_index, batch, new_node_indices, focus_node_indices,
           Wc0, bc0, Wc1, bc1, Wc2, bc2,
           g0, beta0, g1, beta1, g2, beta2,
           Ws1, bs1, Ws2, bs2,
           Wa1, ba1, Wa2, ba2,
           Wb1, bb1, Wb2, bb2,
           We1, be1, We2, be2, We3, be3,
           Wt1, bt1, Wt2, bt2, Wt3, bt3):
    src = edge_index[0]
    dst = edge_index[1]
    xp = jnp.pad(x, ((0, NPAD - NN), (0, 0)))
    batch_ext = jnp.concatenate(
        [batch, jnp.full((NPAD - NN,), BBG, jnp.int32)])
    ntab = jnp.pad(new_node_indices, (0, PB - BBG))
    z1d = jnp.zeros((NPAD,), _f32)
    z2d = jnp.zeros((NPAD, HH), _f32)
    row = lambda v: v.reshape(1, -1)

    degp, cntp = _sc_hist(dst, batch_ext, z1d)
    zs, dinv = _tc_prep(degp, xp, Wc0)
    h = xp
    for (b, g, beta, Wn) in ((bc0, g0, beta0, Wc1),
                             (bc1, g1, beta1, Wc2),
                             (bc2, g2, beta2, None)):
        accp = _sc_edge_agg(zs, src, dst, z2d)
        h, zs = _tc_layer(accp, zs, dinv, h, row(b), row(g), row(beta), Wn)

    node_emb = h
    poolp, pair2, focus_emb, new_emb = _sc_pool(
        node_emb, batch_ext, ntab, focus_node_indices, new_node_indices,
        z2d)
    stop_logits, add_node_logits, add_bond_logits = _tc_graph_heads(
        poolp, cntp, focus_emb, Ws1, row(bs1), Ws2, row(bs2),
        Wa1, row(ba1), Wa2, row(ba2), Wb1, row(bb1), Wb2, row(bb2))
    edge_sel, bond_type = _tc_pair_heads(
        node_emb, pair2, We1[:HH], We1[HH:], row(be1), We2, row(be2),
        We3, row(be3), Wt1[:HH], Wt1[HH:], row(bt1), Wt2, row(bt2),
        Wt3, row(bt3))

    return (stop_logits, add_node_logits, add_bond_logits,
            node_emb[:NN], edge_sel[:NN], bond_type[:NN])

# --- scband reference (transcript-rebuilt; emitter-appended) ---
"""Pipeline reference for scband-gcpnpolicy-55155970016019 (READ-ONLY COPY).

The authoritative reference and input builder live on the scoring server;
editing this copy changes nothing except your own understanding.
"""

import jax, jax.numpy as jnp
import numpy as np

N = 10000
E = 320000
D = 128
H = 128
B = 256
NUM_ATOM = 10
NUM_BOND = 4  # len(BOND_TYPES)+1 with BOND_TYPES = [single, double, triple]

PARAM_SHAPES = {
    'Wc0': (D, H), 'bc0': (H,), 'Wc1': (H, H), 'bc1': (H,), 'Wc2': (H, H), 'bc2': (H,),
    'g0': (H,), 'beta0': (H,), 'g1': (H,), 'beta1': (H,), 'g2': (H,), 'beta2': (H,),
    'Ws1': (H, H), 'bs1': (H,), 'Ws2': (H, 1), 'bs2': (1,),
    'Wa1': (H, H), 'ba1': (H,), 'Wa2': (H, NUM_ATOM), 'ba2': (NUM_ATOM,),
    'Wb1': (H, H), 'bb1': (H,), 'Wb2': (H, NUM_BOND), 'bb2': (NUM_BOND,),
    'We1': (2 * H, H), 'be1': (H,), 'We2': (H, H // 2), 'be2': (H // 2,), 'We3': (H // 2, 1), 'be3': (1,),
    'Wt1': (2 * H, H), 'bt1': (H,), 'Wt2': (H, H // 2), 'bt2': (H // 2,), 'Wt3': (H // 2, NUM_BOND), 'bt3': (NUM_BOND,),
}


def setup_inputs(seed: int = 0):
    key = jax.random.key(seed)
    inp = {}
    inp['x'] = jax.random.normal(jax.random.fold_in(key, 0), (N, D), dtype=jnp.float32)
    inp['edge_index'] = jax.random.randint(jax.random.fold_in(key, 1), (2, E), 0, N, dtype=jnp.int32)
    inp['batch'] = jnp.sort(jax.random.randint(jax.random.fold_in(key, 2), (N,), 0, B, dtype=jnp.int32))
    inp['new_node_indices'] = jax.random.randint(jax.random.fold_in(key, 3), (B,), 0, N, dtype=jnp.int32)
    inp['focus_node_indices'] = jax.random.randint(jax.random.fold_in(key, 4), (B,), 0, N, dtype=jnp.int32)
    for i, (n, s) in enumerate(PARAM_SHAPES.items()):
        inp[n] = 0.05 * jax.random.normal(jax.random.fold_in(key, 10 + i), s, dtype=jnp.float32)
    return inp


def _gcn_conv(h, src, dst, W, b):
    # GCNConv with default add_self_loops=True and symmetric normalization
    hw = h @ W
    loop = jnp.arange(N, dtype=src.dtype)
    s = jnp.concatenate([src, loop])
    d = jnp.concatenate([dst, loop])
    deg = jnp.zeros((N,), dtype=jnp.float32).at[d].add(1.0)
    dinv = jax.lax.rsqrt(jnp.maximum(deg, 1.0))
    norm = dinv[s] * dinv[d]
    msg = hw[s] * norm[:, None]
    out = jnp.zeros((N, hw.shape[1]), dtype=hw.dtype).at[d].add(msg)
    return out + b


def _layer_norm(h, g, b):
    m = jnp.mean(h, axis=-1, keepdims=True)
    v = jnp.var(h, axis=-1, keepdims=True)
    return (h - m) / jnp.sqrt(v + 1e-5) * g + b


def _mlp2(z, W1, b1, W2, b2):
    return jax.nn.relu(z @ W1 + b1) @ W2 + b2


def _mlp3(z, W1, b1, W2, b2, W3, b3):
    z = jax.nn.relu(z @ W1 + b1)
    z = jax.nn.relu(z @ W2 + b2)  # dropout is identity in eval mode
    return z @ W3 + b3


def _forward(p, edge_index, batch, new_idx, focus_idx):
    src = edge_index[0]
    dst = edge_index[1]
    h = p['x']
    for i in range(3):
        h_in = h
        h = _gcn_conv(h, src, dst, p['Wc%d' % i], p['bc%d' % i])
        h = _layer_norm(h, p['g%d' % i], p['beta%d' % i])
        h = jax.nn.relu(h)
        # dropout inactive in eval; res_proj is Identity since input_dim == hidden_dim
        h = h + h_in
    node_emb = h
    ones = jnp.ones((N,), dtype=jnp.float32)
    cnt = jax.ops.segment_sum(ones, batch, num_segments=B)
    sums = jax.ops.segment_sum(node_emb, batch, num_segments=B)
    graph_emb = sums / jnp.maximum(cnt, 1.0)[:, None]
    stop_logits = _mlp2(graph_emb, p['Ws1'], p['bs1'], p['Ws2'], p['bs2'])
    add_node_logits = _mlp2(graph_emb, p['Wa1'], p['ba1'], p['Wa2'], p['ba2'])
    focus_emb = node_emb[focus_idx]
    add_bond_logits = _mlp2(focus_emb, p['Wb1'], p['bb1'], p['Wb2'], p['bb2'])
    new_emb = node_emb[new_idx]
    pair = jnp.concatenate([node_emb, new_emb[batch]], axis=1)
    edge_selection_logits = _mlp3(pair, p['We1'], p['be1'], p['We2'], p['be2'], p['We3'], p['be3'])
    bond_type_logits = _mlp3(pair, p['Wt1'], p['bt1'], p['Wt2'], p['bt2'], p['Wt3'], p['bt3'])
    return (stop_logits, add_node_logits, add_bond_logits, node_emb, edge_selection_logits, bond_type_logits)


def reference(x, edge_index, batch, new_node_indices, focus_node_indices,
              Wc0, bc0, Wc1, bc1, Wc2, bc2,
              g0, beta0, g1, beta1, g2, beta2,
              Ws1, bs1, Ws2, bs2,
              Wa1, ba1, Wa2, ba2,
              Wb1, bb1, Wb2, bb2,
              We1, be1, We2, be2, We3, be3,
              Wt1, bt1, Wt2, bt2, Wt3, bt3):
    p = {
        'x': x,
        'Wc0': Wc0, 'bc0': bc0, 'Wc1': Wc1, 'bc1': bc1, 'Wc2': Wc2, 'bc2': bc2,
        'g0': g0, 'beta0': beta0, 'g1': g1, 'beta1': beta1, 'g2': g2, 'beta2': beta2,
        'Ws1': Ws1, 'bs1': bs1, 'Ws2': Ws2, 'bs2': bs2,
        'Wa1': Wa1, 'ba1': ba1, 'Wa2': Wa2, 'ba2': ba2,
        'Wb1': Wb1, 'bb1': bb1, 'Wb2': Wb2, 'bb2': bb2,
        'We1': We1, 'be1': be1, 'We2': We2, 'be2': be2, 'We3': We3, 'be3': be3,
        'Wt1': Wt1, 'bt1': bt1, 'Wt2': Wt2, 'bt2': bt2, 'Wt3': Wt3, 'bt3': bt3,
    }
    return _forward(p, edge_index, batch, new_node_indices, focus_node_indices)

if __name__ == "__main__":
    import jax
    _d = setup_inputs()
    print(jax.jit(kernel)(*tuple(_d.values())))

</pallas_src>

<mosaic_0001>
#map = affine_map<(d0, d1) -> (0, 0)>
#map1 = affine_map<(d0, d1) -> (0)>
#map2 = affine_map<(d0, d1) -> (0, 0, 0)>
module attributes {stable_mosaic.version = 14 : i64} {
  func.func @body(%arg0: i32, %arg1: i32, %arg2: memref<10240x128xf32, #tpu.memory_space<hbm>>, %arg3: memref<320000xi32, #tpu.memory_space<hbm>>, %arg4: memref<320000xi32, #tpu.memory_space<hbm>>, %arg5: memref<10240x128xf32, #tpu.memory_space<hbm>>, %arg6: memref<2x10240x128xf32, #tpu.memory_space<hbm>>, %arg7: memref<80xi32, #tpu.memory_space<vmem>>, %arg8: memref<80xi32, #tpu.memory_space<vmem>>, %arg9: memref<80x128xf32, #tpu.memory_space<vmem>>, %arg10: memref<10240x128xf32, #tpu.memory_space<vmem_shared>>) attributes {dimension_semantics = [#tpu.dimension_semantics<core_parallel>, #tpu.dimension_semantics<subcore_parallel>], iteration_bounds = array<i64: 2, 16>, scalar_prefetch = 0 : i64, scratch_operands = 4 : i64, tpu.core_type = #tpu.core_type<sc_vector_subcore>, window_params = [{transform_indices = #map}, {transform_indices = #map1}, {transform_indices = #map1}, {transform_indices = #map}, {transform_indices = #map2}]} {
    %mul3A = arith.constant 640 : i32
    %mul3A_0 = arith.muli %arg1, %mul3A : i32
    %mul3A_1 = arith.constant 640 : i32
    %mul3A_2 = arith.muli %arg1, %mul3A_1 : i32
    "tpu.region"() ({
      %run_scoped3A = tpu.sem_alloc : memref<!tpu.dma_semaphore, #tpu.memory_space<semaphore_mem>>
      %dma_start3A = arith.constant 0 : i32
      %dma_start3A_17 = tpu.memref_slice %arg10[%mul3A_2, %dma_start3A] : memref<10240x128xf32, #tpu.memory_space<vmem_shared>> -> memref<640x128xf32, #tpu.memory_space<vmem_shared>>
      %dma_start3A_18 = arith.constant 0 : i32
      %dma_start3A_19 = tpu.memref_slice %arg5[%mul3A_0, %dma_start3A_18] : memref<10240x128xf32, #tpu.memory_space<hbm>> -> memref<640x128xf32, #tpu.memory_space<hbm>>
      tpu.enqueue_dma source(%dma_start3A_19 : memref<640x128xf32, #tpu.memory_space<hbm>>) target(%dma_start3A_17 : memref<640x128xf32, #tpu.memory_space<vmem_shared>>) target_semaphore(%run_scoped3A : memref<!tpu.dma_semaphore, #tpu.memory_space<semaphore_mem>>)
      %dma_wait3A = arith.constant 0 : i32
      %dma_wait3A_20 = tpu.memref_slice %arg10[%mul3A_2, %dma_wait3A] : memref<10240x128xf32, #tpu.memory_space<vmem_shared>> -> memref<640x128xf32, #tpu.memory_space<vmem_shared>>
      %dma_wait3A_21 = arith.constant 0 : i32
      %dma_wait3A_22 = tpu.memref_slice %arg5[%mul3A_0, %dma_wait3A_21] : memref<10240x128xf32, #tpu.memory_space<hbm>> -> memref<640x128xf32, #tpu.memory_space<hbm>>
      tpu.wait_dma2 semaphore(%run_scoped3A : memref<!tpu.dma_semaphore, #tpu.memory_space<semaphore_mem>>) src(%dma_wait3A_22 : memref<640x128xf32, #tpu.memory_space<hbm>>) dst(%dma_wait3A_20 : memref<640x128xf32, #tpu.memory_space<vmem_shared>>)
      tpu.yield
    }) : () -> ()
    %barrier3A = arith.constant 0 : index
    tpu.barrier barrier_id(%barrier3A)
    %mul3A_3 = arith.constant 16 : i32
    %mul3A_4 = arith.muli %arg0, %mul3A_3 : i32
    %add3A = arith.addi %mul3A_4, %arg1 : i32
    %mul3A_5 = arith.constant 10000 : i32
    %mul3A_6 = arith.muli %add3A, %mul3A_5 : i32
    %scan3A = arith.constant 0 : i32
    %scan3A_7 = arith.constant 0 : i32
    %scan3A_8 = arith.constant 125 : i32
    %scan3A_9 = arith.addi %scan3A_7, %scan3A_8 : i32
    %scan3A_10 = arith.constant 1 : i32
    scf.for %scan3A_17 = %scan3A_7 to %scan3A_9 step %scan3A_10  : i32 {
      %mul3A_18 = arith.constant 80 : i32
      %mul3A_19 = arith.muli %scan3A_17, %mul3A_18 : i32
      %add3A_20 = arith.addi %mul3A_6, %mul3A_19 : i32
      %multiple_of3A = tpu.assume_multiple %add3A_20, 8 : i32
      "tpu.region"() ({
        %run_scoped3A = tpu.sem_alloc : memref<!tpu.dma_semaphore, #tpu.memory_space<semaphore_mem>>
        %dma_start3A = tpu.memref_slice %arg3[%multiple_of3A] : memref<320000xi32, #tpu.memory_space<hbm>> -> memref<80xi32, #tpu.memory_space<hbm>>
        %dma_start3A_21 = tpu.memref_slice %arg3[%multiple_of3A] : memref<320000xi32, #tpu.memory_space<hbm>> -> memref<80xi32, #tpu.memory_space<hbm>>
        tpu.enqueue_dma source(%dma_start3A_21 : memref<80xi32, #tpu.memory_space<hbm>>) target(%arg7 : memref<80xi32, #tpu.memory_space<vmem>>) target_semaphore(%run_scoped3A : memref<!tpu.dma_semaphore, #tpu.memory_space<semaphore_mem>>)
        %dma_wait3A = tpu.memref_slice %arg3[%multiple_of3A] : memref<320000xi32, #tpu.memory_space<hbm>> -> memref<80xi32, #tpu.memory_space<hbm>>
        %dma_wait3A_22 = tpu.memref_slice %arg3[%multiple_of3A] : memref<320000xi32, #tpu.memory_space<hbm>> -> memref<80xi32, #tpu.memory_space<hbm>>
        tpu.wait_dma2 semaphore(%run_scoped3A : memref<!tpu.dma_semaphore, #tpu.memory_space<semaphore_mem>>) src(%dma_wait3A_22 : memref<80xi32, #tpu.memory_space<hbm>>) dst(%arg7 : memref<80xi32, #tpu.memory_space<vmem>>)
        tpu.yield
      }) : () -> ()
      "tpu.region"() ({
        %run_scoped3A = tpu.sem_alloc : memref<!tpu.dma_semaphore, #tpu.memory_space<semaphore_mem>>
        %dma_start3A = tpu.memref_slice %arg4[%multiple_of3A] : memref<320000xi32, #tpu.memory_space<hbm>> -> memref<80xi32, #tpu.memory_space<hbm>>
        %dma_start3A_21 = tpu.memref_slice %arg4[%multiple_of3A] : memref<320000xi32, #tpu.memory_space<hbm>> -> memref<80xi32, #tpu.memory_space<hbm>>
        tpu.enqueue_dma source(%dma_start3A_21 : memref<80xi32, #tpu.memory_space<hbm>>) target(%arg8 : memref<80xi32, #tpu.memory_space<vmem>>) target_semaphore(%run_scoped3A : memref<!tpu.dma_semaphore, #tpu.memory_space<semaphore_mem>>)
        %dma_wait3A = tpu.memref_slice %arg4[%multiple_of3A] : memref<320000xi32, #tpu.memory_space<hbm>> -> memref<80xi32, #tpu.memory_space<hbm>>
        %dma_wait3A_22 = tpu.memref_slice %arg4[%multiple_of3A] : memref<320000xi32, #tpu.memory_space<hbm>> -> memref<80xi32, #tpu.memory_space<hbm>>
        tpu.wait_dma2 semaphore(%run_scoped3A : memref<!tpu.dma_semaphore, #tpu.memory_space<semaphore_mem>>) src(%dma_wait3A_22 : memref<80xi32, #tpu.memory_space<hbm>>) dst(%arg8 : memref<80xi32, #tpu.memory_space<vmem>>)
        tpu.yield
      }) : () -> ()
      "tpu.region"() ({
        %run_scoped3A = tpu.sem_alloc : memref<!tpu.dma_semaphore, #tpu.memory_space<semaphore_mem>>
        %dma_start3A = arith.constant 0 : i32
        %dma_start3A_21 = arith.constant 0 : i32
        %dma_start3A_22 = tpu.memref_slice %arg2[%dma_start3A, %dma_start3A_21] : memref<10240x128xf32, #tpu.memory_space<hbm>> -> memref<10240x128xf32, #tpu.memory_space<hbm>>
        tpu.enqueue_indirect_dma source(%dma_start3A_22 : memref<10240x128xf32, #tpu.memory_space<hbm>>) target(%arg9 : memref<80x128xf32, #tpu.memory_space<vmem>>) offsets(%arg7 : memref<80xi32, #tpu.memory_space<vmem>>) semaphore(%run_scoped3A : memref<!tpu.dma_semaphore, #tpu.memory_space<semaphore_mem>>)
        %dma_wait3A = arith.constant 0 : i32
        %dma_wait3A_23 = arith.constant 0 : i32
        %dma_wait3A_24 = tpu.memref_slice %arg2[%dma_wait3A, %dma_wait3A_23] : memref<10240x128xf32, #tpu.memory_space<hbm>> -> memref<10240x128xf32, #tpu.memory_space<hbm>>
        tpu.wait_indirect_dma semaphore(%run_scoped3A : memref<!tpu.dma_semaphore, #tpu.memory_space<semaphore_mem>>) src(%dma_wait3A_24 : memref<10240x128xf32, #tpu.memory_space<hbm>>) dst(%arg9 : memref<80x128xf32, #tpu.memory_space<vmem>>)
        tpu.yield
      }) : () -> ()
      "tpu.region"() ({
        %run_scoped3A = tpu.sem_alloc : memref<!tpu.dma_semaphore, #tpu.memory_space<semaphore_mem>>
        %dma_start3A = arith.constant 0 : i32
        %dma_start3A_21 = arith.constant 0 : i32
        %dma_start3A_22 = tpu.memref_slice %arg10[%dma_start3A, %dma_start3A_21] : memref<10240x128xf32, #tpu.memory_space<vmem_shared>> -> memref<10240x128xf32, #tpu.memory_space<vmem_shared>>
        tpu.enqueue_indirect_dma source(%arg9 : memref<80x128xf32, #tpu.memory_space<vmem>>) target(%dma_start3A_22 : memref<10240x128xf32, #tpu.memory_space<vmem_shared>>) offsets(%arg8 : memref<80xi32, #tpu.memory_space<vmem>>) semaphore(%run_scoped3A : memref<!tpu.dma_semaphore, #tpu.memory_space<semaphore_mem>>) {add = true}
        %dma_wait3A = arith.constant 0 : i32
        %dma_wait3A_23 = arith.constant 0 : i32
        %dma_wait3A_24 = tpu.memref_slice %arg10[%dma_wait3A, %dma_wait3A_23] : memref<10240x128xf32, #tpu.memory_space<vmem_shared>> -> memref<10240x128xf32, #tpu.memory_space<vmem_shared>>
        tpu.wait_indirect_dma semaphore(%run_scoped3A : memref<!tpu.dma_semaphore, #tpu.memory_space<semaphore_mem>>) src(%arg9 : memref<80x128xf32, #tpu.memory_space<vmem>>) dst(%dma_wait3A_24 : memref<10240x128xf32, #tpu.memory_space<vmem_shared>>)
        tpu.yield
      }) : () -> ()
    }
    %scan3A_11 = arith.constant 125 : i32
    %barrier3A_12 = arith.constant 0 : index
    tpu.barrier barrier_id(%barrier3A_12)
    %mul3A_13 = arith.constant 640 : i32
    %mul3A_14 = arith.muli %arg1, %mul3A_13 : i32
    %mul3A_15 = arith.constant 640 : i32
    %mul3A_16 = arith.muli %arg1, %mul3A_15 : i32
    "tpu.region"() ({
      %run_scoped3A = tpu.sem_alloc : memref<!tpu.dma_semaphore, #tpu.memory_space<semaphore_mem>>
      %dma_start3A = arith.constant 0 : i32
      %dma_start3A_17 = tpu.memref_slice %arg6[%arg0, %mul3A_16, %dma_start3A] : memref<2x10240x128xf32, #tpu.memory_space<hbm>> -> memref<1x640x128xf32, #tpu.memory_space<hbm>>
      %dma_start3A_18 = tpu.memref_squeeze %dma_start3A_17 : memref<1x640x128xf32, #tpu.memory_space<hbm>> -> memref<640x128xf32, #tpu.memory_space<hbm>>
      %dma_start3A_19 = arith.constant 0 : i32
      %dma_start3A_20 = tpu.memref_slice %arg10[%mul3A_14, %dma_start3A_19] : memref<10240x128xf32, #tpu.memory_space<vmem_shared>> -> memref<640x128xf32, #tpu.memory_space<vmem_shared>>
      tpu.enqueue_dma source(%dma_start3A_20 : memref<640x128xf32, #tpu.memory_space<vmem_shared>>) target(%dma_start3A_18 : memref<640x128xf32, #tpu.memory_space<hbm>>) target_semaphore(%run_scoped3A : memref<!tpu.dma_semaphore, #tpu.memory_space<semaphore_mem>>)
      %dma_wait3A = arith.constant 0 : i32
      %dma_wait3A_21 = tpu.memref_slice %arg6[%arg0, %mul3A_16, %dma_wait3A] : memref<2x10240x128xf32, #tpu.memory_space<hbm>> -> memref<1x640x128xf32, #tpu.memory_space<hbm>>
      %dma_wait3A_22 = tpu.memref_squeeze %dma_wait3A_21 : memref<1x640x128xf32, #tpu.memory_space<hbm>> -> memref<640x128xf32, #tpu.memory_space<hbm>>
      %dma_wait3A_23 = arith.constant 0 : i32
      %dma_wait3A_24 = tpu.memref_slice %arg10[%mul3A_14, %dma_wait3A_23] : memref<10240x128xf32, #tpu.memory_space<vmem_shared>> -> memref<640x128xf32, #tpu.memory_space<vmem_shared>>
      tpu.wait_dma2 semaphore(%run_scoped3A : memref<!tpu.dma_semaphore, #tpu.memory_space<semaphore_mem>>) src(%dma_wait3A_24 : memref<640x128xf32, #tpu.memory_space<vmem_shared>>) dst(%dma_wait3A_22 : memref<640x128xf32, #tpu.memory_space<hbm>>)
      tpu.yield
    }) : () -> ()
    return
  }
}

#map = affine_map<(d0, d1) -> (0)>
#map1 = affine_map<(d0, d1) -> (0, 0)>
module attributes {stable_mosaic.version = 14 : i64} {
  func.func @body(%arg0: i32, %arg1: i32, %arg2: memref<320000xi32, #tpu.memory_space<hbm>>, %arg3: memref<10240xi32, #tpu.memory_space<hbm>>, %arg4: memref<10240xf32, #tpu.memory_space<hbm>>, %arg5: memref<2x10240xf32, #tpu.memory_space<hbm>>, %arg6: memref<2x384xf32, #tpu.memory_space<hbm>>, %arg7: memref<80xi32, #tpu.memory_space<vmem>>, %arg8: memref<80xf32, #tpu.memory_space<vmem>>, %arg9: memref<10240xf32, #tpu.memory_space<vmem_shared>>, %arg10: memref<384xf32, #tpu.memory_space<vmem_shared>>) attributes {dimension_semantics = [#tpu.dimension_semantics<core_parallel>, #tpu.dimension_semantics<subcore_parallel>], iteration_bounds = array<i64: 2, 16>, scalar_prefetch = 0 : i64, scratch_operands = 4 : i64, tpu.core_type = #tpu.core_type<sc_vector_subcore>, window_params = [{transform_indices = #map}, {transform_indices = #map}, {transform_indices = #map}, {transform_indices = #map1}, {transform_indices = #map1}]} {
    %broadcast_in_dim3A = arith.constant 1.000000e+00 : f32
    %broadcast_in_dim3A_0 = vector.broadcast %broadcast_in_dim3A : f32 to vector<16xf32>
    %swap3A = arith.constant 0 : index
    %swap3A_1 = tpu.vector_load %arg8[%swap3A] {strides = array<i32>} : memref<80xf32, #tpu.memory_space<vmem>>, vector<16xf32>,
    %swap3A_2 = vector.shape_cast %swap3A_1 : vector<16xf32> to vector<16xf32>
    %swap3A_3 = vector.shape_cast %broadcast_in_dim3A_0 : vector<16xf32> to vector<16xf32>
    tpu.vector_store %arg8[%swap3A], %swap3A_3 {strides = array<i32>} : memref<80xf32, #tpu.memory_space<vmem>>, vector<16xf32>,
    %broadcast_in_dim3A_4 = arith.constant 1.000000e+00 : f32
    %broadcast_in_dim3A_5 = vector.broadcast %broadcast_in_dim3A_4 : f32 to vector<16xf32>
    %swap3A_6 = arith.constant 16 : index
    %swap3A_7 = tpu.vector_load %arg8[%swap3A_6] {strides = array<i32>} : memref<80xf32, #tpu.memory_space<vmem>>, vector<16xf32>,
    %swap3A_8 = vector.shape_cast %swap3A_7 : vector<16xf32> to vector<16xf32>
    %swap3A_9 = vector.shape_cast %broadcast_in_dim3A_5 : vector<16xf32> to vector<16xf32>
    tpu.vector_store %arg8[%swap3A_6], %swap3A_9 {strides = array<i32>} : memref<80xf32, #tpu.memory_space<vmem>>, vector<16xf32>,
    %broadcast_in_dim3A_10 = arith.constant 1.000000e+00 : f32
    %broadcast_in_dim3A_11 = vector.broadcast %broadcast_in_dim3A_10 : f32 to vector<16xf32>
    %swap3A_12 = arith.constant 32 : index
    %swap3A_13 = tpu.vector_load %arg8[%swap3A_12] {strides = array<i32>} : memref<80xf32, #tpu.memory_space<vmem>>, vector<16xf32>,
    %swap3A_14 = vector.shape_cast %swap3A_13 : vector<16xf32> to vector<16xf32>
    %swap3A_15 = vector.shape_cast %broadcast_in_dim3A_11 : vector<16xf32> to vector<16xf32>
    tpu.vector_store %arg8[%swap3A_12], %swap3A_15 {strides = array<i32>} : memref<80xf32, #tpu.memory_space<vmem>>, vector<16xf32>,
    %broadcast_in_dim3A_16 = arith.constant 1.000000e+00 : f32
    %broadcast_in_dim3A_17 = vector.broadcast %broadcast_in_dim3A_16 : f32 to vector<16xf32>
    %swap3A_18 = arith.constant 48 : index
    %swap3A_19 = tpu.vector_load %arg8[%swap3A_18] {strides = array<i32>} : memref<80xf32, #tpu.memory_space<vmem>>, vector<16xf32>,
    %swap3A_20 = vector.shape_cast %swap3A_19 : vector<16xf32> to vector<16xf32>
    %swap3A_21 = vector.shape_cast %broadcast_in_dim3A_17 : vector<16xf32> to vector<16xf32>
    tpu.vector_store %arg8[%swap3A_18], %swap3A_21 {strides = array<i32>} : memref<80xf32, #tpu.memory_space<vmem>>, vector<16xf32>,
    %broadcast_in_dim3A_22 = arith.constant 1.000000e+00 : f32
    %broadcast_in_dim3A_23 = vector.broadcast %broadcast_in_dim3A_22 : f32 to vector<16xf32>
    %swap3A_24 = arith.constant 64 : index
    %swap3A_25 = tpu.vector_load %arg8[%swap3A_24] {strides = array<i32>} : memref<80xf32, #tpu.memory_space<vmem>>, vector<16xf32>,
    %swap3A_26 = vector.shape_cast %swap3A_25 : vector<16xf32> to vector<16xf32>
    %swap3A_27 = vector.shape_cast %broadcast_in_dim3A_23 : vector<16xf32> to vector<16xf32>
    tpu.vector_store %arg8[%swap3A_24], %swap3A_27 {strides = array<i32>} : memref<80xf32, #tpu.memory_space<vmem>>, vector<16xf32>,
    %mul3A = arith.constant 640 : i32
    %mul3A_28 = arith.muli %arg1, %mul3A : i32
    %mul3A_29 = arith.constant 640 : i32
    %mul3A_30 = arith.muli %arg1, %mul3A_29 : i32
    "tpu.region"() ({
      %run_scoped3A = tpu.sem_alloc : memref<!tpu.dma_semaphore, #tpu.memory_space<semaphore_mem>>
      %dma_start3A = tpu.memref_slice %arg9[%mul3A_30] : memref<10240xf32, #tpu.memory_space<vmem_shared>> -> memref<640xf32, #tpu.memory_space<vmem_shared>>
      %dma_start3A_63 = tpu.memref_slice %arg4[%mul3A_28] : memref<10240xf32, #tpu.memory_space<hbm>> -> memref<640xf32, #tpu.memory_space<hbm>>
      tpu.enqueue_dma source(%dma_start3A_63 : memref<640xf32, #tpu.memory_space<hbm>>) target(%dma_start3A : memref<640xf32, #tpu.memory_space<vmem_shared>>) target_semaphore(%run_scoped3A : memref<!tpu.dma_semaphore, #tpu.memory_space<semaphore_mem>>)
      %dma_wait3A = tpu.memref_slice %arg9[%mul3A_30] : memref<10240xf32, #tpu.memory_space<vmem_shared>> -> memref<640xf32, #tpu.memory_space<vmem_shared>>
      %dma_wait3A_64 = tpu.memref_slice %arg4[%mul3A_28] : memref<10240xf32, #tpu.memory_space<hbm>> -> memref<640xf32, #tpu.memory_space<hbm>>
      tpu.wait_dma2 semaphore(%run_scoped3A : memref<!tpu.dma_semaphore, #tpu.memory_space<semaphore_mem>>) src(%dma_wait3A_64 : memref<640xf32, #tpu.memory_space<hbm>>) dst(%dma_wait3A : memref<640xf32, #tpu.memory_space<vmem_shared>>)
      tpu.yield
    }) : () -> ()
    %eq3A = arith.constant 0 : i32
    %eq3A_31 = arith.cmpi eq, %arg1, %eq3A : i32
    %convert_element_type3A = arith.extui %eq3A_31 : i1 to i32
    %cond3A = arith.constant 0 : i32
    %cond3A_32 = arith.cmpi ne, %convert_element_type3A, %cond3A : i32
    scf.if %cond3A_32 {
      "tpu.region"() ({
        %run_scoped3A = tpu.sem_alloc : memref<!tpu.dma_semaphore, #tpu.memory_space<semaphore_mem>>
        %dma_start3A = arith.constant 0 : i32
        %dma_start3A_63 = tpu.memref_slice %arg4[%dma_start3A] : memref<10240xf32, #tpu.memory_space<hbm>> -> memref<384xf32, #tpu.memory_space<hbm>>
        tpu.enqueue_dma source(%dma_start3A_63 : memref<384xf32, #tpu.memory_space<hbm>>) target(%arg10 : memref<384xf32, #tpu.memory_space<vmem_shared>>) target_semaphore(%run_scoped3A : memref<!tpu.dma_semaphore, #tpu.memory_space<semaphore_mem>>)
        %dma_wait3A = arith.constant 0 : i32
        %dma_wait3A_64 = tpu.memref_slice %arg4[%dma_wait3A] : memref<10240xf32, #tpu.memory_space<hbm>> -> memref<384xf32, #tpu.memory_space<hbm>>
        tpu.wait_dma2 semaphore(%run_scoped3A : memref<!tpu.dma_semaphore, #tpu.memory_space<semaphore_mem>>) src(%dma_wait3A_64 : memref<384xf32, #tpu.memory_space<hbm>>) dst(%arg10 : memref<384xf32, #tpu.memory_space<vmem_shared>>)
        tpu.yield
      }) : () -> ()
    } else {
    }
    %barrier3A = arith.constant 0 : index
    tpu.barrier barrier_id(%barrier3A)
    %mul3A_33 = arith.constant 16 : i32
    %mul3A_34 = arith.muli %arg0, %mul3A_33 : i32
    %add3A = arith.addi %mul3A_34, %arg1 : i32
    %mul3A_35 = arith.constant 10000 : i32
    %mul3A_36 = arith.muli %add3A, %mul3A_35 : i32
    %scan3A = arith.constant 0 : i32
    %scan3A_37 = arith.constant 0 : i32
    %scan3A_38 = arith.constant 125 : i32
    %scan3A_39 = arith.addi %scan3A_37, %scan3A_38 : i32
    %scan3A_40 = arith.constant 1 : i32
    scf.for %scan3A_63 = %scan3A_37 to %scan3A_39 step %scan3A_40  : i32 {
      %mul3A_64 = arith.constant 80 : i32
      %mul3A_65 = arith.muli %scan3A_63, %mul3A_64 : i32
      %add3A_66 = arith.addi %mul3A_36, %mul3A_65 : i32
      %multiple_of3A = tpu.assume_multiple %add3A_66, 8 : i32
      "tpu.region"() ({
        %run_scoped3A = tpu.sem_alloc : memref<!tpu.dma_semaphore, #tpu.memory_space<semaphore_mem>>
        %dma_start3A = tpu.memref_slice %arg2[%multiple_of3A] : memref<320000xi32, #tpu.memory_space<hbm>> -> memref<80xi32, #tpu.memory_space<hbm>>
        %dma_start3A_67 = tpu.memref_slice %arg2[%multiple_of3A] : memref<320000xi32, #tpu.memory_space<hbm>> -> memref<80xi32, #tpu.memory_space<hbm>>
        tpu.enqueue_dma source(%dma_start3A_67 : memref<80xi32, #tpu.memory_space<hbm>>) target(%arg7 : memref<80xi32, #tpu.memory_space<vmem>>) target_semaphore(%run_scoped3A : memref<!tpu.dma_semaphore, #tpu.memory_space<semaphore_mem>>)
        %dma_wait3A = tpu.memref_slice %arg2[%multiple_of3A] : memref<320000xi32, #tpu.memory_space<hbm>> -> memref<80xi32, #tpu.memory_space<hbm>>
        %dma_wait3A_68 = tpu.memref_slice %arg2[%multiple_of3A] : memref<320000xi32, #tpu.memory_space<hbm>> -> memref<80xi32, #tpu.memory_space<hbm>>
        tpu.wait_dma2 semaphore(%run_scoped3A : memref<!tpu.dma_semaphore, #tpu.memory_space<semaphore_mem>>) src(%dma_wait3A_68 : memref<80xi32, #tpu.memory_space<hbm>>) dst(%arg7 : memref<80xi32, #tpu.memory_space<vmem>>)
        tpu.yield
      }) : () -> ()
      "tpu.region"() ({
        %run_scoped3A = tpu.sem_alloc : memref<!tpu.dma_semaphore, #tpu.memory_space<semaphore_mem>>
        %dma_start3A = arith.constant 0 : i32
        %dma_start3A_67 = tpu.memref_slice %arg9[%dma_start3A] : memref<10240xf32, #tpu.memory_space<vmem_shared>> -> memref<10240xf32, #tpu.memory_space<vmem_shared>>
        tpu.enqueue_indirect_dma source(%arg8 : memref<80xf32, #tpu.memory_space<vmem>>) target(%dma_start3A_67 : memref<10240xf32, #tpu.memory_space<vmem_shared>>) offsets(%arg7 : memref<80xi32, #tpu.memory_space<vmem>>) semaphore(%run_scoped3A : memref<!tpu.dma_semaphore, #tpu.memory_space<semaphore_mem>>) {add = true}
        %dma_wait3A = arith.constant 0 : i32
        %dma_wait3A_68 = tpu.memref_slice %arg9[%dma_wait3A] : memref<10240xf32, #tpu.memory_space<vmem_shared>> -> memref<10240xf32, #tpu.memory_space<vmem_shared>>
        tpu.wait_indirect_dma semaphore(%run_scoped3A : memref<!tpu.dma_semaphore, #tpu.memory_space<semaphore_mem>>) src(%arg8 : memref<80xf32, #tpu.memory_space<vmem>>) dst(%dma_wait3A_68 : memref<10240xf32, #tpu.memory_space<vmem_shared>>)
        tpu.yield
      }) : () -> ()
    }
    %scan3A_41 = arith.constant 125 : i32
    %mul3A_42 = arith.constant 16 : i32
    %mul3A_43 = arith.muli %arg0, %mul3A_42 : i32
    %add3A_44 = arith.addi %mul3A_43, %arg1 : i32
    %mul3A_45 = arith.constant 320 : i32
    %mul3A_46 = arith.muli %add3A_44, %mul3A_45 : i32
    %scan3A_47 = arith.constant 0 : i32
    %scan3A_48 = arith.constant 0 : i32
    %scan3A_49 = arith.constant 4 : i32
    %scan3A_50 = arith.addi %scan3A_48, %scan3A_49 : i32
    %scan3A_51 = arith.constant 1 : i32
    scf.for %scan3A_63 = %scan3A_48 to %scan3A_50 step %scan3A_51  : i32 {
      %mul3A_64 = arith.constant 80 : i32
      %mul3A_65 = arith.muli %scan3A_63, %mul3A_64 : i32
      %add3A_66 = arith.addi %mul3A_46, %mul3A_65 : i32
      %multiple_of3A = tpu.assume_multiple %add3A_66, 8 : i32
      "tpu.region"() ({
        %run_scoped3A = tpu.sem_alloc : memref<!tpu.dma_semaphore, #tpu.memory_space<semaphore_mem>>
        %dma_start3A = tpu.memref_slice %arg3[%multiple_of3A] : memref<10240xi32, #tpu.memory_space<hbm>> -> memref<80xi32, #tpu.memory_space<hbm>>
        %dma_start3A_67 = tpu.memref_slice %arg3[%multiple_of3A] : memref<10240xi32, #tpu.memory_space<hbm>> -> memref<80xi32, #tpu.memory_space<hbm>>
        tpu.enqueue_dma source(%dma_start3A_67 : memref<80xi32, #tpu.memory_space<hbm>>) target(%arg7 : memref<80xi32, #tpu.memory_space<vmem>>) target_semaphore(%run_scoped3A : memref<!tpu.dma_semaphore, #tpu.memory_space<semaphore_mem>>)
        %dma_wait3A = tpu.memref_slice %arg3[%multiple_of3A] : memref<10240xi32, #tpu.memory_space<hbm>> -> memref<80xi32, #tpu.memory_space<hbm>>
        %dma_wait3A_68 = tpu.memref_slice %arg3[%multiple_of3A] : memref<10240xi32, #tpu.memory_space<hbm>> -> memref<80xi32, #tpu.memory_space<hbm>>
        tpu.wait_dma2 semaphore(%run_scoped3A : memref<!tpu.dma_semaphore, #tpu.memory_space<semaphore_mem>>) src(%dma_wait3A_68 : memref<80xi32, #tpu.memory_space<hbm>>) dst(%arg7 : memref<80xi32, #tpu.memory_space<vmem>>)
        tpu.yield
      }) : () -> ()
      "tpu.region"() ({
        %run_scoped3A = tpu.sem_alloc : memref<!tpu.dma_semaphore, #tpu.memory_space<semaphore_mem>>
        %dma_start3A = arith.constant 0 : i32
        %dma_start3A_67 = tpu.memref_slice %arg10[%dma_start3A] : memref<384xf32, #tpu.memory_space<vmem_shared>> -> memref<384xf32, #tpu.memory_space<vmem_shared>>
        tpu.enqueue_indirect_dma source(%arg8 : memref<80xf32, #tpu.memory_space<vmem>>) target(%dma_start3A_67 : memref<384xf32, #tpu.memory_space<vmem_shared>>) offsets(%arg7 : memref<80xi32, #tpu.memory_space<vmem>>) semaphore(%run_scoped3A : memref<!tpu.dma_semaphore, #tpu.memory_space<semaphore_mem>>) {add = true}
        %dma_wait3A = arith.constant 0 : i32
        %dma_wait3A_68 = tpu.memref_slice %arg10[%dma_wait3A] : memref<384xf32, #tpu.memory_space<vmem_shared>> -> memref<384xf32, #tpu.memory_space<vmem_shared>>
        tpu.wait_indirect_dma semaphore(%run_scoped3A : memref<!tpu.dma_semaphore, #tpu.memory_space<semaphore_mem>>) src(%arg8 : memref<80xf32, #tpu.memory_space<vmem>>) dst(%dma_wait3A_68 : memref<384xf32, #tpu.memory_space<vmem_shared>>)
        tpu.yield
      }) : () -> ()
    }
    %scan3A_52 = arith.constant 4 : i32
    %barrier3A_53 = arith.constant 0 : index
    tpu.barrier barrier_id(%barrier3A_53)
    %mul3A_54 = arith.constant 640 : i32
    %mul3A_55 = arith.muli %arg1, %mul3A_54 : i32
    %mul3A_56 = arith.constant 640 : i32
    %mul3A_57 = arith.muli %arg1, %mul3A_56 : i32
    "tpu.region"() ({
      %run_scoped3A = tpu.sem_alloc : memref<!tpu.dma_semaphore, #tpu.memory_space<semaphore_mem>>
      %dma_start3A = tpu.memref_slice %arg5[%arg0, %mul3A_57] : memref<2x10240xf32, #tpu.memory_space<hbm>> -> memref<1x640xf32, #tpu.memory_space<hbm>>
      %dma_start3A_63 = tpu.memref_squeeze %dma_start3A : memref<1x640xf32, #tpu.memory_space<hbm>> -> memref<640xf32, #tpu.memory_space<hbm>>
      %dma_start3A_64 = tpu.memref_slice %arg9[%mul3A_55] : memref<10240xf32, #tpu.memory_space<vmem_shared>> -> memref<640xf32, #tpu.memory_space<vmem_shared>>
      tpu.enqueue_dma source(%dma_start3A_64 : memref<640xf32, #tpu.memory_space<vmem_shared>>) target(%dma_start3A_63 : memref<640xf32, #tpu.memory_space<hbm>>) target_semaphore(%run_scoped3A : memref<!tpu.dma_semaphore, #tpu.memory_space<semaphore_mem>>)
      %dma_wait3A = tpu.memref_slice %arg5[%arg0, %mul3A_57] : memref<2x10240xf32, #tpu.memory_space<hbm>> -> memref<1x640xf32, #tpu.memory_space<hbm>>
      %dma_wait3A_65 = tpu.memref_squeeze %dma_wait3A : memref<1x640xf32, #tpu.memory_space<hbm>> -> memref<640xf32, #tpu.memory_space<hbm>>
      %dma_wait3A_66 = tpu.memref_slice %arg9[%mul3A_55] : memref<10240xf32, #tpu.memory_space<vmem_shared>> -> memref<640xf32, #tpu.memory_space<vmem_shared>>
      tpu.wait_dma2 semaphore(%run_scoped3A : memref<!tpu.dma_semaphore, #tpu.memory_space<semaphore_mem>>) src(%dma_wait3A_66 : memref<640xf32, #tpu.memory_space<vmem_shared>>) dst(%dma_wait3A_65 : memref<640xf32, #tpu.memory_space<hbm>>)
      tpu.yield
    }) : () -> ()
    %eq3A_58 = arith.constant 0 : i32
    %eq3A_59 = arith.cmpi eq, %arg1, %eq3A_58 : i32
    %convert_element_type3A_60 = arith.extui %eq3A_59 : i1 to i32
    %cond3A_61 = arith.constant 0 : i32
    %cond3A_62 = arith.cmpi ne, %convert_element_type3A_60, %cond3A_61 : i32
    scf.if %cond3A_62 {
      "tpu.region"() ({
        %run_scoped3A = tpu.sem_alloc : memref<!tpu.dma_semaphore, #tpu.memory_space<semaphore_mem>>
        %dma_start3A = arith.constant 0 : i32
        %dma_start3A_63 = tpu.memref_slice %arg6[%arg0, %dma_start3A] : memref<2x384xf32, #tpu.memory_space<hbm>> -> memref<1x384xf32, #tpu.memory_space<hbm>>
        %dma_start3A_64 = tpu.memref_squeeze %dma_start3A_63 : memref<1x384xf32, #tpu.memory_space<hbm>> -> memref<384xf32, #tpu.memory_space<hbm>>
        tpu.enqueue_dma source(%arg10 : memref<384xf32, #tpu.memory_space<vmem_shared>>) target(%dma_start3A_64 : memref<384xf32, #tpu.memory_space<hbm>>) target_semaphore(%run_scoped3A : memref<!tpu.dma_semaphore, #tpu.memory_space<semaphore_mem>>)
        %dma_wait3A = arith.constant 0 : i32
        %dma_wait3A_65 = tpu.memref_slice %arg6[%arg0, %dma_wait3A] : memref<2x384xf32, #tpu.memory_space<hbm>> -> memref<1x384xf32, #tpu.memory_space<hbm>>
        %dma_wait3A_66 = tpu.memref_squeeze %dma_wait3A_65 : memref<1x384xf32, #tpu.memory_space<hbm>> -> memref<384xf32, #tpu.memory_space<hbm>>
        tpu.wait_dma2 semaphore(%run_scoped3A : memref<!tpu.dma_semaphore, #tpu.memory_space<semaphore_mem>>) src(%arg10 : memref<384xf32, #tpu.memory_space<vmem_shared>>) dst(%dma_wait3A_66 : memref<384xf32, #tpu.memory_space<hbm>>)
        tpu.yield
      }) : () -> ()
    } else {
    }
    return
  }
}

#map = affine_map<(d0, d1) -> (0, 0)>
#map1 = affine_map<(d0, d1) -> (0)>
#map2 = affine_map<(d0, d1) -> (0, 0, 0)>
module attributes {stable_mosaic.version = 14 : i64} {
  func.func @body(%arg0: i32, %arg1: i32, %arg2: memref<10240x128xf32, #tpu.memory_space<hbm>>, %arg3: memref<320000xi32, #tpu.memory_space<hbm>>, %arg4: memref<320000xi32, #tpu.memory_space<hbm>>, %arg5: memref<10240x128xf32, #tpu.memory_space<hbm>>, %arg6: memref<2x10240x128xf32, #tpu.memory_space<hbm>>, %arg7: memref<80xi32, #tpu.memory_space<vmem>>, %arg8: memref<80xi32, #tpu.memory_space<vmem>>, %arg9: memref<80x128xf32, #tpu.memory_space<vmem>>, %arg10: memref<10240x128xf32, #tpu.memory_space<vmem_shared>>) attributes {dimension_semantics = [#tpu.dimension_semantics<core_parallel>, #tpu.dimension_semantics<subcore_parallel>], iteration_bounds = array<i64: 2, 16>, scalar_prefetch = 0 : i64, scratch_operands = 4 : i64, tpu.core_type = #tpu.core_type<sc_vector_subcore>, window_params = [{transform_indices = #map}, {transform_indices = #map1}, {transform_indices = #map1}, {transform_indices = #map}, {transform_indices = #map2}]} {
    %mul3A = arith.constant 640 : i32
    %mul3A_0 = arith.muli %arg1, %mul3A : i32
    %mul3A_1 = arith.constant 640 : i32
    %mul3A_2 = arith.muli %arg1, %mul3A_1 : i32
    "tpu.region"() ({
      %run_scoped3A = tpu.sem_alloc : memref<!tpu.dma_semaphore, #tpu.memory_space<semaphore_mem>>
      %dma_start3A = arith.constant 0 : i32
      %dma_start3A_17 = tpu.memref_slice %arg10[%mul3A_2, %dma_start3A] : memref<10240x128xf32, #tpu.memory_space<vmem_shared>> -> memref<640x128xf32, #tpu.memory_space<vmem_shared>>
      %dma_start3A_18 = arith.constant 0 : i32
      %dma_start3A_19 = tpu.memref_slice %arg5[%mul3A_0, %dma_start3A_18] : memref<10240x128xf32, #tpu.memory_space<hbm>> -> memref<640x128xf32, #tpu.memory_space<hbm>>
      tpu.enqueue_dma source(%dma_start3A_19 : memref<640x128xf32, #tpu.memory_space<hbm>>) target(%dma_start3A_17 : memref<640x128xf32, #tpu.memory_space<vmem_shared>>) target_semaphore(%run_scoped3A : memref<!tpu.dma_semaphore, #tpu.memory_space<semaphore_mem>>)
      %dma_wait3A = arith.constant 0 : i32
      %dma_wait3A_20 = tpu.memref_slice %arg10[%mul3A_2, %dma_wait3A] : memref<10240x128xf32, #tpu.memory_space<vmem_shared>> -> memref<640x128xf32, #tpu.memory_space<vmem_shared>>
      %dma_wait3A_21 = arith.constant 0 : i32
      %dma_wait3A_22 = tpu.memref_slice %arg5[%mul3A_0, %dma_wait3A_21] : memref<10240x128xf32, #tpu.memory_space<hbm>> -> memref<640x128xf32, #tpu.memory_space<hbm>>
      tpu.wait_dma2 semaphore(%run_scoped3A : memref<!tpu.dma_semaphore, #tpu.memory_space<semaphore_mem>>) src(%dma_wait3A_22 : memref<640x128xf32, #tpu.memory_space<hbm>>) dst(%dma_wait3A_20 : memref<640x128xf32, #tpu.memory_space<vmem_shared>>)
      tpu.yield
    }) : () -> ()
    %barrier3A = arith.constant 0 : index
    tpu.barrier barrier_id(%barrier3A)
    %mul3A_3 = arith.constant 16 : i32
    %mul3A_4 = arith.muli %arg0, %mul3A_3 : i32
    %add3A = arith.addi %mul3A_4, %arg1 : i32
    %mul3A_5 = arith.constant 10000 : i32
    %mul3A_6 = arith.muli %add3A, %mul3A_5 : i32
    %scan3A = arith.constant 0 : i32
    %scan3A_7 = arith.constant 0 : i32
    %scan3A_8 = arith.constant 125 : i32
    %scan3A_9 = arith.addi %scan3A_7, %scan3A_8 : i32
    %scan3A_10 = arith.constant 1 : i32
    scf.for %scan3A_17 = %scan3A_7 to %scan3A_9 step %scan3A_10  : i32 {
      %mul3A_18 = arith.constant 80 : i32
      %mul3A_19 = arith.muli %scan3A_17, %mul3A_18 : i32
      %add3A_20 = arith.addi %mul3A_6, %mul3A_19 : i32
      %multiple_of3A = tpu.assume_multiple %add3A_20, 8 : i32
      "tpu.region"() ({
        %run_scoped3A = tpu.sem_alloc : memref<!tpu.dma_semaphore, #tpu.memory_space<semaphore_mem>>
        %dma_start3A = tpu.memref_slice %arg3[%multiple_of3A] : memref<320000xi32, #tpu.memory_space<hbm>> -> memref<80xi32, #tpu.memory_space<hbm>>
        %dma_start3A_21 = tpu.memref_slice %arg3[%multiple_of3A] : memref<320000xi32, #tpu.memory_space<hbm>> -> memref<80xi32, #tpu.memory_space<hbm>>
        tpu.enqueue_dma source(%dma_start3A_21 : memref<80xi32, #tpu.memory_space<hbm>>) target(%arg7 : memref<80xi32, #tpu.memory_space<vmem>>) target_semaphore(%run_scoped3A : memref<!tpu.dma_semaphore, #tpu.memory_space<semaphore_mem>>)
        %dma_wait3A = tpu.memref_slice %arg3[%multiple_of3A] : memref<320000xi32, #tpu.memory_space<hbm>> -> memref<80xi32, #tpu.memory_space<hbm>>
        %dma_wait3A_22 = tpu.memref_slice %arg3[%multiple_of3A] : memref<320000xi32, #tpu.memory_space<hbm>> -> memref<80xi32, #tpu.memory_space<hbm>>
        tpu.wait_dma2 semaphore(%run_scoped3A : memref<!tpu.dma_semaphore, #tpu.memory_space<semaphore_mem>>) src(%dma_wait3A_22 : memref<80xi32, #tpu.memory_space<hbm>>) dst(%arg7 : memref<80xi32, #tpu.memory_space<vmem>>)
        tpu.yield
      }) : () -> ()
      "tpu.region"() ({
        %run_scoped3A = tpu.sem_alloc : memref<!tpu.dma_semaphore, #tpu.memory_space<semaphore_mem>>
        %dma_start3A = tpu.memref_slice %arg4[%multiple_of3A] : memref<320000xi32, #tpu.memory_space<hbm>> -> memref<80xi32, #tpu.memory_space<hbm>>
        %dma_start3A_21 = tpu.memref_slice %arg4[%multiple_of3A] : memref<320000xi32, #tpu.memory_space<hbm>> -> memref<80xi32, #tpu.memory_space<hbm>>
        tpu.enqueue_dma source(%dma_start3A_21 : memref<80xi32, #tpu.memory_space<hbm>>) target(%arg8 : memref<80xi32, #tpu.memory_space<vmem>>) target_semaphore(%run_scoped3A : memref<!tpu.dma_semaphore, #tpu.memory_space<semaphore_mem>>)
        %dma_wait3A = tpu.memref_slice %arg4[%multiple_of3A] : memref<320000xi32, #tpu.memory_space<hbm>> -> memref<80xi32, #tpu.memory_space<hbm>>
        %dma_wait3A_22 = tpu.memref_slice %arg4[%multiple_of3A] : memref<320000xi32, #tpu.memory_space<hbm>> -> memref<80xi32, #tpu.memory_space<hbm>>
        tpu.wait_dma2 semaphore(%run_scoped3A : memref<!tpu.dma_semaphore, #tpu.memory_space<semaphore_mem>>) src(%dma_wait3A_22 : memref<80xi32, #tpu.memory_space<hbm>>) dst(%arg8 : memref<80xi32, #tpu.memory_space<vmem>>)
        tpu.yield
      }) : () -> ()
      "tpu.region"() ({
        %run_scoped3A = tpu.sem_alloc : memref<!tpu.dma_semaphore, #tpu.memory_space<semaphore_mem>>
        %dma_start3A = arith.constant 0 : i32
        %dma_start3A_21 = arith.constant 0 : i32
        %dma_start3A_22 = tpu.memref_slice %arg2[%dma_start3A, %dma_start3A_21] : memref<10240x128xf32, #tpu.memory_space<hbm>> -> memref<10240x128xf32, #tpu.memory_space<hbm>>
        tpu.enqueue_indirect_dma source(%dma_start3A_22 : memref<10240x128xf32, #tpu.memory_space<hbm>>) target(%arg9 : memref<80x128xf32, #tpu.memory_space<vmem>>) offsets(%arg7 : memref<80xi32, #tpu.memory_space<vmem>>) semaphore(%run_scoped3A : memref<!tpu.dma_semaphore, #tpu.memory_space<semaphore_mem>>)
        %dma_wait3A = arith.constant 0 : i32
        %dma_wait3A_23 = arith.constant 0 : i32
        %dma_wait3A_24 = tpu.memref_slice %arg2[%dma_wait3A, %dma_wait3A_23] : memref<10240x128xf32, #tpu.memory_space<hbm>> -> memref<10240x128xf32, #tpu.memory_space<hbm>>
        tpu.wait_indirect_dma semaphore(%run_scoped3A : memref<!tpu.dma_semaphore, #tpu.memory_space<semaphore_mem>>) src(%dma_wait3A_24 : memref<10240x128xf32, #tpu.memory_space<hbm>>) dst(%arg9 : memref<80x128xf32, #tpu.memory_space<vmem>>)
        tpu.yield
      }) : () -> ()
      "tpu.region"() ({
        %run_scoped3A = tpu.sem_alloc : memref<!tpu.dma_semaphore, #tpu.memory_space<semaphore_mem>>
        %dma_start3A = arith.constant 0 : i32
        %dma_start3A_21 = arith.constant 0 : i32
        %dma_start3A_22 = tpu.memref_slice %arg10[%dma_start3A, %dma_start3A_21] : memref<10240x128xf32, #tpu.memory_space<vmem_shared>> -> memref<10240x128xf32, #tpu.memory_space<vmem_shared>>
        tpu.enqueue_indirect_dma source(%arg9 : memref<80x128xf32, #tpu.memory_space<vmem>>) target(%dma_start3A_22 : memref<10240x128xf32, #tpu.memory_space<vmem_shared>>) offsets(%arg8 : memref<80xi32, #tpu.memory_space<vmem>>) semaphore(%run_scoped3A : memref<!tpu.dma_semaphore, #tpu.memory_space<semaphore_mem>>) {add = true}
        %dma_wait3A = arith.constant 0 : i32
        %dma_wait3A_23 = arith.constant 0 : i32
        %dma_wait3A_24 = tpu.memref_slice %arg10[%dma_wait3A, %dma_wait3A_23] : memref<10240x128xf32, #tpu.memory_space<vmem_shared>> -> memref<10240x128xf32, #tpu.memory_space<vmem_shared>>
        tpu.wait_indirect_dma semaphore(%run_scoped3A : memref<!tpu.dma_semaphore, #tpu.memory_space<semaphore_mem>>) src(%arg9 : memref<80x128xf32, #tpu.memory_space<vmem>>) dst(%dma_wait3A_24 : memref<10240x128xf32, #tpu.memory_space<vmem_shared>>)
        tpu.yield
      }) : () -> ()
    }
    %scan3A_11 = arith.constant 125 : i32
    %barrier3A_12 = arith.constant 0 : index
    tpu.barrier barrier_id(%barrier3A_12)
    %mul3A_13 = arith.constant 640 : i32
    %mul3A_14 = arith.muli %arg1, %mul3A_13 : i32
    %mul3A_15 = arith.constant 640 : i32
    %mul3A_16 = arith.muli %arg1, %mul3A_15 : i32
    "tpu.region"() ({
      %run_scoped3A = tpu.sem_alloc : memref<!tpu.dma_semaphore, #tpu.memory_space<semaphore_mem>>
      %dma_start3A = arith.constant 0 : i32
      %dma_start3A_17 = tpu.memref_slice %arg6[%arg0, %mul3A_16, %dma_start3A] : memref<2x10240x128xf32, #tpu.memory_space<hbm>> -> memref<1x640x128xf32, #tpu.memory_space<hbm>>
      %dma_start3A_18 = tpu.memref_squeeze %dma_start3A_17 : memref<1x640x128xf32, #tpu.memory_space<hbm>> -> memref<640x128xf32, #tpu.memory_space<hbm>>
      %dma_start3A_19 = arith.constant 0 : i32
      %dma_start3A_20 = tpu.memref_slice %arg10[%mul3A_14, %dma_start3A_19] : memref<10240x128xf32, #tpu.memory_space<vmem_shared>> -> memref<640x128xf32, #tpu.memory_space<vmem_shared>>
      tpu.enqueue_dma source(%dma_start3A_20 : memref<640x128xf32, #tpu.memory_space<vmem_shared>>) target(%dma_start3A_18 : memref<640x128xf32, #tpu.memory_space<hbm>>) target_semaphore(%run_scoped3A : memref<!tpu.dma_semaphore, #tpu.memory_space<semaphore_mem>>)
      %dma_wait3A = arith.constant 0 : i32
      %dma_wait3A_21 = tpu.memref_slice %arg6[%arg0, %mul3A_16, %dma_wait3A] : memref<2x10240x128xf32, #tpu.memory_space<hbm>> -> memref<1x640x128xf32, #tpu.memory_space<hbm>>
      %dma_wait3A_22 = tpu.memref_squeeze %dma_wait3A_21 : memref<1x640x128xf32, #tpu.memory_space<hbm>> -> memref<640x128xf32, #tpu.memory_space<hbm>>
      %dma_wait3A_23 = arith.constant 0 : i32
      %dma_wait3A_24 = tpu.memref_slice %arg10[%mul3A_14, %dma_wait3A_23] : memref<10240x128xf32, #tpu.memory_space<vmem_shared>> -> memref<640x128xf32, #tpu.memory_space<vmem_shared>>
      tpu.wait_dma2 semaphore(%run_scoped3A : memref<!tpu.dma_semaphore, #tpu.memory_space<semaphore_mem>>) src(%dma_wait3A_24 : memref<640x128xf32, #tpu.memory_space<vmem_shared>>) dst(%dma_wait3A_22 : memref<640x128xf32, #tpu.memory_space<hbm>>)
      tpu.yield
    }) : () -> ()
    return
  }
}

#map = affine_map<(d0, d1) -> (0, 0)>
#map1 = affine_map<(d0, d1) -> (0)>
#map2 = affine_map<(d0, d1) -> (0, 0, 0)>
module attributes {stable_mosaic.version = 14 : i64} {
  func.func @body(%arg0: i32, %arg1: i32, %arg2: memref<10240x128xf32, #tpu.memory_space<hbm>>, %arg3: memref<320000xi32, #tpu.memory_space<hbm>>, %arg4: memref<320000xi32, #tpu.memory_space<hbm>>, %arg5: memref<10240x128xf32, #tpu.memory_space<hbm>>, %arg6: memref<2x10240x128xf32, #tpu.memory_space<hbm>>, %arg7: memref<80xi32, #tpu.memory_space<vmem>>, %arg8: memref<80xi32, #tpu.memory_space<vmem>>, %arg9: memref<80x128xf32, #tpu.memory_space<vmem>>, %arg10: memref<10240x128xf32, #tpu.memory_space<vmem_shared>>) attributes {dimension_semantics = [#tpu.dimension_semantics<core_parallel>, #tpu.dimension_semantics<subcore_parallel>], iteration_bounds = array<i64: 2, 16>, scalar_prefetch = 0 : i64, scratch_operands = 4 : i64, tpu.core_type = #tpu.core_type<sc_vector_subcore>, window_params = [{transform_indices = #map}, {transform_indices = #map1}, {transform_indices = #map1}, {transform_indices = #map}, {transform_indices = #map2}]} {
    %mul3A = arith.constant 640 : i32
    %mul3A_0 = arith.muli %arg1, %mul3A : i32
    %mul3A_1 = arith.constant 640 : i32
    %mul3A_2 = arith.muli %arg1, %mul3A_1 : i32
    "tpu.region"() ({
      %run_scoped3A = tpu.sem_alloc : memref<!tpu.dma_semaphore, #tpu.memory_space<semaphore_mem>>
      %dma_start3A = arith.constant 0 : i32
      %dma_start3A_17 = tpu.memref_slice %arg10[%mul3A_2, %dma_start3A] : memref<10240x128xf32, #tpu.memory_space<vmem_shared>> -> memref<640x128xf32, #tpu.memory_space<vmem_shared>>
      %dma_start3A_18 = arith.constant 0 : i32
      %dma_start3A_19 = tpu.memref_slice %arg5[%mul3A_0, %dma_start3A_18] : memref<10240x128xf32, #tpu.memory_space<hbm>> -> memref<640x128xf32, #tpu.memory_space<hbm>>
      tpu.enqueue_dma source(%dma_start3A_19 : memref<640x128xf32, #tpu.memory_space<hbm>>) target(%dma_start3A_17 : memref<640x128xf32, #tpu.memory_space<vmem_shared>>) target_semaphore(%run_scoped3A : memref<!tpu.dma_semaphore, #tpu.memory_space<semaphore_mem>>)
      %dma_wait3A = arith.constant 0 : i32
      %dma_wait3A_20 = tpu.memref_slice %arg10[%mul3A_2, %dma_wait3A] : memref<10240x128xf32, #tpu.memory_space<vmem_shared>> -> memref<640x128xf32, #tpu.memory_space<vmem_shared>>
      %dma_wait3A_21 = arith.constant 0 : i32
      %dma_wait3A_22 = tpu.memref_slice %arg5[%mul3A_0, %dma_wait3A_21] : memref<10240x128xf32, #tpu.memory_space<hbm>> -> memref<640x128xf32, #tpu.memory_space<hbm>>
      tpu.wait_dma2 semaphore(%run_scoped3A : memref<!tpu.dma_semaphore, #tpu.memory_space<semaphore_mem>>) src(%dma_wait3A_22 : memref<640x128xf32, #tpu.memory_space<hbm>>) dst(%dma_wait3A_20 : memref<640x128xf32, #tpu.memory_space<vmem_shared>>)
      tpu.yield
    }) : () -> ()
    %barrier3A = arith.constant 0 : index
    tpu.barrier barrier_id(%barrier3A)
    %mul3A_3 = arith.constant 16 : i32
    %mul3A_4 = arith.muli %arg0, %mul3A_3 : i32
    %add3A = arith.addi %mul3A_4, %arg1 : i32
    %mul3A_5 = arith.constant 10000 : i32
    %mul3A_6 = arith.muli %add3A, %mul3A_5 : i32
    %scan3A = arith.constant 0 : i32
    %scan3A_7 = arith.constant 0 : i32
    %scan3A_8 = arith.constant 125 : i32
    %scan3A_9 = arith.addi %scan3A_7, %scan3A_8 : i32
    %scan3A_10 = arith.constant 1 : i32
    scf.for %scan3A_17 = %scan3A_7 to %scan3A_9 step %scan3A_10  : i32 {
      %mul3A_18 = arith.constant 80 : i32
      %mul3A_19 = arith.muli %scan3A_17, %mul3A_18 : i32
      %add3A_20 = arith.addi %mul3A_6, %mul3A_19 : i32
      %multiple_of3A = tpu.assume_multiple %add3A_20, 8 : i32
      "tpu.region"() ({
        %run_scoped3A = tpu.sem_alloc : memref<!tpu.dma_semaphore, #tpu.memory_space<semaphore_mem>>
        %dma_start3A = tpu.memref_slice %arg3[%multiple_of3A] : memref<320000xi32, #tpu.memory_space<hbm>> -> memref<80xi32, #tpu.memory_space<hbm>>
        %dma_start3A_21 = tpu.memref_slice %arg3[%multiple_of3A] : memref<320000xi32, #tpu.memory_space<hbm>> -> memref<80xi32, #tpu.memory_space<hbm>>
        tpu.enqueue_dma source(%dma_start3A_21 : memref<80xi32, #tpu.memory_space<hbm>>) target(%arg7 : memref<80xi32, #tpu.memory_space<vmem>>) target_semaphore(%run_scoped3A : memref<!tpu.dma_semaphore, #tpu.memory_space<semaphore_mem>>)
        %dma_wait3A = tpu.memref_slice %arg3[%multiple_of3A] : memref<320000xi32, #tpu.memory_space<hbm>> -> memref<80xi32, #tpu.memory_space<hbm>>
        %dma_wait3A_22 = tpu.memref_slice %arg3[%multiple_of3A] : memref<320000xi32, #tpu.memory_space<hbm>> -> memref<80xi32, #tpu.memory_space<hbm>>
        tpu.wait_dma2 semaphore(%run_scoped3A : memref<!tpu.dma_semaphore, #tpu.memory_space<semaphore_mem>>) src(%dma_wait3A_22 : memref<80xi32, #tpu.memory_space<hbm>>) dst(%arg7 : memref<80xi32, #tpu.memory_space<vmem>>)
        tpu.yield
      }) : () -> ()
      "tpu.region"() ({
        %run_scoped3A = tpu.sem_alloc : memref<!tpu.dma_semaphore, #tpu.memory_space<semaphore_mem>>
        %dma_start3A = tpu.memref_slice %arg4[%multiple_of3A] : memref<320000xi32, #tpu.memory_space<hbm>> -> memref<80xi32, #tpu.memory_space<hbm>>
        %dma_start3A_21 = tpu.memref_slice %arg4[%multiple_of3A] : memref<320000xi32, #tpu.memory_space<hbm>> -> memref<80xi32, #tpu.memory_space<hbm>>
        tpu.enqueue_dma source(%dma_start3A_21 : memref<80xi32, #tpu.memory_space<hbm>>) target(%arg8 : memref<80xi32, #tpu.memory_space<vmem>>) target_semaphore(%run_scoped3A : memref<!tpu.dma_semaphore, #tpu.memory_space<semaphore_mem>>)
        %dma_wait3A = tpu.memref_slice %arg4[%multiple_of3A] : memref<320000xi32, #tpu.memory_space<hbm>> -> memref<80xi32, #tpu.memory_space<hbm>>
        %dma_wait3A_22 = tpu.memref_slice %arg4[%multiple_of3A] : memref<320000xi32, #tpu.memory_space<hbm>> -> memref<80xi32, #tpu.memory_space<hbm>>
        tpu.wait_dma2 semaphore(%run_scoped3A : memref<!tpu.dma_semaphore, #tpu.memory_space<semaphore_mem>>) src(%dma_wait3A_22 : memref<80xi32, #tpu.memory_space<hbm>>) dst(%arg8 : memref<80xi32, #tpu.memory_space<vmem>>)
        tpu.yield
      }) : () -> ()
      "tpu.region"() ({
        %run_scoped3A = tpu.sem_alloc : memref<!tpu.dma_semaphore, #tpu.memory_space<semaphore_mem>>
        %dma_start3A = arith.constant 0 : i32
        %dma_start3A_21 = arith.constant 0 : i32
        %dma_start3A_22 = tpu.memref_slice %arg2[%dma_start3A, %dma_start3A_21] : memref<10240x128xf32, #tpu.memory_space<hbm>> -> memref<10240x128xf32, #tpu.memory_space<hbm>>
        tpu.enqueue_indirect_dma source(%dma_start3A_22 : memref<10240x128xf32, #tpu.memory_space<hbm>>) target(%arg9 : memref<80x128xf32, #tpu.memory_space<vmem>>) offsets(%arg7 : memref<80xi32, #tpu.memory_space<vmem>>) semaphore(%run_scoped3A : memref<!tpu.dma_semaphore, #tpu.memory_space<semaphore_mem>>)
        %dma_wait3A = arith.constant 0 : i32
        %dma_wait3A_23 = arith.constant 0 : i32
        %dma_wait3A_24 = tpu.memref_slice %arg2[%dma_wait3A, %dma_wait3A_23] : memref<10240x128xf32, #tpu.memory_space<hbm>> -> memref<10240x128xf32, #tpu.memory_space<hbm>>
        tpu.wait_indirect_dma semaphore(%run_scoped3A : memref<!tpu.dma_semaphore, #tpu.memory_space<semaphore_mem>>) src(%dma_wait3A_24 : memref<10240x128xf32, #tpu.memory_space<hbm>>) dst(%arg9 : memref<80x128xf32, #tpu.memory_space<vmem>>)
        tpu.yield
      }) : () -> ()
      "tpu.region"() ({
        %run_scoped3A = tpu.sem_alloc : memref<!tpu.dma_semaphore, #tpu.memory_space<semaphore_mem>>
        %dma_start3A = arith.constant 0 : i32
        %dma_start3A_21 = arith.constant 0 : i32
        %dma_start3A_22 = tpu.memref_slice %arg10[%dma_start3A, %dma_start3A_21] : memref<10240x128xf32, #tpu.memory_space<vmem_shared>> -> memref<10240x128xf32, #tpu.memory_space<vmem_shared>>
        tpu.enqueue_indirect_dma source(%arg9 : memref<80x128xf32, #tpu.memory_space<vmem>>) target(%dma_start3A_22 : memref<10240x128xf32, #tpu.memory_space<vmem_shared>>) offsets(%arg8 : memref<80xi32, #tpu.memory_space<vmem>>) semaphore(%run_scoped3A : memref<!tpu.dma_semaphore, #tpu.memory_space<semaphore_mem>>) {add = true}
        %dma_wait3A = arith.constant 0 : i32
        %dma_wait3A_23 = arith.constant 0 : i32
        %dma_wait3A_24 = tpu.memref_slice %arg10[%dma_wait3A, %dma_wait3A_23] : memref<10240x128xf32, #tpu.memory_space<vmem_shared>> -> memref<10240x128xf32, #tpu.memory_space<vmem_shared>>
        tpu.wait_indirect_dma semaphore(%run_scoped3A : memref<!tpu.dma_semaphore, #tpu.memory_space<semaphore_mem>>) src(%arg9 : memref<80x128xf32, #tpu.memory_space<vmem>>) dst(%dma_wait3A_24 : memref<10240x128xf32, #tpu.memory_space<vmem_shared>>)
        tpu.yield
      }) : () -> ()
    }
    %scan3A_11 = arith.constant 125 : i32
    %barrier3A_12 = arith.constant 0 : index
    tpu.barrier barrier_id(%barrier3A_12)
    %mul3A_13 = arith.constant 640 : i32
    %mul3A_14 = arith.muli %arg1, %mul3A_13 : i32
    %mul3A_15 = arith.constant 640 : i32
    %mul3A_16 = arith.muli %arg1, %mul3A_15 : i32
    "tpu.region"() ({
      %run_scoped3A = tpu.sem_alloc : memref<!tpu.dma_semaphore, #tpu.memory_space<semaphore_mem>>
      %dma_start3A = arith.constant 0 : i32
      %dma_start3A_17 = tpu.memref_slice %arg6[%arg0, %mul3A_16, %dma_start3A] : memref<2x10240x128xf32, #tpu.memory_space<hbm>> -> memref<1x640x128xf32, #tpu.memory_space<hbm>>
      %dma_start3A_18 = tpu.memref_squeeze %dma_start3A_17 : memref<1x640x128xf32, #tpu.memory_space<hbm>> -> memref<640x128xf32, #tpu.memory_space<hbm>>
      %dma_start3A_19 = arith.constant 0 : i32
      %dma_start3A_20 = tpu.memref_slice %arg10[%mul3A_14, %dma_start3A_19] : memref<10240x128xf32, #tpu.memory_space<vmem_shared>> -> memref<640x128xf32, #tpu.memory_space<vmem_shared>>
      tpu.enqueue_dma source(%dma_start3A_20 : memref<640x128xf32, #tpu.memory_space<vmem_shared>>) target(%dma_start3A_18 : memref<640x128xf32, #tpu.memory_space<hbm>>) target_semaphore(%run_scoped3A : memref<!tpu.dma_semaphore, #tpu.memory_space<semaphore_mem>>)
      %dma_wait3A = arith.constant 0 : i32
      %dma_wait3A_21 = tpu.memref_slice %arg6[%arg0, %mul3A_16, %dma_wait3A] : memref<2x10240x128xf32, #tpu.memory_space<hbm>> -> memref<1x640x128xf32, #tpu.memory_space<hbm>>
      %dma_wait3A_22 = tpu.memref_squeeze %dma_wait3A_21 : memref<1x640x128xf32, #tpu.memory_space<hbm>> -> memref<640x128xf32, #tpu.memory_space<hbm>>
      %dma_wait3A_23 = arith.constant 0 : i32
      %dma_wait3A_24 = tpu.memref_slice %arg10[%mul3A_14, %dma_wait3A_23] : memref<10240x128xf32, #tpu.memory_space<vmem_shared>> -> memref<640x128xf32, #tpu.memory_space<vmem_shared>>
      tpu.wait_dma2 semaphore(%run_scoped3A : memref<!tpu.dma_semaphore, #tpu.memory_space<semaphore_mem>>) src(%dma_wait3A_24 : memref<640x128xf32, #tpu.memory_space<vmem_shared>>) dst(%dma_wait3A_22 : memref<640x128xf32, #tpu.memory_space<hbm>>)
      tpu.yield
    }) : () -> ()
    return
  }
}

#map = affine_map<(d0, d1) -> (0, 0)>
#map1 = affine_map<(d0, d1) -> (0)>
#map2 = affine_map<(d0, d1) -> (0, 0, 0)>
module attributes {stable_mosaic.version = 14 : i64} {
  func.func @body(%arg0: i32, %arg1: i32, %arg2: memref<10240x128xf32, #tpu.memory_space<hbm>>, %arg3: memref<10240xi32, #tpu.memory_space<hbm>>, %arg4: memref<384xi32, #tpu.memory_space<hbm>>, %arg5: memref<256xi32, #tpu.memory_space<hbm>>, %arg6: memref<256xi32, #tpu.memory_space<hbm>>, %arg7: memref<10240x128xf32, #tpu.memory_space<hbm>>, %arg8: memref<2x384x128xf32, #tpu.memory_space<hbm>>, %arg9: memref<10240x128xf32, #tpu.memory_space<hbm>>, %arg10: memref<256x128xf32, #tpu.memory_space<hbm>>, %arg11: memref<256x128xf32, #tpu.memory_space<hbm>>, %arg12: memref<80xi32, #tpu.memory_space<vmem>>, %arg13: memref<80xi32, #tpu.memory_space<vmem>>, %arg14: memref<80x128xf32, #tpu.memory_space<vmem>>, %arg15: memref<80x128xf32, #tpu.memory_space<vmem>>, %arg16: memref<8xi32, #tpu.memory_space<vmem>>, %arg17: memref<8x128xf32, #tpu.memory_space<vmem>>, %arg18: memref<384x128xf32, #tpu.memory_space<vmem_shared>>) attributes {dimension_semantics = [#tpu.dimension_semantics<core_parallel>, #tpu.dimension_semantics<subcore_parallel>], iteration_bounds = array<i64: 2, 16>, scalar_prefetch = 0 : i64, scratch_operands = 7 : i64, tpu.core_type = #tpu.core_type<sc_vector_subcore>, window_params = [{transform_indices = #map}, {transform_indices = #map1}, {transform_indices = #map1}, {transform_indices = #map1}, {transform_indices = #map1}, {transform_indices = #map}, {transform_indices = #map2}, {transform_indices = #map}, {transform_indices = #map}, {transform_indices = #map}]} {
    %eq3A = arith.constant 0 : i32
    %eq3A_0 = arith.cmpi eq, %arg1, %eq3A : i32
    %convert_element_type3A = arith.extui %eq3A_0 : i1 to i32
    %cond3A = arith.constant 0 : i32
    %cond3A_1 = arith.cmpi ne, %convert_element_type3A, %cond3A : i32
    scf.if %cond3A_1 {
      "tpu.region"() ({
        %run_scoped3A = tpu.sem_alloc : memref<!tpu.dma_semaphore, #tpu.memory_space<semaphore_mem>>
        %dma_start3A = arith.constant 0 : i32
        %dma_start3A_20 = arith.constant 0 : i32
        %dma_start3A_21 = tpu.memref_slice %arg7[%dma_start3A, %dma_start3A_20] : memref<10240x128xf32, #tpu.memory_space<hbm>> -> memref<384x128xf32, #tpu.memory_space<hbm>>
        tpu.enqueue_dma source(%dma_start3A_21 : memref<384x128xf32, #tpu.memory_space<hbm>>) target(%arg18 : memref<384x128xf32, #tpu.memory_space<vmem_shared>>) target_semaphore(%run_scoped3A : memref<!tpu.dma_semaphore, #tpu.memory_space<semaphore_mem>>)
        %dma_wait3A = arith.constant 0 : i32
        %dma_wait3A_22 = arith.constant 0 : i32
        %dma_wait3A_23 = tpu.memref_slice %arg7[%dma_wait3A, %dma_wait3A_22] : memref<10240x128xf32, #tpu.memory_space<hbm>> -> memref<384x128xf32, #tpu.memory_space<hbm>>
        tpu.wait_dma2 semaphore(%run_scoped3A : memref<!tpu.dma_semaphore, #tpu.memory_space<semaphore_mem>>) src(%dma_wait3A_23 : memref<384x128xf32, #tpu.memory_space<hbm>>) dst(%arg18 : memref<384x128xf32, #tpu.memory_space<vmem_shared>>)
        tpu.yield
      }) : () -> ()
    } else {
    }
    %barrier3A = arith.constant 0 : index
    tpu.barrier barrier_id(%barrier3A)
    %mul3A = arith.constant 16 : i32
    %mul3A_2 = arith.muli %arg0, %mul3A : i32
    %add3A = arith.addi %mul3A_2, %arg1 : i32
    %mul3A_3 = arith.constant 320 : i32
    %mul3A_4 = arith.muli %add3A, %mul3A_3 : i32
    %scan3A = arith.constant 0 : i32
    %scan3A_5 = arith.constant 0 : i32
    %scan3A_6 = arith.constant 4 : i32
    %scan3A_7 = arith.addi %scan3A_5, %scan3A_6 : i32
    %scan3A_8 = arith.constant 1 : i32
    scf.for %scan3A_20 = %scan3A_5 to %scan3A_7 step %scan3A_8  : i32 {
      %mul3A_21 = arith.constant 80 : i32
      %mul3A_22 = arith.muli %scan3A_20, %mul3A_21 : i32
      %add3A_23 = arith.addi %mul3A_4, %mul3A_22 : i32
      %multiple_of3A = tpu.assume_multiple %add3A_23, 8 : i32
      "tpu.region"() ({
        %run_scoped3A = tpu.sem_alloc : memref<!tpu.dma_semaphore, #tpu.memory_space<semaphore_mem>>
        %dma_start3A = tpu.memref_slice %arg3[%multiple_of3A] : memref<10240xi32, #tpu.memory_space<hbm>> -> memref<80xi32, #tpu.memory_space<hbm>>
        %dma_start3A_24 = tpu.memref_slice %arg3[%multiple_of3A] : memref<10240xi32, #tpu.memory_space<hbm>> -> memref<80xi32, #tpu.memory_space<hbm>>
        tpu.enqueue_dma source(%dma_start3A_24 : memref<80xi32, #tpu.memory_space<hbm>>) target(%arg12 : memref<80xi32, #tpu.memory_space<vmem>>) target_semaphore(%run_scoped3A : memref<!tpu.dma_semaphore, #tpu.memory_space<semaphore_mem>>)
        %dma_wait3A = tpu.memref_slice %arg3[%multiple_of3A] : memref<10240xi32, #tpu.memory_space<hbm>> -> memref<80xi32, #tpu.memory_space<hbm>>
        %dma_wait3A_25 = tpu.memref_slice %arg3[%multiple_of3A] : memref<10240xi32, #tpu.memory_space<hbm>> -> memref<80xi32, #tpu.memory_space<hbm>>
        tpu.wait_dma2 semaphore(%run_scoped3A : memref<!tpu.dma_semaphore, #tpu.memory_space<semaphore_mem>>) src(%dma_wait3A_25 : memref<80xi32, #tpu.memory_space<hbm>>) dst(%arg12 : memref<80xi32, #tpu.memory_space<vmem>>)
        tpu.yield
      }) : () -> ()
      "tpu.region"() ({
        %run_scoped3A = tpu.sem_alloc : memref<!tpu.dma_semaphore, #tpu.memory_space<semaphore_mem>>
        %dma_start3A = arith.constant 0 : i32
        %dma_start3A_24 = tpu.memref_slice %arg2[%multiple_of3A, %dma_start3A] : memref<10240x128xf32, #tpu.memory_space<hbm>> -> memref<80x128xf32, #tpu.memory_space<hbm>>
        %dma_start3A_25 = arith.constant 0 : i32
        %dma_start3A_26 = tpu.memref_slice %arg2[%multiple_of3A, %dma_start3A_25] : memref<10240x128xf32, #tpu.memory_space<hbm>> -> memref<80x128xf32, #tpu.memory_space<hbm>>
        tpu.enqueue_dma source(%dma_start3A_26 : memref<80x128xf32, #tpu.memory_space<hbm>>) target(%arg14 : memref<80x128xf32, #tpu.memory_space<vmem>>) target_semaphore(%run_scoped3A : memref<!tpu.dma_semaphore, #tpu.memory_space<semaphore_mem>>)
        %dma_wait3A = arith.constant 0 : i32
        %dma_wait3A_27 = tpu.memref_slice %arg2[%multiple_of3A, %dma_wait3A] : memref<10240x128xf32, #tpu.memory_space<hbm>> -> memref<80x128xf32, #tpu.memory_space<hbm>>
        %dma_wait3A_28 = arith.constant 0 : i32
        %dma_wait3A_29 = tpu.memref_slice %arg2[%multiple_of3A, %dma_wait3A_28] : memref<10240x128xf32, #tpu.memory_space<hbm>> -> memref<80x128xf32, #tpu.memory_space<hbm>>
        tpu.wait_dma2 semaphore(%run_scoped3A : memref<!tpu.dma_semaphore, #tpu.memory_space<semaphore_mem>>) src(%dma_wait3A_29 : memref<80x128xf32, #tpu.memory_space<hbm>>) dst(%arg14 : memref<80x128xf32, #tpu.memory_space<vmem>>)
        tpu.yield
      }) : () -> ()
      "tpu.region"() ({
        %run_scoped3A = tpu.sem_alloc : memref<!tpu.dma_semaphore, #tpu.memory_space<semaphore_mem>>
        %dma_start3A = arith.constant 0 : i32
        %dma_start3A_24 = arith.constant 0 : i32
        %dma_start3A_25 = tpu.memref_slice %arg18[%dma_start3A, %dma_start3A_24] : memref<384x128xf32, #tpu.memory_space<vmem_shared>> -> memref<384x128xf32, #tpu.memory_space<vmem_shared>>
        tpu.enqueue_indirect_dma source(%arg14 : memref<80x128xf32, #tpu.memory_space<vmem>>) target(%dma_start3A_25 : memref<384x128xf32, #tpu.memory_space<vmem_shared>>) offsets(%arg12 : memref<80xi32, #tpu.memory_space<vmem>>) semaphore(%run_scoped3A : memref<!tpu.dma_semaphore, #tpu.memory_space<semaphore_mem>>) {add = true}
        %dma_wait3A = arith.constant 0 : i32
        %dma_wait3A_26 = arith.constant 0 : i32
        %dma_wait3A_27 = tpu.memref_slice %arg18[%dma_wait3A, %dma_wait3A_26] : memref<384x128xf32, #tpu.memory_space<vmem_shared>> -> memref<384x128xf32, #tpu.memory_space<vmem_shared>>
        tpu.wait_indirect_dma semaphore(%run_scoped3A : memref<!tpu.dma_semaphore, #tpu.memory_space<semaphore_mem>>) src(%arg14 : memref<80x128xf32, #tpu.memory_space<vmem>>) dst(%dma_wait3A_27 : memref<384x128xf32, #tpu.memory_space<vmem_shared>>)
        tpu.yield
      }) : () -> ()
      "tpu.region"() ({
        %run_scoped3A = tpu.sem_alloc : memref<!tpu.dma_semaphore, #tpu.memory_space<semaphore_mem>>
        %dma_start3A = arith.constant 0 : i32
        %dma_start3A_24 = tpu.memref_slice %arg4[%dma_start3A] : memref<384xi32, #tpu.memory_space<hbm>> -> memref<384xi32, #tpu.memory_space<hbm>>
        tpu.enqueue_indirect_dma source(%dma_start3A_24 : memref<384xi32, #tpu.memory_space<hbm>>) target(%arg13 : memref<80xi32, #tpu.memory_space<vmem>>) offsets(%arg12 : memref<80xi32, #tpu.memory_space<vmem>>) semaphore(%run_scoped3A : memref<!tpu.dma_semaphore, #tpu.memory_space<semaphore_mem>>)
        %dma_wait3A = arith.constant 0 : i32
        %dma_wait3A_25 = tpu.memref_slice %arg4[%dma_wait3A] : memref<384xi32, #tpu.memory_space<hbm>> -> memref<384xi32, #tpu.memory_space<hbm>>
        tpu.wait_indirect_dma semaphore(%run_scoped3A : memref<!tpu.dma_semaphore, #tpu.memory_space<semaphore_mem>>) src(%dma_wait3A_25 : memref<384xi32, #tpu.memory_space<hbm>>) dst(%arg13 : memref<80xi32, #tpu.memory_space<vmem>>)
        tpu.yield
      }) : () -> ()
      "tpu.region"() ({
        %run_scoped3A = tpu.sem_alloc : memref<!tpu.dma_semaphore, #tpu.memory_space<semaphore_mem>>
        %dma_start3A = arith.constant 0 : i32
        %dma_start3A_24 = arith.constant 0 : i32
        %dma_start3A_25 = tpu.memref_slice %arg2[%dma_start3A, %dma_start3A_24] : memref<10240x128xf32, #tpu.memory_space<hbm>> -> memref<10240x128xf32, #tpu.memory_space<hbm>>
        tpu.enqueue_indirect_dma source(%dma_start3A_25 : memref<10240x128xf32, #tpu.memory_space<hbm>>) target(%arg15 : memref<80x128xf32, #tpu.memory_space<vmem>>) offsets(%arg13 : memref<80xi32, #tpu.memory_space<vmem>>) semaphore(%run_scoped3A : memref<!tpu.dma_semaphore, #tpu.memory_space<semaphore_mem>>)
        %dma_wait3A = arith.constant 0 : i32
        %dma_wait3A_26 = arith.constant 0 : i32
        %dma_wait3A_27 = tpu.memref_slice %arg2[%dma_wait3A, %dma_wait3A_26] : memref<10240x128xf32, #tpu.memory_space<hbm>> -> memref<10240x128xf32, #tpu.memory_space<hbm>>
        tpu.wait_indirect_dma semaphore(%run_scoped3A : memref<!tpu.dma_semaphore, #tpu.memory_space<semaphore_mem>>) src(%dma_wait3A_27 : memref<10240x128xf32, #tpu.memory_space<hbm>>) dst(%arg15 : memref<80x128xf32, #tpu.memory_space<vmem>>)
        tpu.yield
      }) : () -> ()
      "tpu.region"() ({
        %run_scoped3A = tpu.sem_alloc : memref<!tpu.dma_semaphore, #tpu.memory_space<semaphore_mem>>
        %dma_start3A = arith.constant 0 : i32
        %dma_start3A_24 = tpu.memref_slice %arg9[%multiple_of3A, %dma_start3A] : memref<10240x128xf32, #tpu.memory_space<hbm>> -> memref<80x128xf32, #tpu.memory_space<hbm>>
        %dma_start3A_25 = arith.constant 0 : i32
        %dma_start3A_26 = tpu.memref_slice %arg9[%multiple_of3A, %dma_start3A_25] : memref<10240x128xf32, #tpu.memory_space<hbm>> -> memref<80x128xf32, #tpu.memory_space<hbm>>
        tpu.enqueue_dma source(%arg15 : memref<80x128xf32, #tpu.memory_space<vmem>>) target(%dma_start3A_26 : memref<80x128xf32, #tpu.memory_space<hbm>>) target_semaphore(%run_scoped3A : memref<!tpu.dma_semaphore, #tpu.memory_space<semaphore_mem>>)
        %dma_wait3A = arith.constant 0 : i32
        %dma_wait3A_27 = tpu.memref_slice %arg9[%multiple_of3A, %dma_wait3A] : memref<10240x128xf32, #tpu.memory_space<hbm>> -> memref<80x128xf32, #tpu.memory_space<hbm>>
        %dma_wait3A_28 = arith.constant 0 : i32
        %dma_wait3A_29 = tpu.memref_slice %arg9[%multiple_of3A, %dma_wait3A_28] : memref<10240x128xf32, #tpu.memory_space<hbm>> -> memref<80x128xf32, #tpu.memory_space<hbm>>
        tpu.wait_dma2 semaphore(%run_scoped3A : memref<!tpu.dma_semaphore, #tpu.memory_space<semaphore_mem>>) src(%arg15 : memref<80x128xf32, #tpu.memory_space<vmem>>) dst(%dma_wait3A_29 : memref<80x128xf32, #tpu.memory_space<hbm>>)
        tpu.yield
      }) : () -> ()
    }
    %scan3A_9 = arith.constant 4 : i32
    %mul3A_10 = arith.constant 16 : i32
    %mul3A_11 = arith.muli %arg0, %mul3A_10 : i32
    %add3A_12 = arith.addi %mul3A_11, %arg1 : i32
    %mul3A_13 = arith.constant 8 : i32
    %mul3A_14 = arith.muli %add3A_12, %mul3A_13 : i32
    "tpu.region"() ({
      %run_scoped3A = tpu.sem_alloc : memref<!tpu.dma_semaphore, #tpu.memory_space<semaphore_mem>>
      %dma_start3A = tpu.memref_slice %arg5[%mul3A_14] : memref<256xi32, #tpu.memory_space<hbm>> -> memref<8xi32, #tpu.memory_space<hbm>>
      %dma_start3A_20 = tpu.memref_slice %arg5[%mul3A_14] : memref<256xi32, #tpu.memory_space<hbm>> -> memref<8xi32, #tpu.memory_space<hbm>>
      tpu.enqueue_dma source(%dma_start3A_20 : memref<8xi32, #tpu.memory_space<hbm>>) target(%arg16 : memref<8xi32, #tpu.memory_space<vmem>>) target_semaphore(%run_scoped3A : memref<!tpu.dma_semaphore, #tpu.memory_space<semaphore_mem>>)
      %dma_wait3A = tpu.memref_slice %arg5[%mul3A_14] : memref<256xi32, #tpu.memory_space<hbm>> -> memref<8xi32, #tpu.memory_space<hbm>>
      %dma_wait3A_21 = tpu.memref_slice %arg5[%mul3A_14] : memref<256xi32, #tpu.memory_space<hbm>> -> memref<8xi32, #tpu.memory_space<hbm>>
      tpu.wait_dma2 semaphore(%run_scoped3A : memref<!tpu.dma_semaphore, #tpu.memory_space<semaphore_mem>>) src(%dma_wait3A_21 : memref<8xi32, #tpu.memory_space<hbm>>) dst(%arg16 : memref<8xi32, #tpu.memory_space<vmem>>)
      tpu.yield
    }) : () -> ()
    "tpu.region"() ({
      %run_scoped3A = tpu.sem_alloc : memref<!tpu.dma_semaphore, #tpu.memory_space<semaphore_mem>>
      %dma_start3A = arith.constant 0 : i32
      %dma_start3A_20 = arith.constant 0 : i32
      %dma_start3A_21 = tpu.memref_slice %arg2[%dma_start3A, %dma_start3A_20] : memref<10240x128xf32, #tpu.memory_space<hbm>> -> memref<10240x128xf32, #tpu.memory_space<hbm>>
      tpu.enqueue_indirect_dma source(%dma_start3A_21 : memref<10240x128xf32, #tpu.memory_space<hbm>>) target(%arg17 : memref<8x128xf32, #tpu.memory_space<vmem>>) offsets(%arg16 : memref<8xi32, #tpu.memory_space<vmem>>) semaphore(%run_scoped3A : memref<!tpu.dma_semaphore, #tpu.memory_space<semaphore_mem>>)
      %dma_wait3A = arith.constant 0 : i32
      %dma_wait3A_22 = arith.constant 0 : i32
      %dma_wait3A_23 = tpu.memref_slice %arg2[%dma_wait3A, %dma_wait3A_22] : memref<10240x128xf32, #tpu.memory_space<hbm>> -> memref<10240x128xf32, #tpu.memory_space<hbm>>
      tpu.wait_indirect_dma semaphore(%run_scoped3A : memref<!tpu.dma_semaphore, #tpu.memory_space<semaphore_mem>>) src(%dma_wait3A_23 : memref<10240x128xf32, #tpu.memory_space<hbm>>) dst(%arg17 : memref<8x128xf32, #tpu.memory_space<vmem>>)
      tpu.yield
    }) : () -> ()
    "tpu.region"() ({
      %run_scoped3A = tpu.sem_alloc : memref<!tpu.dma_semaphore, #tpu.memory_space<semaphore_mem>>
      %dma_start3A = arith.constant 0 : i32
      %dma_start3A_20 = tpu.memref_slice %arg10[%mul3A_14, %dma_start3A] : memref<256x128xf32, #tpu.memory_space<hbm>> -> memref<8x128xf32, #tpu.memory_space<hbm>>
      %dma_start3A_21 = arith.constant 0 : i32
      %dma_start3A_22 = tpu.memref_slice %arg10[%mul3A_14, %dma_start3A_21] : memref<256x128xf32, #tpu.memory_space<hbm>> -> memref<8x128xf32, #tpu.memory_space<hbm>>
      tpu.enqueue_dma source(%arg17 : memref<8x128xf32, #tpu.memory_space<vmem>>) target(%dma_start3A_22 : memref<8x128xf32, #tpu.memory_space<hbm>>) target_semaphore(%run_scoped3A : memref<!tpu.dma_semaphore, #tpu.memory_space<semaphore_mem>>)
      %dma_wait3A = arith.constant 0 : i32
      %dma_wait3A_23 = tpu.memref_slice %arg10[%mul3A_14, %dma_wait3A] : memref<256x128xf32, #tpu.memory_space<hbm>> -> memref<8x128xf32, #tpu.memory_space<hbm>>
      %dma_wait3A_24 = arith.constant 0 : i32
      %dma_wait3A_25 = tpu.memref_slice %arg10[%mul3A_14, %dma_wait3A_24] : memref<256x128xf32, #tpu.memory_space<hbm>> -> memref<8x128xf32, #tpu.memory_space<hbm>>
      tpu.wait_dma2 semaphore(%run_scoped3A : memref<!tpu.dma_semaphore, #tpu.memory_space<semaphore_mem>>) src(%arg17 : memref<8x128xf32, #tpu.memory_space<vmem>>) dst(%dma_wait3A_25 : memref<8x128xf32, #tpu.memory_space<hbm>>)
      tpu.yield
    }) : () -> ()
    "tpu.region"() ({
      %run_scoped3A = tpu.sem_alloc : memref<!tpu.dma_semaphore, #tpu.memory_space<semaphore_mem>>
      %dma_start3A = tpu.memref_slice %arg6[%mul3A_14] : memref<256xi32, #tpu.memory_space<hbm>> -> memref<8xi32, #tpu.memory_space<hbm>>
      %dma_start3A_20 = tpu.memref_slice %arg6[%mul3A_14] : memref<256xi32, #tpu.memory_space<hbm>> -> memref<8xi32, #tpu.memory_space<hbm>>
      tpu.enqueue_dma source(%dma_start3A_20 : memref<8xi32, #tpu.memory_space<hbm>>) target(%arg16 : memref<8xi32, #tpu.memory_space<vmem>>) target_semaphore(%run_scoped3A : memref<!tpu.dma_semaphore, #tpu.memory_space<semaphore_mem>>)
      %dma_wait3A = tpu.memref_slice %arg6[%mul3A_14] : memref<256xi32, #tpu.memory_space<hbm>> -> memref<8xi32, #tpu.memory_space<hbm>>
      %dma_wait3A_21 = tpu.memref_slice %arg6[%mul3A_14] : memref<256xi32, #tpu.memory_space<hbm>> -> memref<8xi32, #tpu.memory_space<hbm>>
      tpu.wait_dma2 semaphore(%run_scoped3A : memref<!tpu.dma_semaphore, #tpu.memory_space<semaphore_mem>>) src(%dma_wait3A_21 : memref<8xi32, #tpu.memory_space<hbm>>) dst(%arg16 : memref<8xi32, #tpu.memory_space<vmem>>)
      tpu.yield
    }) : () -> ()
    "tpu.region"() ({
      %run_scoped3A = tpu.sem_alloc : memref<!tpu.dma_semaphore, #tpu.memory_space<semaphore_mem>>
      %dma_start3A = arith.constant 0 : i32
      %dma_start3A_20 = arith.constant 0 : i32
      %dma_start3A_21 = tpu.memref_slice %arg2[%dma_start3A, %dma_start3A_20] : memref<10240x128xf32, #tpu.memory_space<hbm>> -> memref<10240x128xf32, #tpu.memory_space<hbm>>
      tpu.enqueue_indirect_dma source(%dma_start3A_21 : memref<10240x128xf32, #tpu.memory_space<hbm>>) target(%arg17 : memref<8x128xf32, #tpu.memory_space<vmem>>) offsets(%arg16 : memref<8xi32, #tpu.memory_space<vmem>>) semaphore(%run_scoped3A : memref<!tpu.dma_semaphore, #tpu.memory_space<semaphore_mem>>)
      %dma_wait3A = arith.constant 0 : i32
      %dma_wait3A_22 = arith.constant 0 : i32
      %dma_wait3A_23 = tpu.memref_slice %arg2[%dma_wait3A, %dma_wait3A_22] : memref<10240x128xf32, #tpu.memory_space<hbm>> -> memref<10240x128xf32, #tpu.memory_space<hbm>>
      tpu.wait_indirect_dma semaphore(%run_scoped3A : memref<!tpu.dma_semaphore, #tpu.memory_space<semaphore_mem>>) src(%dma_wait3A_23 : memref<10240x128xf32, #tpu.memory_space<hbm>>) dst(%arg17 : memref<8x128xf32, #tpu.memory_space<vmem>>)
      tpu.yield
    }) : () -> ()
    "tpu.region"() ({
      %run_scoped3A = tpu.sem_alloc : memref<!tpu.dma_semaphore, #tpu.memory_space<semaphore_mem>>
      %dma_start3A = arith.constant 0 : i32
      %dma_start3A_20 = tpu.memref_slice %arg11[%mul3A_14, %dma_start3A] : memref<256x128xf32, #tpu.memory_space<hbm>> -> memref<8x128xf32, #tpu.memory_space<hbm>>
      %dma_start3A_21 = arith.constant 0 : i32
      %dma_start3A_22 = tpu.memref_slice %arg11[%mul3A_14, %dma_start3A_21] : memref<256x128xf32, #tpu.memory_space<hbm>> -> memref<8x128xf32, #tpu.memory_space<hbm>>
      tpu.enqueue_dma source(%arg17 : memref<8x128xf32, #tpu.memory_space<vmem>>) target(%dma_start3A_22 : memref<8x128xf32, #tpu.memory_space<hbm>>) target_semaphore(%run_scoped3A : memref<!tpu.dma_semaphore, #tpu.memory_space<semaphore_mem>>)
      %dma_wait3A = arith.constant 0 : i32
      %dma_wait3A_23 = tpu.memref_slice %arg11[%mul3A_14, %dma_wait3A] : memref<256x128xf32, #tpu.memory_space<hbm>> -> memref<8x128xf32, #tpu.memory_space<hbm>>
      %dma_wait3A_24 = arith.constant 0 : i32
      %dma_wait3A_25 = tpu.memref_slice %arg11[%mul3A_14, %dma_wait3A_24] : memref<256x128xf32, #tpu.memory_space<hbm>> -> memref<8x128xf32, #tpu.memory_space<hbm>>
      tpu.wait_dma2 semaphore(%run_scoped3A : memref<!tpu.dma_semaphore, #tpu.memory_space<semaphore_mem>>) src(%arg17 : memref<8x128xf32, #tpu.memory_space<vmem>>) dst(%dma_wait3A_25 : memref<8x128xf32, #tpu.memory_space<hbm>>)
      tpu.yield
    }) : () -> ()
    %barrier3A_15 = arith.constant 0 : index
    tpu.barrier barrier_id(%barrier3A_15)
    %mul3A_16 = arith.constant 24 : i32
    %mul3A_17 = arith.muli %arg1, %mul3A_16 : i32
    %mul3A_18 = arith.constant 24 : i32
    %mul3A_19 = arith.muli %arg1, %mul3A_18 : i32
    "tpu.region"() ({
      %run_scoped3A = tpu.sem_alloc : memref<!tpu.dma_semaphore, #tpu.memory_space<semaphore_mem>>
      %dma_start3A = arith.constant 0 : i32
      %dma_start3A_20 = tpu.memref_slice %arg8[%arg0, %mul3A_19, %dma_start3A] : memref<2x384x128xf32, #tpu.memory_space<hbm>> -> memref<1x24x128xf32, #tpu.memory_space<hbm>>
      %dma_start3A_21 = tpu.memref_squeeze %dma_start3A_20 : memref<1x24x128xf32, #tpu.memory_space<hbm>> -> memref<24x128xf32, #tpu.memory_space<hbm>>
      %dma_start3A_22 = arith.constant 0 : i32
      %dma_start3A_23 = tpu.memref_slice %arg18[%mul3A_17, %dma_start3A_22] : memref<384x128xf32, #tpu.memory_space<vmem_shared>> -> memref<24x128xf32, #tpu.memory_space<vmem_shared>>
      tpu.enqueue_dma source(%dma_start3A_23 : memref<24x128xf32, #tpu.memory_space<vmem_shared>>) target(%dma_start3A_21 : memref<24x128xf32, #tpu.memory_space<hbm>>) target_semaphore(%run_scoped3A : memref<!tpu.dma_semaphore, #tpu.memory_space<semaphore_mem>>)
      %dma_wait3A = arith.constant 0 : i32
      %dma_wait3A_24 = tpu.memref_slice %arg8[%arg0, %mul3A_19, %dma_wait3A] : memref<2x384x128xf32, #tpu.memory_space<hbm>> -> memref<1x24x128xf32, #tpu.memory_space<hbm>>
      %dma_wait3A_25 = tpu.memref_squeeze %dma_wait3A_24 : memref<1x24x128xf32, #tpu.memory_space<hbm>> -> memref<24x128xf32, #tpu.memory_space<hbm>>
      %dma_wait3A_26 = arith.constant 0 : i32
      %dma_wait3A_27 = tpu.memref_slice %arg18[%mul3A_17, %dma_wait3A_26] : memref<384x128xf32, #tpu.memory_space<vmem_shared>> -> memref<24x128xf32, #tpu.memory_space<vmem_shared>>
      tpu.wait_dma2 semaphore(%run_scoped3A : memref<!tpu.dma_semaphore, #tpu.memory_space<semaphore_mem>>) src(%dma_wait3A_27 : memref<24x128xf32, #tpu.memory_space<vmem_shared>>) dst(%dma_wait3A_25 : memref<24x128xf32, #tpu.memory_space<hbm>>)
      tpu.yield
    }) : () -> ()
    return
  }
}

module attributes {stable_mosaic.version = 14 : i64} {
  func.func @body(%arg0: i32, %arg1: memref<2x512xf32, #tpu.memory_space<vmem>>, %arg2: memref<512x128xf32, #tpu.memory_space<vmem>>, %arg3: memref<128x128xf32, #tpu.memory_space<vmem>>, %arg4: memref<512x128xf32, #tpu.memory_space<vmem>>, %arg5: memref<512x1xf32, #tpu.memory_space<vmem>>) attributes {dimension_semantics = [#tpu.dimension_semantics<arbitrary>], iteration_bounds = array<i64: 20>, scalar_prefetch = 0 : i64, scratch_operands = 0 : i64, tpu.core_type = #tpu.core_type<tc>, window_params = [{transform_indices = @transform_0, window_bounds = array<i64: 2, 512>}, {transform_indices = @transform_1, window_bounds = array<i64: 512, 128>}, {pipeline_mode = #tpu.pipeline_mode<synchronous>, transform_indices = @transform_2, window_bounds = array<i64: 128, 128>}, {transform_indices = @transform_3, window_bounds = array<i64: 512, 128>}, {transform_indices = @transform_4, window_bounds = array<i64: 512, 1>}]} {
    %get3A = arith.constant 0 : index
    %get3A_0 = arith.constant 0 : index
    %get3A_1 = vector.load %arg1[%get3A, %get3A_0] : memref<2x512xf32, #tpu.memory_space<vmem>>, vector<1x512xf32>
    %get3A_2 = vector.shape_cast %get3A_1 : vector<1x512xf32> to vector<512xf32>
    %get3A_3 = arith.constant 1 : index
    %get3A_4 = arith.constant 0 : index
    %get3A_5 = vector.load %arg1[%get3A_3, %get3A_4] : memref<2x512xf32, #tpu.memory_space<vmem>>, vector<1x512xf32>
    %get3A_6 = vector.shape_cast %get3A_5 : vector<1x512xf32> to vector<512xf32>
    %add3A = arith.addf %get3A_2, %get3A_6 : vector<512xf32>
    %add3A_7 = arith.constant 1.000000e+00 : f32
    %add3A_8 = vector.broadcast %add3A_7 : f32 to vector<512xf32>
    %add3A_9 = arith.addf %add3A, %add3A_8 : vector<512xf32>
    %max3A = arith.constant 1.000000e+00 : f32
    %max3A_10 = vector.broadcast %max3A : f32 to vector<512xf32>
    %max3A_11 = arith.maximumf %add3A_9, %max3A_10 : vector<512xf32>
    %rsqrt3A = math.rsqrt %max3A_11 : vector<512xf32>
    %get3A_12 = arith.constant 0 : index
    %get3A_13 = arith.constant 0 : index
    %get3A_14 = vector.load %arg2[%get3A_12, %get3A_13] : memref<512x128xf32, #tpu.memory_space<vmem>>, vector<512x128xf32>
    %get3A_15 = arith.constant 0 : index
    %get3A_16 = arith.constant 0 : index
    %get3A_17 = vector.load %arg3[%get3A_15, %get3A_16] : memref<128x128xf32, #tpu.memory_space<vmem>>, vector<128x128xf32>
    %dot_general3A = arith.constant dense<0.000000e+00> : vector<512x128xf32>
    %dot_general3A_18 = tpu.matmul %get3A_14, %get3A_17, %dot_general3A {dimension_numbers = #tpu.dot_dimension_numbers<[1], [0], [0], [1], [0, 0, 1, 1], [], []>, transpose_lhs_hint = false} : vector<512x128xf32>, vector<128x128xf32>, vector<512x128xf32> -> vector<512x128xf32>
    %broadcast_in_dim3A = vector.shape_cast %rsqrt3A : vector<512xf32> to vector<512x1xf32>
    %mul3A = vector.broadcast %broadcast_in_dim3A : vector<512x1xf32> to vector<512x128xf32>
    %mul3A_19 = arith.mulf %dot_general3A_18, %mul3A : vector<512x128xf32>
    %swap3A = arith.constant 0 : index
    %swap3A_20 = arith.constant 0 : index
    %swap3A_21 = vector.load %arg4[%swap3A, %swap3A_20] : memref<512x128xf32, #tpu.memory_space<vmem>>, vector<512x128xf32>
    tpu.vector_store %arg4[%swap3A, %swap3A_20], %mul3A_19 {strides = array<i32>} : memref<512x128xf32, #tpu.memory_space<vmem>>, vector<512x128xf32>,
    %broadcast_in_dim3A_22 = vector.shape_cast %rsqrt3A : vector<512xf32> to vector<512x1xf32>
    %swap3A_23 = arith.constant 0 : index
    %swap3A_24 = arith.constant 0 : index
    %swap3A_25 = vector.load %arg5[%swap3A_23, %swap3A_24] : memref<512x1xf32, #tpu.memory_space<vmem>>, vector<512x1xf32>
    tpu.vector_store %arg5[%swap3A_23, %swap3A_24], %broadcast_in_dim3A_22 {strides = array<i32>} : memref<512x1xf32, #tpu.memory_space<vmem>>, vector<512x1xf32>,
    return
  }
  func.func @transform_0(%arg0: i32) -> (i32, i32) {
    %c0_i32 = arith.constant 0 : i32
    %c0_i32_0 = arith.constant 0 : i32
    return %c0_i32, %arg0 : i32, i32
  }
  func.func @transform_1(%arg0: i32) -> (i32, i32) {
    %c0_i32 = arith.constant 0 : i32
    %c0_i32_0 = arith.constant 0 : i32
    return %arg0, %c0_i32 : i32, i32
  }
  func.func @transform_2(%arg0: i32) -> (i32, i32) {
    %c0_i32 = arith.constant 0 : i32
    %c0_i32_0 = arith.constant 0 : i32
    %c0_i32_1 = arith.constant 0 : i32
    return %c0_i32, %c0_i32_0 : i32, i32
  }
  func.func @transform_3(%arg0: i32) -> (i32, i32) {
    %c0_i32 = arith.constant 0 : i32
    %c0_i32_0 = arith.constant 0 : i32
    return %arg0, %c0_i32 : i32, i32
  }
  func.func @transform_4(%arg0: i32) -> (i32, i32) {
    %c0_i32 = arith.constant 0 : i32
    %c0_i32_0 = arith.constant 0 : i32
    return %arg0, %c0_i32 : i32, i32
  }
}

module attributes {stable_mosaic.version = 14 : i64} {
  func.func @body(%arg0: i32, %arg1: memref<2x512x128xf32, #tpu.memory_space<vmem>>, %arg2: memref<512x128xf32, #tpu.memory_space<vmem>>, %arg3: memref<512x1xf32, #tpu.memory_space<vmem>>, %arg4: memref<512x128xf32, #tpu.memory_space<vmem>>, %arg5: memref<1x128xf32, #tpu.memory_space<vmem>>, %arg6: memref<1x128xf32, #tpu.memory_space<vmem>>, %arg7: memref<1x128xf32, #tpu.memory_space<vmem>>, %arg8: memref<512x128xf32, #tpu.memory_space<vmem>>) attributes {dimension_semantics = [#tpu.dimension_semantics<arbitrary>], iteration_bounds = array<i64: 20>, scalar_prefetch = 0 : i64, scratch_operands = 0 : i64, tpu.core_type = #tpu.core_type<tc>, window_params = [{transform_indices = @transform_0, window_bounds = array<i64: 2, 512, 128>}, {transform_indices = @transform_1, window_bounds = array<i64: 512, 128>}, {transform_indices = @transform_2, window_bounds = array<i64: 512, 1>}, {transform_indices = @transform_3, window_bounds = array<i64: 512, 128>}, {pipeline_mode = #tpu.pipeline_mode<synchronous>, transform_indices = @transform_4, window_bounds = array<i64: 1, 128>}, {pipeline_mode = #tpu.pipeline_mode<synchronous>, transform_indices = @transform_5, window_bounds = array<i64: 1, 128>}, {pipeline_mode = #tpu.pipeline_mode<synchronous>, transform_indices = @transform_6, window_bounds = array<i64: 1, 128>}, {transform_indices = @transform_7, window_bounds = array<i64: 512, 128>}]} {
    %get3A = arith.constant 0 : index
    %get3A_0 = arith.constant 0 : index
    %get3A_1 = arith.constant 0 : index
    %get3A_2 = vector.load %arg1[%get3A, %get3A_0, %get3A_1] : memref<2x512x128xf32, #tpu.memory_space<vmem>>, vector<1x512x128xf32>
    %get3A_3 = vector.shape_cast %get3A_2 : vector<1x512x128xf32> to vector<512x128xf32>
    %get3A_4 = arith.constant 1 : index
    %get3A_5 = arith.constant 0 : index
    %get3A_6 = arith.constant 0 : index
    %get3A_7 = vector.load %arg1[%get3A_4, %get3A_5, %get3A_6] : memref<2x512x128xf32, #tpu.memory_space<vmem>>, vector<1x512x128xf32>
    %get3A_8 = vector.shape_cast %get3A_7 : vector<1x512x128xf32> to vector<512x128xf32>
    %add3A = arith.addf %get3A_3, %get3A_8 : vector<512x128xf32>
    %get3A_9 = arith.constant 0 : index
    %get3A_10 = arith.constant 0 : index
    %get3A_11 = vector.load %arg2[%get3A_9, %get3A_10] : memref<512x128xf32, #tpu.memory_space<vmem>>, vector<512x128xf32>
    %add3A_12 = arith.addf %add3A, %get3A_11 : vector<512x128xf32>
    %get3A_13 = arith.constant 0 : index
    %get3A_14 = arith.constant 0 : index
    %get3A_15 = vector.load %arg3[%get3A_13, %get3A_14] : memref<512x1xf32, #tpu.memory_space<vmem>>, vector<512x1xf32>
    %mul3A = vector.broadcast %get3A_15 : vector<512x1xf32> to vector<512x128xf32>
    %mul3A_16 = arith.mulf %add3A_12, %mul3A : vector<512x128xf32>
    %get3A_17 = arith.constant 0 : index
    %get3A_18 = arith.constant 0 : index
    %get3A_19 = vector.load %arg5[%get3A_17, %get3A_18] : memref<1x128xf32, #tpu.memory_space<vmem>>, vector<1x128xf32>
    %add3A_20 = vector.broadcast %get3A_19 : vector<1x128xf32> to vector<512x128xf32>
    %add3A_21 = arith.addf %mul3A_16, %add3A_20 : vector<512x128xf32>
    %reduce_sum3A = arith.constant dense<0.000000e+00> : vector<512xf32>
    %reduce_sum3A_22 = vector.multi_reduction <add>, %add3A_21, %reduce_sum3A [1] : vector<512x128xf32> to vector<512xf32>
    %broadcast_in_dim3A = vector.shape_cast %reduce_sum3A_22 : vector<512xf32> to vector<512x1xf32>
    %div3A = arith.constant 1.280000e+02 : f32
    %div3A_23 = vector.broadcast %div3A : f32 to vector<512x1xf32>
    %div3A_24 = arith.divf %broadcast_in_dim3A, %div3A_23 : vector<512x1xf32>
    %sub3A = vector.broadcast %div3A_24 : vector<512x1xf32> to vector<512x128xf32>
    %sub3A_25 = arith.subf %add3A_21, %sub3A : vector<512x128xf32>
    %integer_pow3A = arith.mulf %sub3A_25, %sub3A_25 : vector<512x128xf32>
    %reduce_sum3A_26 = arith.constant dense<0.000000e+00> : vector<512xf32>
    %reduce_sum3A_27 = vector.multi_reduction <add>, %integer_pow3A, %reduce_sum3A_26 [1] : vector<512x128xf32> to vector<512xf32>
    %broadcast_in_dim3A_28 = vector.shape_cast %reduce_sum3A_27 : vector<512xf32> to vector<512x1xf32>
    %div3A_29 = arith.constant 1.280000e+02 : f32
    %div3A_30 = vector.broadcast %div3A_29 : f32 to vector<512x1xf32>
    %div3A_31 = arith.divf %broadcast_in_dim3A_28, %div3A_30 : vector<512x1xf32>
    %sub3A_32 = vector.broadcast %div3A_24 : vector<512x1xf32> to vector<512x128xf32>
    %sub3A_33 = arith.subf %add3A_21, %sub3A_32 : vector<512x128xf32>
    %add3A_34 = arith.constant 9.99999974E-6 : f32
    %add3A_35 = vector.broadcast %add3A_34 : f32 to vector<512x1xf32>
    %add3A_36 = arith.addf %div3A_31, %add3A_35 : vector<512x1xf32>
    %sqrt3A = math.sqrt %add3A_36 : vector<512x1xf32>
    %div3A_37 = vector.broadcast %sqrt3A : vector<512x1xf32> to vector<512x128xf32>
    %div3A_38 = arith.divf %sub3A_33, %div3A_37 : vector<512x128xf32>
    %get3A_39 = arith.constant 0 : index
    %get3A_40 = arith.constant 0 : index
    %get3A_41 = vector.load %arg6[%get3A_39, %get3A_40] : memref<1x128xf32, #tpu.memory_space<vmem>>, vector<1x128xf32>
    %mul3A_42 = vector.broadcast %get3A_41 : vector<1x128xf32> to vector<512x128xf32>
    %mul3A_43 = arith.mulf %div3A_38, %mul3A_42 : vector<512x128xf32>
    %get3A_44 = arith.constant 0 : index
    %get3A_45 = arith.constant 0 : index
    %get3A_46 = vector.load %arg7[%get3A_44, %get3A_45] : memref<1x128xf32, #tpu.memory_space<vmem>>, vector<1x128xf32>
    %add3A_47 = vector.broadcast %get3A_46 : vector<1x128xf32> to vector<512x128xf32>
    %add3A_48 = arith.addf %mul3A_43, %add3A_47 : vector<512x128xf32>
    %max3A = arith.constant 0.000000e+00 : f32
    %max3A_49 = vector.broadcast %max3A : f32 to vector<512x128xf32>
    %max3A_50 = arith.maximumf %add3A_48, %max3A_49 : vector<512x128xf32>
    %get3A_51 = arith.constant 0 : index
    %get3A_52 = arith.constant 0 : index
    %get3A_53 = vector.load %arg4[%get3A_51, %get3A_52] : memref<512x128xf32, #tpu.memory_space<vmem>>, vector<512x128xf32>
    %add3A_54 = arith.addf %max3A_50, %get3A_53 : vector<512x128xf32>
    %swap3A = arith.constant 0 : index
    %swap3A_55 = arith.constant 0 : index
    %swap3A_56 = vector.load %arg8[%swap3A, %swap3A_55] : memref<512x128xf32, #tpu.memory_space<vmem>>, vector<512x128xf32>
    tpu.vector_store %arg8[%swap3A, %swap3A_55], %add3A_54 {strides = array<i32>} : memref<512x128xf32, #tpu.memory_space<vmem>>, vector<512x128xf32>,
    return
  }
  func.func @transform_0(%arg0: i32) -> (i32, i32, i32) {
    %c0_i32 = arith.constant 0 : i32
    %c0_i32_0 = arith.constant 0 : i32
    %c0_i32_1 = arith.constant 0 : i32
    return %c0_i32, %arg0, %c0_i32_0 : i32, i32, i32
  }
  func.func @transform_1(%arg0: i32) -> (i32, i32) {
    %c0_i32 = arith.constant 0 : i32
    %c0_i32_0 = arith.constant 0 : i32
    return %arg0, %c0_i32 : i32, i32
  }
  func.func @transform_2(%arg0: i32) -> (i32, i32) {
    %c0_i32 = arith.constant 0 : i32
    %c0_i32_0 = arith.constant 0 : i32
    return %arg0, %c0_i32 : i32, i32
  }
  func.func @transform_3(%arg0: i32) -> (i32, i32) {
    %c0_i32 = arith.constant 0 : i32
    %c0_i32_0 = arith.constant 0 : i32
    return %arg0, %c0_i32 : i32, i32
  }
  func.func @transform_4(%arg0: i32) -> (i32, i32) {
    %c0_i32 = arith.constant 0 : i32
    %c0_i32_0 = arith.constant 0 : i32
    %c0_i32_1 = arith.constant 0 : i32
    return %c0_i32, %c0_i32_0 : i32, i32
  }
  func.func @transform_5(%arg0: i32) -> (i32, i32) {
    %c0_i32 = arith.constant 0 : i32
    %c0_i32_0 = arith.constant 0 : i32
    %c0_i32_1 = arith.constant 0 : i32
    return %c0_i32, %c0_i32_0 : i32, i32
  }
  func.func @transform_6(%arg0: i32) -> (i32, i32) {
    %c0_i32 = arith.constant 0 : i32
    %c0_i32_0 = arith.constant 0 : i32
    %c0_i32_1 = arith.constant 0 : i32
    return %c0_i32, %c0_i32_0 : i32, i32
  }
  func.func @transform_7(%arg0: i32) -> (i32, i32) {
    %c0_i32 = arith.constant 0 : i32
    %c0_i32_0 = arith.constant 0 : i32
    return %arg0, %c0_i32 : i32, i32
  }
}

module attributes {stable_mosaic.version = 14 : i64} {
  func.func @body(%arg0: i32, %arg1: memref<2x512x128xf32, #tpu.memory_space<vmem>>, %arg2: memref<512x128xf32, #tpu.memory_space<vmem>>, %arg3: memref<512x1xf32, #tpu.memory_space<vmem>>, %arg4: memref<512x128xf32, #tpu.memory_space<vmem>>, %arg5: memref<1x128xf32, #tpu.memory_space<vmem>>, %arg6: memref<1x128xf32, #tpu.memory_space<vmem>>, %arg7: memref<1x128xf32, #tpu.memory_space<vmem>>, %arg8: memref<128x128xf32, #tpu.memory_space<vmem>>, %arg9: memref<512x128xf32, #tpu.memory_space<vmem>>, %arg10: memref<512x128xf32, #tpu.memory_space<vmem>>) attributes {dimension_semantics = [#tpu.dimension_semantics<arbitrary>], iteration_bounds = array<i64: 20>, scalar_prefetch = 0 : i64, scratch_operands = 0 : i64, tpu.core_type = #tpu.core_type<tc>, window_params = [{transform_indices = @transform_0, window_bounds = array<i64: 2, 512, 128>}, {transform_indices = @transform_1, window_bounds = array<i64: 512, 128>}, {transform_indices = @transform_2, window_bounds = array<i64: 512, 1>}, {transform_indices = @transform_3, window_bounds = array<i64: 512, 128>}, {pipeline_mode = #tpu.pipeline_mode<synchronous>, transform_indices = @transform_4, window_bounds = array<i64: 1, 128>}, {pipeline_mode = #tpu.pipeline_mode<synchronous>, transform_indices = @transform_5, window_bounds = array<i64: 1, 128>}, {pipeline_mode = #tpu.pipeline_mode<synchronous>, transform_indices = @transform_6, window_bounds = array<i64: 1, 128>}, {pipeline_mode = #tpu.pipeline_mode<synchronous>, transform_indices = @transform_7, window_bounds = array<i64: 128, 128>}, {transform_indices = @transform_8, window_bounds = array<i64: 512, 128>}, {transform_indices = @transform_9, window_bounds = array<i64: 512, 128>}]} {
    %get3A = arith.constant 0 : index
    %get3A_0 = arith.constant 0 : index
    %get3A_1 = arith.constant 0 : index
    %get3A_2 = vector.load %arg1[%get3A, %get3A_0, %get3A_1] : memref<2x512x128xf32, #tpu.memory_space<vmem>>, vector<1x512x128xf32>
    %get3A_3 = vector.shape_cast %get3A_2 : vector<1x512x128xf32> to vector<512x128xf32>
    %get3A_4 = arith.constant 1 : index
    %get3A_5 = arith.constant 0 : index
    %get3A_6 = arith.constant 0 : index
    %get3A_7 = vector.load %arg1[%get3A_4, %get3A_5, %get3A_6] : memref<2x512x128xf32, #tpu.memory_space<vmem>>, vector<1x512x128xf32>
    %get3A_8 = vector.shape_cast %get3A_7 : vector<1x512x128xf32> to vector<512x128xf32>
    %add3A = arith.addf %get3A_3, %get3A_8 : vector<512x128xf32>
    %get3A_9 = arith.constant 0 : index
    %get3A_10 = arith.constant 0 : index
    %get3A_11 = vector.load %arg2[%get3A_9, %get3A_10] : memref<512x128xf32, #tpu.memory_space<vmem>>, vector<512x128xf32>
    %add3A_12 = arith.addf %add3A, %get3A_11 : vector<512x128xf32>
    %get3A_13 = arith.constant 0 : index
    %get3A_14 = arith.constant 0 : index
    %get3A_15 = vector.load %arg3[%get3A_13, %get3A_14] : memref<512x1xf32, #tpu.memory_space<vmem>>, vector<512x1xf32>
    %mul3A = vector.broadcast %get3A_15 : vector<512x1xf32> to vector<512x128xf32>
    %mul3A_16 = arith.mulf %add3A_12, %mul3A : vector<512x128xf32>
    %get3A_17 = arith.constant 0 : index
    %get3A_18 = arith.constant 0 : index
    %get3A_19 = vector.load %arg5[%get3A_17, %get3A_18] : memref<1x128xf32, #tpu.memory_space<vmem>>, vector<1x128xf32>
    %add3A_20 = vector.broadcast %get3A_19 : vector<1x128xf32> to vector<512x128xf32>
    %add3A_21 = arith.addf %mul3A_16, %add3A_20 : vector<512x128xf32>
    %reduce_sum3A = arith.constant dense<0.000000e+00> : vector<512xf32>
    %reduce_sum3A_22 = vector.multi_reduction <add>, %add3A_21, %reduce_sum3A [1] : vector<512x128xf32> to vector<512xf32>
    %broadcast_in_dim3A = vector.shape_cast %reduce_sum3A_22 : vector<512xf32> to vector<512x1xf32>
    %div3A = arith.constant 1.280000e+02 : f32
    %div3A_23 = vector.broadcast %div3A : f32 to vector<512x1xf32>
    %div3A_24 = arith.divf %broadcast_in_dim3A, %div3A_23 : vector<512x1xf32>
    %sub3A = vector.broadcast %div3A_24 : vector<512x1xf32> to vector<512x128xf32>
    %sub3A_25 = arith.subf %add3A_21, %sub3A : vector<512x128xf32>
    %integer_pow3A = arith.mulf %sub3A_25, %sub3A_25 : vector<512x128xf32>
    %reduce_sum3A_26 = arith.constant dense<0.000000e+00> : vector<512xf32>
    %reduce_sum3A_27 = vector.multi_reduction <add>, %integer_pow3A, %reduce_sum3A_26 [1] : vector<512x128xf32> to vector<512xf32>
    %broadcast_in_dim3A_28 = vector.shape_cast %reduce_sum3A_27 : vector<512xf32> to vector<512x1xf32>
    %div3A_29 = arith.constant 1.280000e+02 : f32
    %div3A_30 = vector.broadcast %div3A_29 : f32 to vector<512x1xf32>
    %div3A_31 = arith.divf %broadcast_in_dim3A_28, %div3A_30 : vector<512x1xf32>
    %sub3A_32 = vector.broadcast %div3A_24 : vector<512x1xf32> to vector<512x128xf32>
    %sub3A_33 = arith.subf %add3A_21, %sub3A_32 : vector<512x128xf32>
    %add3A_34 = arith.constant 9.99999974E-6 : f32
    %add3A_35 = vector.broadcast %add3A_34 : f32 to vector<512x1xf32>
    %add3A_36 = arith.addf %div3A_31, %add3A_35 : vector<512x1xf32>
    %sqrt3A = math.sqrt %add3A_36 : vector<512x1xf32>
    %div3A_37 = vector.broadcast %sqrt3A : vector<512x1xf32> to vector<512x128xf32>
    %div3A_38 = arith.divf %sub3A_33, %div3A_37 : vector<512x128xf32>
    %get3A_39 = arith.constant 0 : index
    %get3A_40 = arith.constant 0 : index
    %get3A_41 = vector.load %arg6[%get3A_39, %get3A_40] : memref<1x128xf32, #tpu.memory_space<vmem>>, vector<1x128xf32>
    %mul3A_42 = vector.broadcast %get3A_41 : vector<1x128xf32> to vector<512x128xf32>
    %mul3A_43 = arith.mulf %div3A_38, %mul3A_42 : vector<512x128xf32>
    %get3A_44 = arith.constant 0 : index
    %get3A_45 = arith.constant 0 : index
    %get3A_46 = vector.load %arg7[%get3A_44, %get3A_45] : memref<1x128xf32, #tpu.memory_space<vmem>>, vector<1x128xf32>
    %add3A_47 = vector.broadcast %get3A_46 : vector<1x128xf32> to vector<512x128xf32>
    %add3A_48 = arith.addf %mul3A_43, %add3A_47 : vector<512x128xf32>
    %max3A = arith.constant 0.000000e+00 : f32
    %max3A_49 = vector.broadcast %max3A : f32 to vector<512x128xf32>
    %max3A_50 = arith.maximumf %add3A_48, %max3A_49 : vector<512x128xf32>
    %get3A_51 = arith.constant 0 : index
    %get3A_52 = arith.constant 0 : index
    %get3A_53 = vector.load %arg4[%get3A_51, %get3A_52] : memref<512x128xf32, #tpu.memory_space<vmem>>, vector<512x128xf32>
    %add3A_54 = arith.addf %max3A_50, %get3A_53 : vector<512x128xf32>
    %swap3A = arith.constant 0 : index
    %swap3A_55 = arith.constant 0 : index
    %swap3A_56 = vector.load %arg9[%swap3A, %swap3A_55] : memref<512x128xf32, #tpu.memory_space<vmem>>, vector<512x128xf32>
    tpu.vector_store %arg9[%swap3A, %swap3A_55], %add3A_54 {strides = array<i32>} : memref<512x128xf32, #tpu.memory_space<vmem>>, vector<512x128xf32>,
    %get3A_57 = arith.constant 0 : index
    %get3A_58 = arith.constant 0 : index
    %get3A_59 = vector.load %arg8[%get3A_57, %get3A_58] : memref<128x128xf32, #tpu.memory_space<vmem>>, vector<128x128xf32>
    %dot_general3A = arith.constant dense<0.000000e+00> : vector<512x128xf32>
    %dot_general3A_60 = tpu.matmul %add3A_54, %get3A_59, %dot_general3A {dimension_numbers = #tpu.dot_dimension_numbers<[1], [0], [0], [1], [0, 0, 1, 1], [], []>, transpose_lhs_hint = false} : vector<512x128xf32>, vector<128x128xf32>, vector<512x128xf32> -> vector<512x128xf32>
    %mul3A_61 = vector.broadcast %get3A_15 : vector<512x1xf32> to vector<512x128xf32>
    %mul3A_62 = arith.mulf %dot_general3A_60, %mul3A_61 : vector<512x128xf32>
    %swap3A_63 = arith.constant 0 : index
    %swap3A_64 = arith.constant 0 : index
    %swap3A_65 = vector.load %arg10[%swap3A_63, %swap3A_64] : memref<512x128xf32, #tpu.memory_space<vmem>>, vector<512x128xf32>
    tpu.vector_store %arg10[%swap3A_63, %swap3A_64], %mul3A_62 {strides = array<i32>} : memref<512x128xf32, #tpu.memory_space<vmem>>, vector<512x128xf32>,
    return
  }
  func.func @transform_0(%arg0: i32) -> (i32, i32, i32) {
    %c0_i32 = arith.constant 0 : i32
    %c0_i32_0 = arith.constant 0 : i32
    %c0_i32_1 = arith.constant 0 : i32
    return %c0_i32, %arg0, %c0_i32_0 : i32, i32, i32
  }
  func.func @transform_1(%arg0: i32) -> (i32, i32) {
    %c0_i32 = arith.constant 0 : i32
    %c0_i32_0 = arith.constant 0 : i32
    return %arg0, %c0_i32 : i32, i32
  }
  func.func @transform_2(%arg0: i32) -> (i32, i32) {
    %c0_i32 = arith.constant 0 : i32
    %c0_i32_0 = arith.constant 0 : i32
    return %arg0, %c0_i32 : i32, i32
  }
  func.func @transform_3(%arg0: i32) -> (i32, i32) {
    %c0_i32 = arith.constant 0 : i32
    %c0_i32_0 = arith.constant 0 : i32
    return %arg0, %c0_i32 : i32, i32
  }
  func.func @transform_4(%arg0: i32) -> (i32, i32) {
    %c0_i32 = arith.constant 0 : i32
    %c0_i32_0 = arith.constant 0 : i32
    %c0_i32_1 = arith.constant 0 : i32
    return %c0_i32, %c0_i32_0 : i32, i32
  }
  func.func @transform_5(%arg0: i32) -> (i32, i32) {
    %c0_i32 = arith.constant 0 : i32
    %c0_i32_0 = arith.constant 0 : i32
    %c0_i32_1 = arith.constant 0 : i32
    return %c0_i32, %c0_i32_0 : i32, i32
  }
  func.func @transform_6(%arg0: i32) -> (i32, i32) {
    %c0_i32 = arith.constant 0 : i32
    %c0_i32_0 = arith.constant 0 : i32
    %c0_i32_1 = arith.constant 0 : i32
    return %c0_i32, %c0_i32_0 : i32, i32
  }
  func.func @transform_7(%arg0: i32) -> (i32, i32) {
    %c0_i32 = arith.constant 0 : i32
    %c0_i32_0 = arith.constant 0 : i32
    %c0_i32_1 = arith.constant 0 : i32
    return %c0_i32, %c0_i32_0 : i32, i32
  }
  func.func @transform_8(%arg0: i32) -> (i32, i32) {
    %c0_i32 = arith.constant 0 : i32
    %c0_i32_0 = arith.constant 0 : i32
    return %arg0, %c0_i32 : i32, i32
  }
  func.func @transform_9(%arg0: i32) -> (i32, i32) {
    %c0_i32 = arith.constant 0 : i32
    %c0_i32_0 = arith.constant 0 : i32
    return %arg0, %c0_i32 : i32, i32
  }
}

module attributes {stable_mosaic.version = 14 : i64} {
  func.func @body(%arg0: i32, %arg1: memref<512x128xf32, #tpu.memory_space<vmem>>, %arg2: memref<512x128xf32, #tpu.memory_space<vmem>>, %arg3: memref<128x128xf32, #tpu.memory_space<vmem>>, %arg4: memref<128x128xf32, #tpu.memory_space<vmem>>, %arg5: memref<1x128xf32, #tpu.memory_space<vmem>>, %arg6: memref<128x64xf32, #tpu.memory_space<vmem>>, %arg7: memref<1x64xf32, #tpu.memory_space<vmem>>, %arg8: memref<64x1xf32, #tpu.memory_space<vmem>>, %arg9: memref<1x1xf32, #tpu.memory_space<vmem>>, %arg10: memref<128x128xf32, #tpu.memory_space<vmem>>, %arg11: memref<128x128xf32, #tpu.memory_space<vmem>>, %arg12: memref<1x128xf32, #tpu.memory_space<vmem>>, %arg13: memref<128x64xf32, #tpu.memory_space<vmem>>, %arg14: memref<1x64xf32, #tpu.memory_space<vmem>>, %arg15: memref<64x4xf32, #tpu.memory_space<vmem>>, %arg16: memref<1x4xf32, #tpu.memory_space<vmem>>, %arg17: memref<512x1xf32, #tpu.memory_space<vmem>>, %arg18: memref<512x4xf32, #tpu.memory_space<vmem>>) attributes {dimension_semantics = [#tpu.dimension_semantics<arbitrary>], iteration_bounds = array<i64: 20>, scalar_prefetch = 0 : i64, scratch_operands = 0 : i64, tpu.core_type = #tpu.core_type<tc>, window_params = [{transform_indices = @transform_0, window_bounds = array<i64: 512, 128>}, {transform_indices = @transform_1, window_bounds = array<i64: 512, 128>}, {pipeline_mode = #tpu.pipeline_mode<synchronous>, transform_indices = @transform_2, window_bounds = array<i64: 128, 128>}, {pipeline_mode = #tpu.pipeline_mode<synchronous>, transform_indices = @transform_3, window_bounds = array<i64: 128, 128>}, {pipeline_mode = #tpu.pipeline_mode<synchronous>, transform_indices = @transform_4, window_bounds = array<i64: 1, 128>}, {pipeline_mode = #tpu.pipeline_mode<synchronous>, transform_indices = @transform_5, window_bounds = array<i64: 128, 64>}, {pipeline_mode = #tpu.pipeline_mode<synchronous>, transform_indices = @transform_6, window_bounds = array<i64: 1, 64>}, {pipeline_mode = #tpu.pipeline_mode<synchronous>, transform_indices = @transform_7, window_bounds = array<i64: 64, 1>}, {pipeline_mode = #tpu.pipeline_mode<synchronous>, transform_indices = @transform_8, window_bounds = array<i64: 1, 1>}, {pipeline_mode = #tpu.pipeline_mode<synchronous>, transform_indices = @transform_9, window_bounds = array<i64: 128, 128>}, {pipeline_mode = #tpu.pipeline_mode<synchronous>, transform_indices = @transform_10, window_bounds = array<i64: 128, 128>}, {pipeline_mode = #tpu.pipeline_mode<synchronous>, transform_indices = @transform_11, window_bounds = array<i64: 1, 128>}, {pipeline_mode = #tpu.pipeline_mode<synchronous>, transform_indices = @transform_12, window_bounds = array<i64: 128, 64>}, {pipeline_mode = #tpu.pipeline_mode<synchronous>, transform_indices = @transform_13, window_bounds = array<i64: 1, 64>}, {pipeline_mode = #tpu.pipeline_mode<synchronous>, transform_indices = @transform_14, window_bounds = array<i64: 64, 4>}, {pipeline_mode = #tpu.pipeline_mode<synchronous>, transform_indices = @transform_15, window_bounds = array<i64: 1, 4>}, {transform_indices = @transform_16, window_bounds = array<i64: 512, 1>}, {transform_indices = @transform_17, window_bounds = array<i64: 512, 4>}]} {
    %get3A = arith.constant 0 : index
    %get3A_0 = arith.constant 0 : index
    %get3A_1 = vector.load %arg1[%get3A, %get3A_0] : memref<512x128xf32, #tpu.memory_space<vmem>>, vector<512x128xf32>
    %get3A_2 = arith.constant 0 : index
    %get3A_3 = arith.constant 0 : index
    %get3A_4 = vector.load %arg2[%get3A_2, %get3A_3] : memref<512x128xf32, #tpu.memory_space<vmem>>, vector<512x128xf32>
    %get3A_5 = arith.constant 0 : index
    %get3A_6 = arith.constant 0 : index
    %get3A_7 = vector.load %arg3[%get3A_5, %get3A_6] : memref<128x128xf32, #tpu.memory_space<vmem>>, vector<128x128xf32>
    %dot_general3A = arith.constant dense<0.000000e+00> : vector<512x128xf32>
    %dot_general3A_8 = tpu.matmul %get3A_1, %get3A_7, %dot_general3A {dimension_numbers = #tpu.dot_dimension_numbers<[1], [0], [0], [1], [0, 0, 1, 1], [], []>, transpose_lhs_hint = false} : vector<512x128xf32>, vector<128x128xf32>, vector<512x128xf32> -> vector<512x128xf32>
    %get3A_9 = arith.constant 0 : index
    %get3A_10 = arith.constant 0 : index
    %get3A_11 = vector.load %arg4[%get3A_9, %get3A_10] : memref<128x128xf32, #tpu.memory_space<vmem>>, vector<128x128xf32>
    %dot_general3A_12 = arith.constant dense<0.000000e+00> : vector<512x128xf32>
    %dot_general3A_13 = tpu.matmul %get3A_4, %get3A_11, %dot_general3A_12 {dimension_numbers = #tpu.dot_dimension_numbers<[1], [0], [0], [1], [0, 0, 1, 1], [], []>, transpose_lhs_hint = false} : vector<512x128xf32>, vector<128x128xf32>, vector<512x128xf32> -> vector<512x128xf32>
    %add3A = arith.addf %dot_general3A_8, %dot_general3A_13 : vector<512x128xf32>
    %get3A_14 = arith.constant 0 : index
    %get3A_15 = arith.constant 0 : index
    %get3A_16 = vector.load %arg5[%get3A_14, %get3A_15] : memref<1x128xf32, #tpu.memory_space<vmem>>, vector<1x128xf32>
    %add3A_17 = vector.broadcast %get3A_16 : vector<1x128xf32> to vector<512x128xf32>
    %add3A_18 = arith.addf %add3A, %add3A_17 : vector<512x128xf32>
    %max3A = arith.constant 0.000000e+00 : f32
    %max3A_19 = vector.broadcast %max3A : f32 to vector<512x128xf32>
    %max3A_20 = arith.maximumf %add3A_18, %max3A_19 : vector<512x128xf32>
    %get3A_21 = arith.constant 0 : index
    %get3A_22 = arith.constant 0 : index
    %get3A_23 = vector.load %arg6[%get3A_21, %get3A_22] : memref<128x64xf32, #tpu.memory_space<vmem>>, vector<128x64xf32>
    %dot_general3A_24 = arith.constant dense<0.000000e+00> : vector<512x64xf32>
    %dot_general3A_25 = tpu.matmul %max3A_20, %get3A_23, %dot_general3A_24 {dimension_numbers = #tpu.dot_dimension_numbers<[1], [0], [0], [1], [0, 0, 1, 1], [], []>, transpose_lhs_hint = false} : vector<512x128xf32>, vector<128x64xf32>, vector<512x64xf32> -> vector<512x64xf32>
    %get3A_26 = arith.constant 0 : index
    %get3A_27 = arith.constant 0 : index
    %get3A_28 = vector.load %arg7[%get3A_26, %get3A_27] : memref<1x64xf32, #tpu.memory_space<vmem>>, vector<1x64xf32>
    %add3A_29 = vector.broadcast %get3A_28 : vector<1x64xf32> to vector<512x64xf32>
    %add3A_30 = arith.addf %dot_general3A_25, %add3A_29 : vector<512x64xf32>
    %max3A_31 = arith.constant 0.000000e+00 : f32
    %max3A_32 = vector.broadcast %max3A_31 : f32 to vector<512x64xf32>
    %max3A_33 = arith.maximumf %add3A_30, %max3A_32 : vector<512x64xf32>
    %get3A_34 = arith.constant 0 : index
    %get3A_35 = arith.constant 0 : index
    %get3A_36 = vector.load %arg8[%get3A_34, %get3A_35] : memref<64x1xf32, #tpu.memory_space<vmem>>, vector<64x1xf32>
    %dot_general3A_37 = arith.constant dense<0.000000e+00> : vector<512x1xf32>
    %dot_general3A_38 = tpu.matmul %max3A_33, %get3A_36, %dot_general3A_37 {dimension_numbers = #tpu.dot_dimension_numbers<[1], [0], [0], [1], [0, 0, 1, 1], [], []>, transpose_lhs_hint = false} : vector<512x64xf32>, vector<64x1xf32>, vector<512x1xf32> -> vector<512x1xf32>
    %get3A_39 = arith.constant 0 : index
    %get3A_40 = arith.constant 0 : index
    %get3A_41 = vector.load %arg9[%get3A_39, %get3A_40] : memref<1x1xf32, #tpu.memory_space<vmem>>, vector<1x1xf32>
    %add3A_42 = vector.broadcast %get3A_41 : vector<1x1xf32> to vector<512x1xf32>
    %add3A_43 = arith.addf %dot_general3A_38, %add3A_42 : vector<512x1xf32>
    %swap3A = arith.constant 0 : index
    %swap3A_44 = arith.constant 0 : index
    %swap3A_45 = vector.load %arg17[%swap3A, %swap3A_44] : memref<512x1xf32, #tpu.memory_space<vmem>>, vector<512x1xf32>
    tpu.vector_store %arg17[%swap3A, %swap3A_44], %add3A_43 {strides = array<i32>} : memref<512x1xf32, #tpu.memory_space<vmem>>, vector<512x1xf32>,
    %get3A_46 = arith.constant 0 : index
    %get3A_47 = arith.constant 0 : index
    %get3A_48 = vector.load %arg10[%get3A_46, %get3A_47] : memref<128x128xf32, #tpu.memory_space<vmem>>, vector<128x128xf32>
    %dot_general3A_49 = arith.constant dense<0.000000e+00> : vector<512x128xf32>
    %dot_general3A_50 = tpu.matmul %get3A_1, %get3A_48, %dot_general3A_49 {dimension_numbers = #tpu.dot_dimension_numbers<[1], [0], [0], [1], [0, 0, 1, 1], [], []>, transpose_lhs_hint = false} : vector<512x128xf32>, vector<128x128xf32>, vector<512x128xf32> -> vector<512x128xf32>
    %get3A_51 = arith.constant 0 : index
    %get3A_52 = arith.constant 0 : index
    %get3A_53 = vector.load %arg11[%get3A_51, %get3A_52] : memref<128x128xf32, #tpu.memory_space<vmem>>, vector<128x128xf32>
    %dot_general3A_54 = arith.constant dense<0.000000e+00> : vector<512x128xf32>
    %dot_general3A_55 = tpu.matmul %get3A_4, %get3A_53, %dot_general3A_54 {dimension_numbers = #tpu.dot_dimension_numbers<[1], [0], [0], [1], [0, 0, 1, 1], [], []>, transpose_lhs_hint = false} : vector<512x128xf32>, vector<128x128xf32>, vector<512x128xf32> -> vector<512x128xf32>
    %add3A_56 = arith.addf %dot_general3A_50, %dot_general3A_55 : vector<512x128xf32>
    %get3A_57 = arith.constant 0 : index
    %get3A_58 = arith.constant 0 : index
    %get3A_59 = vector.load %arg12[%get3A_57, %get3A_58] : memref<1x128xf32, #tpu.memory_space<vmem>>, vector<1x128xf32>
    %add3A_60 = vector.broadcast %get3A_59 : vector<1x128xf32> to vector<512x128xf32>
    %add3A_61 = arith.addf %add3A_56, %add3A_60 : vector<512x128xf32>
    %max3A_62 = arith.constant 0.000000e+00 : f32
    %max3A_63 = vector.broadcast %max3A_62 : f32 to vector<512x128xf32>
    %max3A_64 = arith.maximumf %add3A_61, %max3A_63 : vector<512x128xf32>
    %get3A_65 = arith.constant 0 : index
    %get3A_66 = arith.constant 0 : index
    %get3A_67 = vector.load %arg13[%get3A_65, %get3A_66] : memref<128x64xf32, #tpu.memory_space<vmem>>, vector<128x64xf32>
    %dot_general3A_68 = arith.constant dense<0.000000e+00> : vector<512x64xf32>
    %dot_general3A_69 = tpu.matmul %max3A_64, %get3A_67, %dot_general3A_68 {dimension_numbers = #tpu.dot_dimension_numbers<[1], [0], [0], [1], [0, 0, 1, 1], [], []>, transpose_lhs_hint = false} : vector<512x128xf32>, vector<128x64xf32>, vector<512x64xf32> -> vector<512x64xf32>
    %get3A_70 = arith.constant 0 : index
    %get3A_71 = arith.constant 0 : index
    %get3A_72 = vector.load %arg14[%get3A_70, %get3A_71] : memref<1x64xf32, #tpu.memory_space<vmem>>, vector<1x64xf32>
    %add3A_73 = vector.broadcast %get3A_72 : vector<1x64xf32> to vector<512x64xf32>
    %add3A_74 = arith.addf %dot_general3A_69, %add3A_73 : vector<512x64xf32>
    %max3A_75 = arith.constant 0.000000e+00 : f32
    %max3A_76 = vector.broadcast %max3A_75 : f32 to vector<512x64xf32>
    %max3A_77 = arith.maximumf %add3A_74, %max3A_76 : vector<512x64xf32>
    %get3A_78 = arith.constant 0 : index
    %get3A_79 = arith.constant 0 : index
    %get3A_80 = vector.load %arg15[%get3A_78, %get3A_79] : memref<64x4xf32, #tpu.memory_space<vmem>>, vector<64x4xf32>
    %dot_general3A_81 = arith.constant dense<0.000000e+00> : vector<512x4xf32>
    %dot_general3A_82 = tpu.matmul %max3A_77, %get3A_80, %dot_general3A_81 {dimension_numbers = #tpu.dot_dimension_numbers<[1], [0], [0], [1], [0, 0, 1, 1], [], []>, transpose_lhs_hint = false} : vector<512x64xf32>, vector<64x4xf32>, vector<512x4xf32> -> vector<512x4xf32>
    %get3A_83 = arith.constant 0 : index
    %get3A_84 = arith.constant 0 : index
    %get3A_85 = vector.load %arg16[%get3A_83, %get3A_84] : memref<1x4xf32, #tpu.memory_space<vmem>>, vector<1x4xf32>
    %add3A_86 = vector.broadcast %get3A_85 : vector<1x4xf32> to vector<512x4xf32>
    %add3A_87 = arith.addf %dot_general3A_82, %add3A_86 : vector<512x4xf32>
    %swap3A_88 = arith.constant 0 : index
    %swap3A_89 = arith.constant 0 : index
    %swap3A_90 = vector.load %arg18[%swap3A_88, %swap3A_89] : memref<512x4xf32, #tpu.memory_space<vmem>>, vector<512x4xf32>
    tpu.vector_store %arg18[%swap3A_88, %swap3A_89], %add3A_87 {strides = array<i32>} : memref<512x4xf32, #tpu.memory_space<vmem>>, vector<512x4xf32>,
    return
  }
  func.func @transform_0(%arg0: i32) -> (i32, i32) {
    %c0_i32 = arith.constant 0 : i32
    %c0_i32_0 = arith.constant 0 : i32
    return %arg0, %c0_i32 : i32, i32
  }
  func.func @transform_1(%arg0: i32) -> (i32, i32) {
    %c0_i32 = arith.constant 0 : i32
    %c0_i32_0 = arith.constant 0 : i32
    return %arg0, %c0_i32 : i32, i32
  }
  func.func @transform_2(%arg0: i32) -> (i32, i32) {
    %c0_i32 = arith.constant 0 : i32
    %c0_i32_0 = arith.constant 0 : i32
    %c0_i32_1 = arith.constant 0 : i32
    return %c0_i32, %c0_i32_0 : i32, i32
  }
  func.func @transform_3(%arg0: i32) -> (i32, i32) {
    %c0_i32 = arith.constant 0 : i32
    %c0_i32_0 = arith.constant 0 : i32
    %c0_i32_1 = arith.constant 0 : i32
    return %c0_i32, %c0_i32_0 : i32, i32
  }
  func.func @transform_4(%arg0: i32) -> (i32, i32) {
    %c0_i32 = arith.constant 0 : i32
    %c0_i32_0 = arith.constant 0 : i32
    %c0_i32_1 = arith.constant 0 : i32
    return %c0_i32, %c0_i32_0 : i32, i32
  }
  func.func @transform_5(%arg0: i32) -> (i32, i32) {
    %c0_i32 = arith.constant 0 : i32
    %c0_i32_0 = arith.constant 0 : i32
    %c0_i32_1 = arith.constant 0 : i32
    return %c0_i32, %c0_i32_0 : i32, i32
  }
  func.func @transform_6(%arg0: i32) -> (i32, i32) {
    %c0_i32 = arith.constant 0 : i32
    %c0_i32_0 = arith.constant 0 : i32
    %c0_i32_1 = arith.constant 0 : i32
    return %c0_i32, %c0_i32_0 : i32, i32
  }
  func.func @transform_7(%arg0: i32) -> (i32, i32) {
    %c0_i32 = arith.constant 0 : i32
    %c0_i32_0 = arith.constant 0 : i32
    %c0_i32_1 = arith.constant 0 : i32
    return %c0_i32, %c0_i32_0 : i32, i32
  }
  func.func @transform_8(%arg0: i32) -> (i32, i32) {
    %c0_i32 = arith.constant 0 : i32
    %c0_i32_0 = arith.constant 0 : i32
    %c0_i32_1 = arith.constant 0 : i32
    return %c0_i32, %c0_i32_0 : i32, i32
  }
  func.func @transform_9(%arg0: i32) -> (i32, i32) {
    %c0_i32 = arith.constant 0 : i32
    %c0_i32_0 = arith.constant 0 : i32
    %c0_i32_1 = arith.constant 0 : i32
    return %c0_i32, %c0_i32_0 : i32, i32
  }
  func.func @transform_10(%arg0: i32) -> (i32, i32) {
    %c0_i32 = arith.constant 0 : i32
    %c0_i32_0 = arith.constant 0 : i32
    %c0_i32_1 = arith.constant 0 : i32
    return %c0_i32, %c0_i32_0 : i32, i32
  }
  func.func @transform_11(%arg0: i32) -> (i32, i32) {
    %c0_i32 = arith.constant 0 : i32
    %c0_i32_0 = arith.constant 0 : i32
    %c0_i32_1 = arith.constant 0 : i32
    return %c0_i32, %c0_i32_0 : i32, i32
  }
  func.func @transform_12(%arg0: i32) -> (i32, i32) {
    %c0_i32 = arith.constant 0 : i32
    %c0_i32_0 = arith.constant 0 : i32
    %c0_i32_1 = arith.constant 0 : i32
    return %c0_i32, %c0_i32_0 : i32, i32
  }
  func.func @transform_13(%arg0: i32) -> (i32, i32) {
    %c0_i32 = arith.constant 0 : i32
    %c0_i32_0 = arith.constant 0 : i32
    %c0_i32_1 = arith.constant 0 : i32
    return %c0_i32, %c0_i32_0 : i32, i32
  }
  func.func @transform_14(%arg0: i32) -> (i32, i32) {
    %c0_i32 = arith.constant 0 : i32
    %c0_i32_0 = arith.constant 0 : i32
    %c0_i32_1 = arith.constant 0 : i32
    return %c0_i32, %c0_i32_0 : i32, i32
  }
  func.func @transform_15(%arg0: i32) -> (i32, i32) {
    %c0_i32 = arith.constant 0 : i32
    %c0_i32_0 = arith.constant 0 : i32
    %c0_i32_1 = arith.constant 0 : i32
    return %c0_i32, %c0_i32_0 : i32, i32
  }
  func.func @transform_16(%arg0: i32) -> (i32, i32) {
    %c0_i32 = arith.constant 0 : i32
    %c0_i32_0 = arith.constant 0 : i32
    return %arg0, %c0_i32 : i32, i32
  }
  func.func @transform_17(%arg0: i32) -> (i32, i32) {
    %c0_i32 = arith.constant 0 : i32
    %c0_i32_0 = arith.constant 0 : i32
    return %arg0, %c0_i32 : i32, i32
  }
}

module attributes {stable_mosaic.version = 14 : i64} {
  func.func @body(%arg0: memref<2x384x128xf32, #tpu.memory_space<vmem>>, %arg1: memref<2x384xf32, #tpu.memory_space<vmem>>, %arg2: memref<256x128xf32, #tpu.memory_space<vmem>>, %arg3: memref<128x128xf32, #tpu.memory_space<vmem>>, %arg4: memref<1x128xf32, #tpu.memory_space<vmem>>, %arg5: memref<128x1xf32, #tpu.memory_space<vmem>>, %arg6: memref<1x1xf32, #tpu.memory_space<vmem>>, %arg7: memref<128x128xf32, #tpu.memory_space<vmem>>, %arg8: memref<1x128xf32, #tpu.memory_space<vmem>>, %arg9: memref<128x10xf32, #tpu.memory_space<vmem>>, %arg10: memref<1x10xf32, #tpu.memory_space<vmem>>, %arg11: memref<128x128xf32, #tpu.memory_space<vmem>>, %arg12: memref<1x128xf32, #tpu.memory_space<vmem>>, %arg13: memref<128x4xf32, #tpu.memory_space<vmem>>, %arg14: memref<1x4xf32, #tpu.memory_space<vmem>>, %arg15: memref<256x1xf32, #tpu.memory_space<vmem>>, %arg16: memref<256x10xf32, #tpu.memory_space<vmem>>, %arg17: memref<256x4xf32, #tpu.memory_space<vmem>>) attributes {dimension_semantics = [], scalar_prefetch = 0 : i64, scratch_operands = 0 : i64, tpu.core_type = #tpu.core_type<tc>} {
    %get3A = arith.constant 0 : index
    %get3A_0 = arith.constant 0 : index
    %get3A_1 = vector.load %arg1[%get3A, %get3A_0] : memref<2x384xf32, #tpu.memory_space<vmem>>, vector<1x384xf32>
    %get3A_2 = vector.shape_cast %get3A_1 : vector<1x384xf32> to vector<384xf32>
    %get3A_3 = arith.constant 1 : index
    %get3A_4 = arith.constant 0 : index
    %get3A_5 = vector.load %arg1[%get3A_3, %get3A_4] : memref<2x384xf32, #tpu.memory_space<vmem>>, vector<1x384xf32>
    %get3A_6 = vector.shape_cast %get3A_5 : vector<1x384xf32> to vector<384xf32>
    %add3A = arith.addf %get3A_2, %get3A_6 : vector<384xf32>
    %get3A_7 = arith.constant 0 : index
    %get3A_8 = arith.constant 0 : index
    %get3A_9 = arith.constant 0 : index
    %get3A_10 = vector.load %arg0[%get3A_7, %get3A_8, %get3A_9] : memref<2x384x128xf32, #tpu.memory_space<vmem>>, vector<1x384x128xf32>
    %get3A_11 = vector.shape_cast %get3A_10 : vector<1x384x128xf32> to vector<384x128xf32>
    %get3A_12 = arith.constant 1 : index
    %get3A_13 = arith.constant 0 : index
    %get3A_14 = arith.constant 0 : index
    %get3A_15 = vector.load %arg0[%get3A_12, %get3A_13, %get3A_14] : memref<2x384x128xf32, #tpu.memory_space<vmem>>, vector<1x384x128xf32>
    %get3A_16 = vector.shape_cast %get3A_15 : vector<1x384x128xf32> to vector<384x128xf32>
    %add3A_17 = arith.addf %get3A_11, %get3A_16 : vector<384x128xf32>
    %max3A = arith.constant 1.000000e+00 : f32
    %max3A_18 = vector.broadcast %max3A : f32 to vector<384xf32>
    %max3A_19 = arith.maximumf %add3A, %max3A_18 : vector<384xf32>
    %broadcast_in_dim3A = vector.shape_cast %max3A_19 : vector<384xf32> to vector<384x1xf32>
    %div3A = vector.broadcast %broadcast_in_dim3A : vector<384x1xf32> to vector<384x128xf32>
    %div3A_20 = arith.divf %add3A_17, %div3A : vector<384x128xf32>
    %get3A_21 = arith.constant 0 : index
    %get3A_22 = arith.constant 0 : index
    %get3A_23 = vector.load %arg3[%get3A_21, %get3A_22] : memref<128x128xf32, #tpu.memory_space<vmem>>, vector<128x128xf32>
    %dot_general3A = arith.constant dense<0.000000e+00> : vector<384x128xf32>
    %dot_general3A_24 = tpu.matmul %div3A_20, %get3A_23, %dot_general3A {dimension_numbers = #tpu.dot_dimension_numbers<[1], [0], [0], [1], [0, 0, 1, 1], [], []>, transpose_lhs_hint = false} : vector<384x128xf32>, vector<128x128xf32>, vector<384x128xf32> -> vector<384x128xf32>
    %get3A_25 = arith.constant 0 : index
    %get3A_26 = arith.constant 0 : index
    %get3A_27 = vector.load %arg4[%get3A_25, %get3A_26] : memref<1x128xf32, #tpu.memory_space<vmem>>, vector<1x128xf32>
    %add3A_28 = vector.broadcast %get3A_27 : vector<1x128xf32> to vector<384x128xf32>
    %add3A_29 = arith.addf %dot_general3A_24, %add3A_28 : vector<384x128xf32>
    %max3A_30 = arith.constant 0.000000e+00 : f32
    %max3A_31 = vector.broadcast %max3A_30 : f32 to vector<384x128xf32>
    %max3A_32 = arith.maximumf %add3A_29, %max3A_31 : vector<384x128xf32>
    %get3A_33 = arith.constant 0 : index
    %get3A_34 = arith.constant 0 : index
    %get3A_35 = vector.load %arg5[%get3A_33, %get3A_34] : memref<128x1xf32, #tpu.memory_space<vmem>>, vector<128x1xf32>
    %dot_general3A_36 = arith.constant dense<0.000000e+00> : vector<384x1xf32>
    %dot_general3A_37 = tpu.matmul %max3A_32, %get3A_35, %dot_general3A_36 {dimension_numbers = #tpu.dot_dimension_numbers<[1], [0], [0], [1], [0, 0, 1, 1], [], []>, transpose_lhs_hint = false} : vector<384x128xf32>, vector<128x1xf32>, vector<384x1xf32> -> vector<384x1xf32>
    %get3A_38 = arith.constant 0 : index
    %get3A_39 = arith.constant 0 : index
    %get3A_40 = vector.load %arg6[%get3A_38, %get3A_39] : memref<1x1xf32, #tpu.memory_space<vmem>>, vector<1x1xf32>
    %add3A_41 = vector.broadcast %get3A_40 : vector<1x1xf32> to vector<384x1xf32>
    %add3A_42 = arith.addf %dot_general3A_37, %add3A_41 : vector<384x1xf32>
    %slice3A = vector.extract_strided_slice %add3A_42 {offsets = [0, 0], sizes = [256, 1], strides = [1, 1]} : vector<384x1xf32> to vector<256x1xf32>
    %swap3A = arith.constant 0 : index
    %swap3A_43 = arith.constant 0 : index
    %swap3A_44 = vector.load %arg15[%swap3A, %swap3A_43] : memref<256x1xf32, #tpu.memory_space<vmem>>, vector<256x1xf32>
    tpu.vector_store %arg15[%swap3A, %swap3A_43], %slice3A {strides = array<i32>} : memref<256x1xf32, #tpu.memory_space<vmem>>, vector<256x1xf32>,
    %get3A_45 = arith.constant 0 : index
    %get3A_46 = arith.constant 0 : index
    %get3A_47 = vector.load %arg7[%get3A_45, %get3A_46] : memref<128x128xf32, #tpu.memory_space<vmem>>, vector<128x128xf32>
    %dot_general3A_48 = arith.constant dense<0.000000e+00> : vector<384x128xf32>
    %dot_general3A_49 = tpu.matmul %div3A_20, %get3A_47, %dot_general3A_48 {dimension_numbers = #tpu.dot_dimension_numbers<[1], [0], [0], [1], [0, 0, 1, 1], [], []>, transpose_lhs_hint = false} : vector<384x128xf32>, vector<128x128xf32>, vector<384x128xf32> -> vector<384x128xf32>
    %get3A_50 = arith.constant 0 : index
    %get3A_51 = arith.constant 0 : index
    %get3A_52 = vector.load %arg8[%get3A_50, %get3A_51] : memref<1x128xf32, #tpu.memory_space<vmem>>, vector<1x128xf32>
    %add3A_53 = vector.broadcast %get3A_52 : vector<1x128xf32> to vector<384x128xf32>
    %add3A_54 = arith.addf %dot_general3A_49, %add3A_53 : vector<384x128xf32>
    %max3A_55 = arith.constant 0.000000e+00 : f32
    %max3A_56 = vector.broadcast %max3A_55 : f32 to vector<384x128xf32>
    %max3A_57 = arith.maximumf %add3A_54, %max3A_56 : vector<384x128xf32>
    %get3A_58 = arith.constant 0 : index
    %get3A_59 = arith.constant 0 : index
    %get3A_60 = vector.load %arg9[%get3A_58, %get3A_59] : memref<128x10xf32, #tpu.memory_space<vmem>>, vector<128x10xf32>
    %dot_general3A_61 = arith.constant dense<0.000000e+00> : vector<384x10xf32>
    %dot_general3A_62 = tpu.matmul %max3A_57, %get3A_60, %dot_general3A_61 {dimension_numbers = #tpu.dot_dimension_numbers<[1], [0], [0], [1], [0, 0, 1, 1], [], []>, transpose_lhs_hint = false} : vector<384x128xf32>, vector<128x10xf32>, vector<384x10xf32> -> vector<384x10xf32>
    %get3A_63 = arith.constant 0 : index
    %get3A_64 = arith.constant 0 : index
    %get3A_65 = vector.load %arg10[%get3A_63, %get3A_64] : memref<1x10xf32, #tpu.memory_space<vmem>>, vector<1x10xf32>
    %add3A_66 = vector.broadcast %get3A_65 : vector<1x10xf32> to vector<384x10xf32>
    %add3A_67 = arith.addf %dot_general3A_62, %add3A_66 : vector<384x10xf32>
    %slice3A_68 = vector.extract_strided_slice %add3A_67 {offsets = [0, 0], sizes = [256, 10], strides = [1, 1]} : vector<384x10xf32> to vector<256x10xf32>
    %swap3A_69 = arith.constant 0 : index
    %swap3A_70 = arith.constant 0 : index
    %swap3A_71 = vector.load %arg16[%swap3A_69, %swap3A_70] : memref<256x10xf32, #tpu.memory_space<vmem>>, vector<256x10xf32>
    tpu.vector_store %arg16[%swap3A_69, %swap3A_70], %slice3A_68 {strides = array<i32>} : memref<256x10xf32, #tpu.memory_space<vmem>>, vector<256x10xf32>,
    %get3A_72 = arith.constant 0 : index
    %get3A_73 = arith.constant 0 : index
    %get3A_74 = vector.load %arg2[%get3A_72, %get3A_73] : memref<256x128xf32, #tpu.memory_space<vmem>>, vector<256x128xf32>
    %get3A_75 = arith.constant 0 : index
    %get3A_76 = arith.constant 0 : index
    %get3A_77 = vector.load %arg11[%get3A_75, %get3A_76] : memref<128x128xf32, #tpu.memory_space<vmem>>, vector<128x128xf32>
    %dot_general3A_78 = arith.constant dense<0.000000e+00> : vector<256x128xf32>
    %dot_general3A_79 = tpu.matmul %get3A_74, %get3A_77, %dot_general3A_78 {dimension_numbers = #tpu.dot_dimension_numbers<[1], [0], [0], [1], [0, 0, 1, 1], [], []>, transpose_lhs_hint = false} : vector<256x128xf32>, vector<128x128xf32>, vector<256x128xf32> -> vector<256x128xf32>
    %get3A_80 = arith.constant 0 : index
    %get3A_81 = arith.constant 0 : index
    %get3A_82 = vector.load %arg12[%get3A_80, %get3A_81] : memref<1x128xf32, #tpu.memory_space<vmem>>, vector<1x128xf32>
    %add3A_83 = vector.broadcast %get3A_82 : vector<1x128xf32> to vector<256x128xf32>
    %add3A_84 = arith.addf %dot_general3A_79, %add3A_83 : vector<256x128xf32>
    %max3A_85 = arith.constant 0.000000e+00 : f32
    %max3A_86 = vector.broadcast %max3A_85 : f32 to vector<256x128xf32>
    %max3A_87 = arith.maximumf %add3A_84, %max3A_86 : vector<256x128xf32>
    %get3A_88 = arith.constant 0 : index
    %get3A_89 = arith.constant 0 : index
    %get3A_90 = vector.load %arg13[%get3A_88, %get3A_89] : memref<128x4xf32, #tpu.memory_space<vmem>>, vector<128x4xf32>
    %dot_general3A_91 = arith.constant dense<0.000000e+00> : vector<256x4xf32>
    %dot_general3A_92 = tpu.matmul %max3A_87, %get3A_90, %dot_general3A_91 {dimension_numbers = #tpu.dot_dimension_numbers<[1], [0], [0], [1], [0, 0, 1, 1], [], []>, transpose_lhs_hint = false} : vector<256x128xf32>, vector<128x4xf32>, vector<256x4xf32> -> vector<256x4xf32>
    %get3A_93 = arith.constant 0 : index
    %get3A_94 = arith.constant 0 : index
    %get3A_95 = vector.load %arg14[%get3A_93, %get3A_94] : memref<1x4xf32, #tpu.memory_space<vmem>>, vector<1x4xf32>
    %add3A_96 = vector.broadcast %get3A_95 : vector<1x4xf32> to vector<256x4xf32>
    %add3A_97 = arith.addf %dot_general3A_92, %add3A_96 : vector<256x4xf32>
    %swap3A_98 = arith.constant 0 : index
    %swap3A_99 = arith.constant 0 : index
    %swap3A_100 = vector.load %arg17[%swap3A_98, %swap3A_99] : memref<256x4xf32, #tpu.memory_space<vmem>>, vector<256x4xf32>
    tpu.vector_store %arg17[%swap3A_98, %swap3A_99], %add3A_97 {strides = array<i32>} : memref<256x4xf32, #tpu.memory_space<vmem>>, vector<256x4xf32>,
    return
  }
}

</mosaic_0001>

<sc_bundles>
// kernel: kernel.13.cloned.1.call-start
scs
__scs_entry_jumppad:
0x0: {  	(pc) =	sbr.rel $0x88, $3  }
0x1: {  	(tag) =	ssettag $0x0;
	lr =	simm.s32 $0x1  }
0x2: {  	[smem:$0x3F78] =	sst lr;
	_ =	strace $0xD0000000  }
0x3: {  	_ = 	snop  }
0x4: {  	_ = 	snop  }
0x5: {  	_ = 	snop  }
0x6: {  	_ = 	snop  }
0x7: {  	_ = 	snop  }
__scs_overlays_trampoline_lowered:
0x8: {  	[smem:$0x3F87] =	sst s0  }
0x9: {  	[smem:$0x3F88] =	sst s1  }
0xa: {  	[smem:$0x3F89] =	sst s2  }
0xb: {  	[smem:$0x3F8A] =	sst s3  }
0xc: {  	[smem:$0x3F8B] =	sst s4  }
0xd: {  	[smem:$0x3F8C] =	sst s5  }
0xe: {  	[smem:$0x3F8D] =	sst s6  }
0xf: {  	[smem:$0x3F8E] =	sst s7  }
0x10: {  	[smem:$0x3F8F] =	sst s8  }
0x11: {  	[smem:$0x3F90] =	sst s9;
	s0 =	simm.s32 @!p0 $0x0  }
0x12: {  	s1 =	sld [smem:$0x3F76];
	s0 =	simm.s32 @p0 $0x1  }
0x13: {  	[smem:$0x3F91] =	sst s0;
	s0 =	simm.s32 @!p1 $0x0  }
0x14: {  	s2 =	sld [smem:$0x3F75];
	s0 =	simm.s32 @p1 $0x1  }
0x15: {  	[smem:$0x3F92] =	sst s0;
	s0 =	simm.s32 @!p2 $0x0  }
0x16: {  	s3 =	sld [smem:$0x3FDB];
	s0 =	simm.s32 @p2 $0x1  }
0x17: {  	s4 =	simm.s32 $0x1BF5;
	[smem:$0x3F94] =	sst s0  }
0x18: {  	s0 =	sld [smem:$0x3F77];
	_ =	swait.ge [sflag:s4], $0x0  }
0x19: {  	s7 =	sld [smem:$0x3F78]  }
0x1a: {  	s8 =	sadd.s32 $0xFFFFE003, lr  }
0x1b: {  	s9 =	sadd.s32 $0xFFFFFEF7, lr;
	s5 =	simm.s32 $0xFFFFFFFF;
	p2 =	slt.u32 s8, $0xFFFFF086  }
0x1c: {  	p1 =	slt.u32 s9, $0xF7A;
	s5 =	simm.s32 @!p2 $0x0  }
0x1d: {  	s5 =	simm.s32 @p1 $0x1;
	p0 =	seq.s32 s7, s2  }
0x1e: {  	s7 =	smul.u32 @!p0 $0xF7A, s2;
	p2 =	seq.s32 @!p0 s5, $0x0  }
0x1f: {  	s9 =	smul.u32 $0xF7A, s1;
	s8 =	simm.s32 @!p0 $0x1BF5;
	p2 =	por !p2, p0  }
0x20: {  	[sflag:s8] =	ssyncset.s32 @!p0 $0xFFFFF086;
	s6 =	sadd.s32 @!p0 s3, s7;
	s7 =	simm.s32 @!p0 $0x108  }
0x21: {  	s3 =	sadd.s32 s3, s9;
	s6 =	sadd.s32 @!p0 $0x88, s6;
	s7 =	simm.s32 @p2 $0x1082  }
0x22: {  	[simem:s7], [sflag:s8] =	dma.local @!p0 [hbm:s6], $0xF7A  }
0x23: {  	s9 =	sor.u32 $0xD0000000, s2;
	s6 =	simm.s32 $0x108;
	_ =	swait.ge @!p0 [sflag:s8], $0x0  }
0x24: {  	s3 =	sadd.s32 $0x88, s3;
	s6 =	simm.s32 @!p1 $0x1082;
	[sflag:s4] =	ssyncset.s32 $0xFFFFF086  }
0x25: {  	[simem:s6], [sflag:s4] =	dma.local [hbm:s3], $0xF7A  }
0x26: {  	[smem:$0x3F78] =	sst s1;
	(tag) =	ssettag s2;
	_ =	strace s9  }
0x27: {  	s1 =	sld [smem:$0x3F88]  }
0x28: {  	s2 =	sld [smem:$0x3F89]  }
0x29: {  	s4 =	sld [smem:$0x3F8B]  }
0x2a: {  	p0 =	seq.s32 s5, $0x0;
	s5 =	sld [smem:$0x3F8C]  }
0x2b: {  	s6 =	sld [smem:$0x3F8D]  }
0x2c: {  	s7 =	sld [smem:$0x3F8E]  }
0x2d: {  	s3 =	simm.s32 $0x108;
	s8 =	sld [smem:$0x3F8F]  }
0x2e: {  	s3 =	simm.s32 @!p0 $0x1082;
	s9 =	sld [smem:$0x3F90]  }
0x2f: {  	lr =	sadd.s32 s0, s3;
	s0 =	sld [smem:$0x3F87]  }
0x30: {  	s3 =	sld [smem:$0x3F8A]  }
0x31: {  	[smem:$0x3F93] =	sst s10  }
0x32: {  	s10 =	sld [smem:$0x3F91];
	_ =	sdelay $0x3  }
0x33: {  	p0 =	seq.s32 s10, $0x1;
	s10 =	sld [smem:$0x3F93];
	_ =	sdelay $0x3  }
0x34: {  	[smem:$0x3F93] =	sst s10  }
0x35: {  	s10 =	sld [smem:$0x3F92];
	_ =	sdelay $0x3  }
0x36: {  	p1 =	seq.s32 s10, $0x1;
	s10 =	sld [smem:$0x3F93];
	_ =	sdelay $0x3  }
0x37: {  	[smem:$0x3F93] =	sst s10  }
0x38: {  	s10 =	sld [smem:$0x3F94]  }
0x39: {  	_ = 	snop;
	(pc) =	sbr.ind lr, $3  }
0x3a: {  	_ = 	snop  }
0x3b: {  	_ = 	snop  }
0x3c: {  	p2 =	seq.s32 s10, $0x1;
	s10 =	sld [smem:$0x3F93]  }
0x3d: {  	_ =	shalt  }
0x3e: {  	_ =	shalt  }
0x3f: {  	_ =	shalt  }
0x40: {  	_ =	shalt  }
0x41: {  	_ =	shalt  }
0x42: {  	_ =	shalt  }
0x43: {  	_ =	shalt  }
0x44: {  	_ =	shalt  }
0x45: {  	_ =	shalt  }
0x46: {  	_ =	shalt  }
0x47: {  	_ =	shalt  }
0x48: {  	_ =	shalt  }
0x49: {  	_ =	shalt  }
0x4a: {  	_ =	shalt  }
0x4b: {  	_ =	shalt  }
0x4c: {  	_ =	shalt  }
0x4d: {  	_ =	shalt  }
0x4e: {  	_ =	shalt  }
0x4f: {  	_ =	shalt  }
0x50: {  	_ =	shalt  }
0x51: {  	_ =	shalt  }
0x52: {  	_ =	shalt  }
0x53: {  	_ =	shalt  }
0x54: {  	_ =	shalt  }
0x55: {  	_ =	shalt  }
0x56: {  	_ =	shalt  }
0x57: {  	_ =	shalt  }
0x58: {  	_ =	shalt  }
0x59: {  	_ =	shalt  }
0x5a: {  	_ =	shalt  }
0x5b: {  	_ =	shalt  }
0x5c: {  	_ =	shalt  }
0x5d: {  	_ =	shalt  }
0x5e: {  	_ =	shalt  }
0x5f: {  	_ =	shalt  }
0x60: {  	_ =	shalt  }
0x61: {  	_ =	shalt  }
0x62: {  	_ =	shalt  }
0x63: {  	_ =	shalt  }
0x64: {  	_ =	shalt  }
0x65: {  	_ =	shalt  }
0x66: {  	_ =	shalt  }
0x67: {  	_ =	shalt  }
0x68: {  	_ =	shalt  }
0x69: {  	_ =	shalt  }
0x6a: {  	_ =	shalt  }
0x6b: {  	_ =	shalt  }
0x6c: {  	_ =	shalt  }
0x6d: {  	_ =	shalt  }
0x6e: {  	_ =	shalt  }
0x6f: {  	_ =	shalt  }
0x70: {  	_ =	shalt  }
0x71: {  	_ =	shalt  }
0x72: {  	_ =	shalt  }
0x73: {  	_ =	shalt  }
0x74: {  	_ =	shalt  }
0x75: {  	_ =	shalt  }
0x76: {  	_ =	shalt  }
0x77: {  	_ =	shalt  }
0x78: {  	_ =	shalt  }
0x79: {  	_ =	shalt  }
0x7a: {  	_ =	shalt  }
0x7b: {  	_ =	shalt  }
0x7c: {  	_ =	shalt  }
0x7d: {  	_ =	shalt  }
0x7e: {  	_ =	shalt  }
0x7f: {  	_ =	shalt  }
0x80: {  	_ =	shalt  }
0x81: {  	_ =	shalt  }
0x82: {  	_ =	shalt  }
0x83: {  	_ =	shalt  }
0x84: {  	_ =	shalt  }
0x85: {  	_ =	shalt  }
0x86: {  	_ =	shalt  }
0x87: {  	_ =	shalt  }
.Lfunc_end0:
.L_simem_size_0:
called_computation_lowered:
.L_overlay_start_0:
0x88: {  	s2 =	sld [smem:$0x3FD9]  }
0x89: {  	s3 =	sld [smem:$0x3FFE];
	_ =	sdelay $0x1  }
0x8a: {  	s1 =	srdreg.scid  }
0x8b: {  	s0 =	sand.u32 $0x1, s1  }
0x8c: {  	s14 =	sshll.u32 s0, $0xA;
	s2 =	sadd.s32 s3, s2  }
0x8d: {  	s2 =	sadd.s32 s2, s14  }
0x8e: {  	[smem:$0x3F9F] =	sst s2  }
0x8f: {  	_ = 	snop  }
0x90: {  	s2 =	sld [smem:$0x3FD0];
	_ =	sdelay $0x2  }
0x91: {  	s15 =	simm.s32 $0xA;
	s4 =	simm.s32 $0x10  }
0x92: {  	[smem:s4], [sflag:s15] =	dma.local [hbm:s2], $0x1  }
0x93: {  	_ =	swait.eq [sflag:s15], $0x1  }
0x94: {  	[sflag:s15] =	ssyncset.done $0x0  }
0x95: {  	s16 =	sld [smem:$0x12];
	[sflag:s15] =	ssyncadd.s32 $0xFFFFFFFF  }
0x96: {  	s17 =	sld [smem:$0x15];
	(tm) =	ssettm $0x1  }
0x97: {  	s18 =	sld [smem:$0x3FFB];
	_ =	sdelay $0x3  }
0x98: {  	_ =	strace s18  }
0x99: {  	s4 =	sld [smem:$0x3FFC];
	_ =	sdelay $0x3  }
0x9a: {  	_ =	strace s4  }
0x9b: {  	s4 =	sld [smem:$0x3FFD];
	_ =	sdelay $0x3  }
0x9c: {  	_ =	strace s4  }
0x9d: {  	_ =	strace $0x8FFFFFFF  }
0x9e: {  	s19 =	sld [smem:$0x3FDB];
	_ =	sdelay $0x1  }
0x9f: {  	s5 =	simm.s32 $_scs_section_size  }
0xa0: {  	s6 =	simm.s32 $_size__tile_overlayer_lowered;
	s7 =	simm.s32 $_tile_overlayer_lowered  }
0xa1: {  	s22 =	simm.s32 $0x1BFF;
	s21 =	sshll.u32 s7, $0x1;
	s4 =	sadd.s32 s5, s19  }
0xa2: {  	s8 =	simm.s32 $0x0;
	s20 =	sshll.u32 s6, $0x1;
	s6 =	sadd.s32 s21, s4  }
0xa3: {  	[timem:s8], [sflag:s22] =	dma.local [hbm:s6], s20  }
0xa4: {  	_ =	swait.ge [sflag:s22], s20  }
0xa5: {  	s5 =	ssub.s32 $0x0, s20;
	[sflag:s22] =	ssyncset.done $0x0  }
0xa6: {  	[sflag:s22] =	ssyncadd.s32 s5;
	_ =	sdelay $0x1  }
0xa7: {  	s23 =	simm.s32 $0x1B8B  }
0xa8: {  	_ =	swait.ge [sflag:s23], $0x1  }
0xa9: {  	[sflag:s23] =	ssyncset.done $0x0  }
0xaa: {  	s25 =	simm.s32 $0x1B8E;
	s24 =	sld [smem:$0x3FFE];
	[sflag:s23] =	ssyncadd.s32 $0xFFFFFFFF  }
0xab: {  	s26 =	simm.s32 $execute0_lowered;
	[smem:$0x3FD2] =	sst s25  }
0xac: {  	s6 =	sshll.u32 s26, $0x1;
	_ =	strace $0x80000046;
	[dreg:$0x1] =	wrdreg $0xFFFFFFFF  }
0xad: {  	s28 =	simm.s32 $_size_execute0_lowered;
	s4 =	sadd.s32 s4, s6;
	[dreg:$0x0] =	wrdreg $0x0  }
0xae: {  	s6 =	sshll.u32 s28, $0x1;
	[dreg:$0x2] =	wrdreg s4  }
0xaf: {  	[dreg:$0x3] =	wrdreg s6  }
0xb0: {  	[dreg:$0x4] =	wrdreg $0xC0  }
0xb1: {  	_ =	task [dreg:s8], $0x5FFFF  }
0xb2: {  	[dreg:$0x1] =	wrdreg $0xFFFFFFFF  }
0xb3: {  	[dreg:$0x0] =	wrdreg $0x60  }
0xb4: {  	[dreg:$0x2] =	wrdreg s24  }
0xb5: {  	[dreg:$0x3] =	wrdreg s17  }
0xb6: {  	[dreg:$0x4] =	wrdreg s16  }
0xb7: {  	[dreg:$0x5] =	wrdreg $0x1000  }
0xb8: {  	[dreg:$0x6] =	wrdreg $0x3800  }
0xb9: {  	[dreg:$0x7] =	wrdreg $0x9  }
0xba: {  	_ =	task.clear_ibuf [dreg:s8], $0x8FFFF;
	_ =	strace $0x90000046  }
0xbb: {  	s29 =	simm.s32 $0x9;
	_ =	strace $0x80000048  }
0xbc: {  	_ =	swait.ge [sflag:s29], $0x1  }
0xbd: {  	[sflag:s29] =	ssyncadd.s32 $0xFFFFFFFF  }
0xbe: {  	_ =	strace $0x90000048  }
0xbf: {  	_ =	sfence  }
0xc0: {  	s30 =	sld [smem:$0x0];
	_ =	sdelay $0x2  }
0xc1: {  	s31 =	sshll.u32 s1, $0xD;
	s1 =	sshrl.u32 s1, $0x2  }
0xc2: {  	s3 =	sand.u32 $0x4000, s31;
	s1 =	sadd.s32 s1, s30  }
0xc3: {  	s0 =	sor.u32 s3, s0;
	s1 =	sshll.u32 s1, $0x11  }
0xc4: {  	s0 =	sor.u32 s1, s0  }
0xc5: {  	s0 =	sadd.s32 $0x8F2B, s0  }
0xc6: {  	[sflag:s0] =	ssyncadd.remote.s32 $0x1  }
0xc7: {  	_ =	sfence.sel $0xFFFF  }
0xc8: {  	[dreg:$0x0] =	wrdreg $0xFFFFFFFF;
	(pc) =	sbr.abs _section_cstart, $3  }
0xc9: {  	[dreg:$0x1] =	wrdreg $0xFFFFFFFF  }
0xca: {  	_ =	task.clear_ibuf [dreg:s8], $0x2FFFF;
	_ =	strace $0x9FFFFFFF  }
0xcb: {  	(tm) =	ssettm $0x7FFFFFFF  }
tec
execute0_lowered:
.L_overlay_start_1:
0x0: {  	(tag) =	ssettag $0x1  }
0x1: {  	s4 =	rddreg [dreg:$0x0]  }
0x2: {  	s7 =	rddreg [dreg:$0x1]  }
0x3: {  	s8 =	rddreg [dreg:$0x2]  }
0x4: {  	s1 =	srdreg.scid;
	s0 =	rddreg [dreg:$0x3]  }
0x5: {  	s15 =	stileid.u32;
	s2 =	rddreg [dreg:$0x4];
	s3 =	simm.s32 $0x0  }
0x6: {  	s18 =	simm.s32 $0x50;
	s19 =	simm.s32 $0x80;
	s20 =	simm.s32 $0x20  }
0x7: {  	s21 =	simm.s32 $0x10;
	s22 =	simm.s32 $0x0;
	s9 =	smul.u32 $0x2710, s15  }
0x8: {  	s5 =	sand.u32 $0x1, s1;
	s1 =	rddreg [dreg:$0x5];
	s11 =	smul.u32 $0x280, s15  }
0x9: {  	[smem:$0x7FF] =	sst s3;
	s12 =	smul.u32 $0x500, s15;
	s31 =	sshll.u32 s15, $0x6  }
0xa: {  	p0 =	sne.s32 s15, $0x0;
	s6 =	smul.u32 $0x27100, s5;
	s10 =	sshll.u32 s5, $0x4  }
0xb: {  	_ =	strace $0x80000047;
	s26 =	ssub.s32 $0x2, s5;
	s5 =	sshll.u32 s5, $0x7  }
0xc: {  	s17 =	sshrl.u32 @!p0 s2, $0x3;
	s24 =	sor.u32 s15, s10;
	s28 =	sshrl.u32 s26, $0x1  }
0xd: {  	s16 =	sadd.s32 s11, s0;
	s29 =	sshrl.u32 s11, $0x3;
	s30 =	sor.u32 s5, s12  }
0xe: {  	s8 =	sadd.s32 s8, s10;
	s6 =	sadd.s32 s9, s6;
	s9 =	smul.u32 $0x140, s24  }
0xf: {  	s11 =	sshrl.u32 s30, $0x3;
	s15 =	sshrl.u32 s16, $0x3;
	s6 =	sshrl.u32 s6, $0x3  }
0x10: {  	s16 =	simm.s32 $0x1;
	s7 =	sadd.s32 s7, s11;
	s14 =	sadd.s32 s6, s4  }
0x11: {  	s25 =	sshrl.u32 s9, $0x3;
	s9 =	ssub.s32 s26, s28;
	s6 =	sor.u32 $0x1C01, s31  }
0x12: {  	s13 =	sadd.s32 s25, s4;
	s4 =	sadd.s32 $0x13000, s4;
	s9 =	smax.u32 s9, $0x1  }
0x13: {  	s14 =	sadd.s32 $0x8C00, s14;
	s5 =	sadd.s32 s4, s29;
	s10 =	sadd.s32 $0x12A00, s13  }
0x14: {  	v0 =	vimm.f32 $1.000000000e+00;
	s11 =	sadd.s32 $0x12A0A, s13;
	s12 =	sadd.s32 $0x12A14, s13;
	s13 =	sadd.s32 $0x12A1E, s13  }
.LBB2_1:
0x15: {  	[tilespmem:$0x80] =	vst v0  }
0x16: {  	[tilespmem:$0x90] =	vst v0  }
0x17: {  	[tilespmem:$0xA0] =	vst v0  }
0x18: {  	[tilespmem:$0xB0] =	vst v0  }
0x19: {  	[tilespmem:$0xC0] =	vst v0  }
0x1a: {  	[spmem:s15], [sflag:s6] =	dma.local [hbm:s5], $0x50  }
0x1b: {  	_ =	swait.ge [sflag:s16], $0x50  }
0x1c: {  	[sflag:s16] =	ssyncset.done $0x0  }
0x1d: {  	s23 =	simm.s32 @!p0 $0x1;
	[sflag:s16] =	ssyncadd.s32 $0xFFFFFFB0  }
0x1e: {  	[spmem:s17], [sflag:s6] =	dma.local @!p0 [hbm:s4], $0x30  }
0x1f: {  	_ =	swait.ge @!p0 [sflag:s23], $0x30  }
0x20: {  	[sflag:s23] =	ssyncset.done @!p0 $0x0  }
0x21: {  	[sflag:s23] =	ssyncadd.s32 @!p0 $0xFFFFFFD0  }
0x22: {  	s31 =	sadd.s32 $0x0, s14;
	[bflag:$0x0] =	sbarrier.arrive $0xFFFF  }
0x23: {  	[tilespmem:s3], [sflag:$0x1] =	stream.linear.gather [hbm4b:s31+s3], $0x50, $0x38;
	[tilespmem:$0x398] =	vst v63  }
0x24: {  	_ =	swait.ge [sflag:s16], $0x50  }
0x25: {  	[sflag:s16] =	ssyncset.done $0x0  }
0x26: {  	[sflag:s16] =	ssyncadd.s32 $0xFFFFFFB0  }
0x27: {  	[spmem:s0] =	stream.indirect.scatter.add.f32 [tilespmem:s19], [sflag:$0x1], $0x1, s3, s18, $0xb8;
	[tilespmem:$0x398] =	vst v63  }
0x28: {  	_ =	swait.ge [sflag:s16], $0x50  }
0x29: {  	s24 =	simm.s32 $0x14;
	s23 =	simm.s32 $0xA;
	[sflag:s16] =	ssyncset.done $0x0  }
.LBB2_2:
0x2a: {  	s25 =	sadd.s32 s23, s14  }
0x2b: {  	[sflag:s16] =	ssyncadd.s32 $0xFFFFFFB0;
	s23 =	smov.u32 s24;
	s26 =	sadd.s32 $0xA, s24  }
0x2c: {  	[tilespmem:s3], [sflag:$0x1] =	stream.linear.gather [hbm4b:s25+s3], $0x50, $0x38;
	[tilespmem:$0x398] =	vst v63  }
0x2d: {  	p1 =	sne.s32 s24, $0x4D8;
	_ =	swait.ge [sflag:s16], $0x50  }
.Ltmp0:
0x2e: {  	[sflag:s16] =	ssyncset.done $0x0;
	(pc) =	sbr.rel @p1 .LBB2_2-.Ltmp0, $4  }
0x2f: {  	[sflag:s16] =	ssyncadd.s32 $0xFFFFFFB0  }
0x30: {  	[spmem:s0] =	stream.indirect.scatter.add.f32 [tilespmem:s19], [sflag:$0x1], $0x1, s3, s18, $0xb8;
	[tilespmem:$0x398] =	vst v63  }
0x31: {  	_ =	swait.ge [sflag:s16], $0x50  }
0x32: {  	s24 =	smov.u32 s26;
	[sflag:s16] =	ssyncset.done $0x0  }
0x33: {  	s23 =	sadd.s32 s23, s14;
	[sflag:s16] =	ssyncadd.s32 $0xFFFFFFB0  }
0x34: {  	[tilespmem:s3], [sflag:$0x1] =	stream.linear.gather [hbm4b:s23+s3], $0x50, $0x38;
	[tilespmem:$0x398] =	vst v63  }
0x35: {  	_ =	swait.ge [sflag:s16], $0x50  }
0x36: {  	[sflag:s16] =	ssyncset.done $0x0  }
0x37: {  	[sflag:s16] =	ssyncadd.s32 $0xFFFFFFB0  }
0x38: {  	[spmem:s0] =	stream.indirect.scatter.add.f32 [tilespmem:s19], [sflag:$0x1], $0x1, s3, s18, $0xb8;
	[tilespmem:$0x398] =	vst v63  }
0x39: {  	_ =	swait.ge [sflag:s16], $0x50  }
0x3a: {  	[sflag:s16] =	ssyncset.done $0x0  }
0x3b: {  	[sflag:s16] =	ssyncadd.s32 $0xFFFFFFB0  }
0x3c: {  	[tilespmem:s3], [sflag:$0x1] =	stream.linear.gather [hbm4b:s10+s3], $0x50, $0x38;
	[tilespmem:$0x398] =	vst v63  }
0x3d: {  	_ =	swait.ge [sflag:s16], $0x50  }
0x3e: {  	[sflag:s16] =	ssyncset.done $0x0  }
0x3f: {  	[sflag:s16] =	ssyncadd.s32 $0xFFFFFFB0  }
0x40: {  	[spmem:s2] =	stream.indirect.scatter.add.f32 [tilespmem:s19], [sflag:$0x1], $0x1, s3, s18, $0xb8;
	[tilespmem:$0x398] =	vst v63  }
0x41: {  	_ =	swait.ge [sflag:s16], $0x50  }
0x42: {  	[sflag:s16] =	ssyncset.done $0x0  }
0x43: {  	[sflag:s16] =	ssyncadd.s32 $0xFFFFFFB0  }
0x44: {  	[tilespmem:s3], [sflag:$0x1] =	stream.linear.gather [hbm4b:s11+s3], $0x50, $0x38;
	[tilespmem:$0x398] =	vst v63  }
0x45: {  	_ =	swait.ge [sflag:s16], $0x50  }
0x46: {  	[sflag:s16] =	ssyncset.done $0x0  }
0x47: {  	[sflag:s16] =	ssyncadd.s32 $0xFFFFFFB0  }
0x48: {  	[spmem:s2] =	stream.indirect.scatter.add.f32 [tilespmem:s19], [sflag:$0x1], $0x1, s3, s18, $0xb8;
	[tilespmem:$0x398] =	vst v63  }
0x49: {  	_ =	swait.ge [sflag:s16], $0x50  }
0x4a: {  	[sflag:s16] =	ssyncset.done $0x0  }
0x4b: {  	[sflag:s16] =	ssyncadd.s32 $0xFFFFFFB0  }
0x4c: {  	[tilespmem:s3], [sflag:$0x1] =	stream.linear.gather [hbm4b:s12+s3], $0x50, $0x38;
	[tilespmem:$0x398] =	vst v63  }
0x4d: {  	_ =	swait.ge [sflag:s16], $0x50  }
0x4e: {  	[sflag:s16] =	ssyncset.done $0x0  }
0x4f: {  	[sflag:s16] =	ssyncadd.s32 $0xFFFFFFB0  }
0x50: {  	[spmem:s2] =	stream.indirect.scatter.add.f32 [tilespmem:s19], [sflag:$0x1], $0x1, s3, s18, $0xb8;
	[tilespmem:$0x398] =	vst v63  }
0x51: {  	_ =	swait.ge [sflag:s16], $0x50  }
0x52: {  	[sflag:s16] =	ssyncset.done $0x0  }
0x53: {  	[sflag:s16] =	ssyncadd.s32 $0xFFFFFFB0  }
0x54: {  	[tilespmem:s3], [sflag:$0x1] =	stream.linear.gather [hbm4b:s13+s3], $0x50, $0x38;
	[tilespmem:$0x398] =	vst v63  }
0x55: {  	_ =	swait.ge [sflag:s16], $0x50  }
0x56: {  	[sflag:s16] =	ssyncset.done $0x0  }
0x57: {  	[sflag:s16] =	ssyncadd.s32 $0xFFFFFFB0  }
0x58: {  	[spmem:s2] =	stream.indirect.scatter.add.f32 [tilespmem:s19], [sflag:$0x1], $0x1, s3, s18, $0xb8;
	[tilespmem:$0x398] =	vst v63  }
0x59: {  	_ =	swait.ge [sflag:s16], $0x50  }
0x5a: {  	[sflag:s16] =	ssyncset.done $0x0  }
0x5b: {  	[sflag:s16] =	ssyncadd.s32 $0xFFFFFFB0  }
0x5c: {  	[bflag:$0x0] =	sbarrier.arrive $0xFFFF  }
0x5d: {  	[hbm:s7@s20], [sflag:s6] =	dma.strided [spmem:s15@s21], $0x50, s16, $0x10   }
0x5e: {  	s24 =	simm.s32 @!p0 $0x20;
	s22 =	sadd.s32 $0x1, s22;
	_ =	swait.ge [sflag:s16], $0x50  }
0x5f: {  	s25 =	simm.s32 @!p0 $0x10;
	p1 =	sne.s32 s22, s9;
	[sflag:s16] =	ssyncset.done $0x0  }
.Ltmp1:
0x60: {  	s23 =	simm.s32 @!p0 $0x1;
	[sflag:s16] =	ssyncadd.s32 $0xFFFFFFB0;
	(pc) =	sbr.rel @p1 .LBB2_1-.Ltmp1, $4  }
0x61: {  	[hbm:s8@s24], [sflag:s6] =	dma.strided @!p0 [spmem:s17@s25], $0x30, s23, $0x10   }
0x62: {  	_ =	swait.ge @!p0 [sflag:s23], $0x30  }
0x63: {  	[sflag:s23] =	ssyncset.done @!p0 $0x0  }
0x64: {  	[sflag:s23] =	ssyncadd.s32 @!p0 $0xFFFFFFD0  }
0x65: {  	_ =	sfence.sel $0x180000  }
0x66: {  	[bflag:$0x0] =	sbarrier.arrive $0xFFFF  }
0x67: {  	_ =	strace $0x90000047  }
0x68: {  	s0 =	sadd.s32 @!p0 $0x100000, s1;
	[bflag:$0x2] =	sbarrier.arrive $0xFFFF  }
0x69: {  	[sflag:s0] =	ssyncadd.tile.s32 @!p0 $0x1;
	_ =	shalt  }
.Lfunc_end2:
_tile_overlayer_lowered:
.L_overlay_start_2:
0x6a: {  	(tag) =	ssettag $0x2  }
0x6b: {  	s0 =	rddreg [dreg:$0x0];
	s2 =	stileid.u32  }
0x6c: {  	s1 =	rddreg [dreg:$0x1];
	p0 =	sne.s32 s2, $0x0  }
0x6d: {  	s3 =	rddreg [dreg:$0x2];
	[bflag:$0x3] =	sbarrier.arrive $0xFFFF;
	s2 =	simm.s32 @!p0 $0x1C01  }
0x6e: {  	[timem:s3], [sflag:s2] =	dma.local @!p0 [hbm:s0], s1  }
0x6f: {  	s0 =	simm.s32 @!p0 $0x1  }
0x70: {  	_ =	swait.ge @!p0 [sflag:s0], s1  }
0x71: {  	s1 =	ssub.s32 @!p0 $0x0, s1;
	[sflag:s0] =	ssyncset.done @!p0 $0x0  }
0x72: {  	[sflag:s0] =	ssyncadd.s32 @!p0 s1  }
0x73: {  	[bflag:$0x3] =	sbarrier.arrive $0xFFFF  }
0x74: {  	_ =	shalt  }

// kernel: kernel.16.cloned.1.call-start
scs
__scs_entry_jumppad:
0x0: {  	(pc) =	sbr.rel $0x88, $3  }
0x1: {  	(tag) =	ssettag $0x0;
	lr =	simm.s32 $0x1  }
0x2: {  	[smem:$0x3F78] =	sst lr;
	_ =	strace $0xD0000000  }
0x3: {  	_ = 	snop  }
0x4: {  	_ = 	snop  }
0x5: {  	_ = 	snop  }
0x6: {  	_ = 	snop  }
0x7: {  	_ = 	snop  }
__scs_overlays_trampoline_lowered:
0x8: {  	[smem:$0x3F87] =	sst s0  }
0x9: {  	[smem:$0x3F88] =	sst s1  }
0xa: {  	[smem:$0x3F89] =	sst s2  }
0xb: {  	[smem:$0x3F8A] =	sst s3  }
0xc: {  	[smem:$0x3F8B] =	sst s4  }
0xd: {  	[smem:$0x3F8C] =	sst s5  }
0xe: {  	[smem:$0x3F8D] =	sst s6  }
0xf: {  	[smem:$0x3F8E] =	sst s7  }
0x10: {  	[smem:$0x3F8F] =	sst s8  }
0x11: {  	[smem:$0x3F90] =	sst s9;
	s0 =	simm.s32 @!p0 $0x0  }
0x12: {  	s1 =	sld [smem:$0x3F76];
	s0 =	simm.s32 @p0 $0x1  }
0x13: {  	[smem:$0x3F91] =	sst s0;
	s0 =	simm.s32 @!p1 $0x0  }
0x14: {  	s2 =	sld [smem:$0x3F75];
	s0 =	simm.s32 @p1 $0x1  }
0x15: {  	[smem:$0x3F92] =	sst s0;
	s0 =	simm.s32 @!p2 $0x0  }
0x16: {  	s3 =	sld [smem:$0x3FDB];
	s0 =	simm.s32 @p2 $0x1  }
0x17: {  	s4 =	simm.s32 $0x1BF5;
	[smem:$0x3F94] =	sst s0  }
0x18: {  	s0 =	sld [smem:$0x3F77];
	_ =	swait.ge [sflag:s4], $0x0  }
0x19: {  	s7 =	sld [smem:$0x3F78]  }
0x1a: {  	s8 =	sadd.s32 $0xFFFFE003, lr  }
0x1b: {  	s9 =	sadd.s32 $0xFFFFFEF7, lr;
	s5 =	simm.s32 $0xFFFFFFFF;
	p2 =	slt.u32 s8, $0xFFFFF086  }
0x1c: {  	p1 =	slt.u32 s9, $0xF7A;
	s5 =	simm.s32 @!p2 $0x0  }
0x1d: {  	s5 =	simm.s32 @p1 $0x1;
	p0 =	seq.s32 s7, s2  }
0x1e: {  	s7 =	smul.u32 @!p0 $0xF7A, s2;
	p2 =	seq.s32 @!p0 s5, $0x0  }
0x1f: {  	s9 =	smul.u32 $0xF7A, s1;
	s8 =	simm.s32 @!p0 $0x1BF5;
	p2 =	por !p2, p0  }
0x20: {  	[sflag:s8] =	ssyncset.s32 @!p0 $0xFFFFF086;
	s6 =	sadd.s32 @!p0 s3, s7;
	s7 =	simm.s32 @!p0 $0x108  }
0x21: {  	s3 =	sadd.s32 s3, s9;
	s6 =	sadd.s32 @!p0 $0x88, s6;
	s7 =	simm.s32 @p2 $0x1082  }
0x22: {  	[simem:s7], [sflag:s8] =	dma.local @!p0 [hbm:s6], $0xF7A  }
0x23: {  	s9 =	sor.u32 $0xD0000000, s2;
	s6 =	simm.s32 $0x108;
	_ =	swait.ge @!p0 [sflag:s8], $0x0  }
0x24: {  	s3 =	sadd.s32 $0x88, s3;
	s6 =	simm.s32 @!p1 $0x1082;
	[sflag:s4] =	ssyncset.s32 $0xFFFFF086  }
0x25: {  	[simem:s6], [sflag:s4] =	dma.local [hbm:s3], $0xF7A  }
0x26: {  	[smem:$0x3F78] =	sst s1;
	(tag) =	ssettag s2;
	_ =	strace s9  }
0x27: {  	s1 =	sld [smem:$0x3F88]  }
0x28: {  	s2 =	sld [smem:$0x3F89]  }
0x29: {  	s4 =	sld [smem:$0x3F8B]  }
0x2a: {  	p0 =	seq.s32 s5, $0x0;
	s5 =	sld [smem:$0x3F8C]  }
0x2b: {  	s6 =	sld [smem:$0x3F8D]  }
0x2c: {  	s7 =	sld [smem:$0x3F8E]  }
0x2d: {  	s3 =	simm.s32 $0x108;
	s8 =	sld [smem:$0x3F8F]  }
0x2e: {  	s3 =	simm.s32 @!p0 $0x1082;
	s9 =	sld [smem:$0x3F90]  }
0x2f: {  	lr =	sadd.s32 s0, s3;
	s0 =	sld [smem:$0x3F87]  }
0x30: {  	s3 =	sld [smem:$0x3F8A]  }
0x31: {  	[smem:$0x3F93] =	sst s10  }
0x32: {  	s10 =	sld [smem:$0x3F91];
	_ =	sdelay $0x3  }
0x33: {  	p0 =	seq.s32 s10, $0x1;
	s10 =	sld [smem:$0x3F93];
	_ =	sdelay $0x3  }
0x34: {  	[smem:$0x3F93] =	sst s10  }
0x35: {  	s10 =	sld [smem:$0x3F92];
	_ =	sdelay $0x3  }
0x36: {  	p1 =	seq.s32 s10, $0x1;
	s10 =	sld [smem:$0x3F93];
	_ =	sdelay $0x3  }
0x37: {  	[smem:$0x3F93] =	sst s10  }
0x38: {  	s10 =	sld [smem:$0x3F94]  }
0x39: {  	_ = 	snop;
	(pc) =	sbr.ind lr, $3  }
0x3a: {  	_ = 	snop  }
0x3b: {  	_ = 	snop  }
0x3c: {  	p2 =	seq.s32 s10, $0x1;
	s10 =	sld [smem:$0x3F93]  }
0x3d: {  	_ =	shalt  }
0x3e: {  	_ =	shalt  }
0x3f: {  	_ =	shalt  }
0x40: {  	_ =	shalt  }
0x41: {  	_ =	shalt  }
0x42: {  	_ =	shalt  }
0x43: {  	_ =	shalt  }
0x44: {  	_ =	shalt  }
0x45: {  	_ =	shalt  }
0x46: {  	_ =	shalt  }
0x47: {  	_ =	shalt  }
0x48: {  	_ =	shalt  }
0x49: {  	_ =	shalt  }
0x4a: {  	_ =	shalt  }
0x4b: {  	_ =	shalt  }
0x4c: {  	_ =	shalt  }
0x4d: {  	_ =	shalt  }
0x4e: {  	_ =	shalt  }
0x4f: {  	_ =	shalt  }
0x50: {  	_ =	shalt  }
0x51: {  	_ =	shalt  }
0x52: {  	_ =	shalt  }
0x53: {  	_ =	shalt  }
0x54: {  	_ =	shalt  }
0x55: {  	_ =	shalt  }
0x56: {  	_ =	shalt  }
0x57: {  	_ =	shalt  }
0x58: {  	_ =	shalt  }
0x59: {  	_ =	shalt  }
0x5a: {  	_ =	shalt  }
0x5b: {  	_ =	shalt  }
0x5c: {  	_ =	shalt  }
0x5d: {  	_ =	shalt  }
0x5e: {  	_ =	shalt  }
0x5f: {  	_ =	shalt  }
0x60: {  	_ =	shalt  }
0x61: {  	_ =	shalt  }
0x62: {  	_ =	shalt  }
0x63: {  	_ =	shalt  }
0x64: {  	_ =	shalt  }
0x65: {  	_ =	shalt  }
0x66: {  	_ =	shalt  }
0x67: {  	_ =	shalt  }
0x68: {  	_ =	shalt  }
0x69: {  	_ =	shalt  }
0x6a: {  	_ =	shalt  }
0x6b: {  	_ =	shalt  }
0x6c: {  	_ =	shalt  }
0x6d: {  	_ =	shalt  }
0x6e: {  	_ =	shalt  }
0x6f: {  	_ =	shalt  }
0x70: {  	_ =	shalt  }
0x71: {  	_ =	shalt  }
0x72: {  	_ =	shalt  }
0x73: {  	_ =	shalt  }
0x74: {  	_ =	shalt  }
0x75: {  	_ =	shalt  }
0x76: {  	_ =	shalt  }
0x77: {  	_ =	shalt  }
0x78: {  	_ =	shalt  }
0x79: {  	_ =	shalt  }
0x7a: {  	_ =	shalt  }
0x7b: {  	_ =	shalt  }
0x7c: {  	_ =	shalt  }
0x7d: {  	_ =	shalt  }
0x7e: {  	_ =	shalt  }
0x7f: {  	_ =	shalt  }
0x80: {  	_ =	shalt  }
0x81: {  	_ =	shalt  }
0x82: {  	_ =	shalt  }
0x83: {  	_ =	shalt  }
0x84: {  	_ =	shalt  }
0x85: {  	_ =	shalt  }
0x86: {  	_ =	shalt  }
0x87: {  	_ =	shalt  }
.Lfunc_end0:
.L_simem_size_0:
called_computation.1_lowered:
.L_overlay_start_0:
0x88: {  	s2 =	sld [smem:$0x3FD9]  }
0x89: {  	s3 =	sld [smem:$0x3FFE];
	_ =	sdelay $0x1  }
0x8a: {  	s1 =	srdreg.scid  }
0x8b: {  	s0 =	sand.u32 $0x1, s1  }
0x8c: {  	s14 =	sshll.u32 s0, $0xA;
	s2 =	sadd.s32 s3, s2  }
0x8d: {  	s2 =	sadd.s32 s2, s14  }
0x8e: {  	[smem:$0x3F9F] =	sst s2  }
0x8f: {  	_ = 	snop  }
0x90: {  	s2 =	sld [smem:$0x3FD0];
	_ =	sdelay $0x2  }
0x91: {  	s15 =	simm.s32 $0xA;
	s4 =	simm.s32 $0x10  }
0x92: {  	[smem:s4], [sflag:s15] =	dma.local [hbm:s2], $0x1  }
0x93: {  	_ =	swait.eq [sflag:s15], $0x1  }
0x94: {  	[sflag:s15] =	ssyncset.done $0x0  }
0x95: {  	[sflag:s15] =	ssyncadd.s32 $0xFFFFFFFF  }
0x96: {  	s16 =	sld [smem:$0x13];
	(tm) =	ssettm $0x1  }
0x97: {  	s17 =	sld [smem:$0x3FFB];
	_ =	sdelay $0x3  }
0x98: {  	_ =	strace s17  }
0x99: {  	s3 =	sld [smem:$0x3FFC];
	_ =	sdelay $0x3  }
0x9a: {  	_ =	strace s3  }
0x9b: {  	s3 =	sld [smem:$0x3FFD];
	_ =	sdelay $0x3  }
0x9c: {  	_ =	strace s3  }
0x9d: {  	_ =	strace $0x8FFFFFFF  }
0x9e: {  	s18 =	sld [smem:$0x3FDB];
	_ =	sdelay $0x1  }
0x9f: {  	s19 =	simm.s32 $_scs_section_size  }
0xa0: {  	s5 =	simm.s32 $_size__tile_overlayer_lowered;
	s6 =	simm.s32 $_tile_overlayer_lowered  }
0xa1: {  	s22 =	simm.s32 $0x1BFF;
	s21 =	sshll.u32 s6, $0x1;
	s3 =	sadd.s32 s19, s18  }
0xa2: {  	s7 =	simm.s32 $0x0;
	s20 =	sshll.u32 s5, $0x1;
	s5 =	sadd.s32 s21, s3  }
0xa3: {  	[timem:s7], [sflag:s22] =	dma.local [hbm:s5], s20  }
0xa4: {  	_ =	swait.ge [sflag:s22], s20  }
0xa5: {  	s4 =	ssub.s32 $0x0, s20;
	[sflag:s22] =	ssyncset.done $0x0  }
0xa6: {  	[sflag:s22] =	ssyncadd.s32 s4;
	_ =	sdelay $0x1  }
0xa7: {  	s23 =	simm.s32 $0x1B8B  }
0xa8: {  	_ =	swait.ge [sflag:s23], $0x1  }
0xa9: {  	[sflag:s23] =	ssyncset.done $0x0  }
0xaa: {  	s25 =	simm.s32 $0x1B8E;
	s24 =	sld [smem:$0x3FFE];
	[sflag:s23] =	ssyncadd.s32 $0xFFFFFFFF  }
0xab: {  	s26 =	simm.s32 $execute0_lowered;
	[smem:$0x3FD2] =	sst s25  }
0xac: {  	s5 =	sshll.u32 s26, $0x1;
	_ =	strace $0x80000049;
	[dreg:$0x1] =	wrdreg $0xFFFFFFFF  }
0xad: {  	s28 =	simm.s32 $_size_execute0_lowered;
	s3 =	sadd.s32 s3, s5;
	[dreg:$0x0] =	wrdreg $0x0  }
0xae: {  	s5 =	sshll.u32 s28, $0x1;
	[dreg:$0x2] =	wrdreg s3  }
0xaf: {  	[dreg:$0x3] =	wrdreg s5  }
0xb0: {  	[dreg:$0x4] =	wrdreg $0xC0  }
0xb1: {  	_ =	task [dreg:s7], $0x5FFFF  }
0xb2: {  	[dreg:$0x1] =	wrdreg $0xFFFFFFFF  }
0xb3: {  	[dreg:$0x0] =	wrdreg $0x60  }
0xb4: {  	[dreg:$0x2] =	wrdreg s24  }
0xb5: {  	[dreg:$0x3] =	wrdreg s16  }
0xb6: {  	[dreg:$0x4] =	wrdreg $0x29000  }
0xb7: {  	[dreg:$0x5] =	wrdreg $0x9  }
0xb8: {  	_ =	task.clear_ibuf [dreg:s7], $0x6FFFF;
	_ =	strace $0x90000049  }
0xb9: {  	s29 =	simm.s32 $0x9;
	_ =	strace $0x8000004B  }
0xba: {  	_ =	swait.ge [sflag:s29], $0x1  }
0xbb: {  	[sflag:s29] =	ssyncadd.s32 $0xFFFFFFFF  }
0xbc: {  	_ =	strace $0x9000004B  }
0xbd: {  	_ =	sfence  }
0xbe: {  	s30 =	sld [smem:$0x0];
	_ =	sdelay $0x2  }
0xbf: {  	s31 =	sshll.u32 s1, $0xD;
	s1 =	sshrl.u32 s1, $0x2  }
0xc0: {  	s3 =	sand.u32 $0x4000, s31;
	s1 =	sadd.s32 s1, s30  }
0xc1: {  	s0 =	sor.u32 s3, s0;
	s1 =	sshll.u32 s1, $0x11  }
0xc2: {  	s0 =	sor.u32 s1, s0  }
0xc3: {  	s0 =	sadd.s32 $0x8F2B, s0  }
0xc4: {  	[sflag:s0] =	ssyncadd.remote.s32 $0x1  }
0xc5: {  	_ =	sfence.sel $0xFFFF  }
0xc6: {  	[dreg:$0x0] =	wrdreg $0xFFFFFFFF;
	(pc) =	sbr.abs _section_cstart, $3  }
0xc7: {  	[dreg:$0x1] =	wrdreg $0xFFFFFFFF  }
0xc8: {  	_ =	task.clear_ibuf [dreg:s7], $0x2FFFF;
	_ =	strace $0x9FFFFFFF  }
0xc9: {  	(tm) =	ssettm $0x7FFFFFFF  }
tec
execute0_lowered:
.L_overlay_start_1:
0x0: {  	(tag) =	ssettag $0x1  }
0x1: {  	s5 =	rddreg [dreg:$0x0]  }
0x2: {  	s0 =	srdreg.scid;
	s10 =	rddreg [dreg:$0x1]  }
0x3: {  	s2 =	rddreg [dreg:$0x2];
	s6 =	sand.u32 $0x1, s0  }
0x4: {  	s0 =	stileid.u32;
	s4 =	smul.u32 $0x27100, s6  }
0x5: {  	s1 =	rddreg [dreg:$0x3];
	s7 =	smul.u32 $0x2710, s0  }
0x6: {  	s3 =	simm.s32 $0x0;
	s15 =	simm.s32 $0x100;
	s28 =	smul.u32 $0x14000, s0  }
0x7: {  	s16 =	simm.s32 $0x0;
	[smem:$0x7FF] =	sst s3;
	s8 =	smul.u32 $0x140000, s6  }
0x8: {  	_ =	strace $0x8000004A;
	s29 =	smul.u32 $0x50000, s0;
	s6 =	ssub.s32 $0x2, s6  }
0x9: {  	s31 =	sshll.u32 s0, $0x6;
	s30 =	sshrl.u32 s6, $0x1;
	s4 =	sadd.s32 s7, s4  }
0xa: {  	s12 =	sshrl.u32 s28, $0x3;
	s7 =	sadd.s32 s28, s8;
	s8 =	sshrl.u32 s29, $0x2  }
0xb: {  	s13 =	ssub.s32 s6, s30;
	s6 =	sor.u32 $0x1C01, s31;
	s11 =	sshrl.u32 s4, $0x3  }
0xc: {  	s4 =	sadd.s32 $0x3B600, s5;
	s12 =	sadd.s32 s12, s5;
	s7 =	sshrl.u32 s7, $0x3  }
0xd: {  	s14 =	sadd.s32 s8, s2;
	s8 =	smax.u32 s13, $0x1;
	s13 =	simm.s32 $0x80  }
0xe: {  	s9 =	sadd.s32 s11, s5;
	s7 =	sadd.s32 s7, s5;
	s5 =	sadd.s32 $0x63600, s12  }
0xf: {  	s10 =	sadd.s32 s11, s10;
	s11 =	sshrl.u32 s14, $0x3;
	s12 =	simm.s32 $0x1  }
0x10: {  	s14 =	simm.s32 $0x50;
	s7 =	sadd.s32 $0x8B600, s7;
	s9 =	sadd.s32 $0x8C00, s9  }
.LBB2_1:
0x11: {  	[spmem:s11], [sflag:s6] =	dma.local [hbm:s5], $0x2800  }
0x12: {  	_ =	swait.ge [sflag:s12], $0x2800  }
0x13: {  	[sflag:s12] =	ssyncset.done $0x0  }
0x14: {  	[sflag:s12] =	ssyncadd.s32 $0xFFFFD800  }
0x15: {  	s17 =	sadd.s32 $0x0, s10;
	[bflag:$0x0] =	sbarrier.arrive $0xFFFF  }
0x16: {  	[tilespmem:s3], [sflag:$0x1] =	stream.linear.gather [hbm4b:s17+s3], $0x50, $0x38;
	[tilespmem:$0x16900] =	vst v63  }
0x17: {  	_ =	swait.ge [sflag:s12], $0x50  }
0x18: {  	[sflag:s12] =	ssyncset.done $0x0  }
0x19: {  	s31 =	sadd.s32 $0x0, s9;
	[sflag:s12] =	ssyncadd.s32 $0xFFFFFFB0  }
0x1a: {  	[tilespmem:s13], [sflag:$0x1] =	stream.linear.gather [hbm4b:s31+s3], $0x50, $0x38;
	[tilespmem:$0x16900] =	vst v63  }
0x1b: {  	_ =	swait.ge [sflag:s12], $0x50  }
0x1c: {  	[sflag:s12] =	ssyncset.done $0x0  }
0x1d: {  	[sflag:s12] =	ssyncadd.s32 $0xFFFFFFB0  }
0x1e: {  	[tilespmem:s15], [sflag:$0x1] =	stream.indirect.gather [hbm4b:s4+s14], $0x80, s3, s14, $0xb8;
	[tilespmem:$0x16900] =	vst v63  }
0x1f: {  	_ =	swait.ge [sflag:s12], $0x2800  }
0x20: {  	[sflag:s12] =	ssyncset.done $0x0  }
0x21: {  	[sflag:s12] =	ssyncadd.s32 $0xFFFFD800  }
0x22: {  	[spmem:s2] =	stream.indirect.scatter.add.f32 [tilespmem:s15], [sflag:$0x1], $0x80, s13, s14, $0xb8;
	[tilespmem:$0x16900] =	vst v63  }
0x23: {  	_ =	swait.ge [sflag:s12], $0x2800  }
0x24: {  	s18 =	simm.s32 $0x14;
	s17 =	simm.s32 $0xA;
	[sflag:s12] =	ssyncset.done $0x0  }
.LBB2_2:
0x25: {  	s19 =	sadd.s32 s17, s10  }
0x26: {  	[sflag:s12] =	ssyncadd.s32 $0xFFFFD800;
	s20 =	smov.u32 s18;
	s21 =	sadd.s32 $0xA, s18  }
0x27: {  	[tilespmem:s3], [sflag:$0x1] =	stream.linear.gather [hbm4b:s19+s3], $0x50, $0x38;
	[tilespmem:$0x16900] =	vst v63  }
0x28: {  	p0 =	sne.s32 s18, $0x4D8;
	_ =	swait.ge [sflag:s12], $0x50  }
0x29: {  	[sflag:s12] =	ssyncset.done $0x0  }
0x2a: {  	s18 =	sadd.s32 s17, s9;
	s17 =	smov.u32 s20;
	[sflag:s12] =	ssyncadd.s32 $0xFFFFFFB0  }
0x2b: {  	[tilespmem:s13], [sflag:$0x1] =	stream.linear.gather [hbm4b:s18+s3], $0x50, $0x38;
	[tilespmem:$0x16900] =	vst v63  }
0x2c: {  	_ =	swait.ge [sflag:s12], $0x50  }
0x2d: {  	[sflag:s12] =	ssyncset.done $0x0  }
0x2e: {  	[sflag:s12] =	ssyncadd.s32 $0xFFFFFFB0  }
0x2f: {  	[tilespmem:s15], [sflag:$0x1] =	stream.indirect.gather [hbm4b:s4+s14], $0x80, s3, s14, $0xb8;
	[tilespmem:$0x16900] =	vst v63  }
0x30: {  	_ =	swait.ge [sflag:s12], $0x2800  }
.Ltmp0:
0x31: {  	[sflag:s12] =	ssyncset.done $0x0;
	(pc) =	sbr.rel @p0 .LBB2_2-.Ltmp0, $4  }
0x32: {  	[sflag:s12] =	ssyncadd.s32 $0xFFFFD800  }
0x33: {  	[spmem:s2] =	stream.indirect.scatter.add.f32 [tilespmem:s15], [sflag:$0x1], $0x80, s13, s14, $0xb8;
	[tilespmem:$0x16900] =	vst v63  }
0x34: {  	_ =	swait.ge [sflag:s12], $0x2800  }
0x35: {  	s18 =	smov.u32 s21;
	[sflag:s12] =	ssyncset.done $0x0  }
0x36: {  	s18 =	sadd.s32 s17, s10;
	[sflag:s12] =	ssyncadd.s32 $0xFFFFD800  }
0x37: {  	[tilespmem:s3], [sflag:$0x1] =	stream.linear.gather [hbm4b:s18+s3], $0x50, $0x38;
	[tilespmem:$0x16900] =	vst v63  }
0x38: {  	_ =	swait.ge [sflag:s12], $0x50  }
0x39: {  	[sflag:s12] =	ssyncset.done $0x0  }
0x3a: {  	s31 =	sadd.s32 s17, s9;
	[sflag:s12] =	ssyncadd.s32 $0xFFFFFFB0  }
0x3b: {  	[tilespmem:s13], [sflag:$0x1] =	stream.linear.gather [hbm4b:s31+s3], $0x50, $0x38;
	[tilespmem:$0x16900] =	vst v63  }
0x3c: {  	_ =	swait.ge [sflag:s12], $0x50  }
0x3d: {  	[sflag:s12] =	ssyncset.done $0x0  }
0x3e: {  	[sflag:s12] =	ssyncadd.s32 $0xFFFFFFB0  }
0x3f: {  	[tilespmem:s15], [sflag:$0x1] =	stream.indirect.gather [hbm4b:s4+s14], $0x80, s3, s14, $0xb8;
	[tilespmem:$0x16900] =	vst v63  }
0x40: {  	_ =	swait.ge [sflag:s12], $0x2800  }
0x41: {  	[sflag:s12] =	ssyncset.done $0x0  }
0x42: {  	[sflag:s12] =	ssyncadd.s32 $0xFFFFD800  }
0x43: {  	[spmem:s2] =	stream.indirect.scatter.add.f32 [tilespmem:s15], [sflag:$0x1], $0x80, s13, s14, $0xb8;
	[tilespmem:$0x16900] =	vst v63  }
0x44: {  	_ =	swait.ge [sflag:s12], $0x2800  }
0x45: {  	s16 =	sadd.s32 $0x1, s16;
	[sflag:s12] =	ssyncset.done $0x0  }
0x46: {  	p0 =	sne.s32 s16, s8;
	[sflag:s12] =	ssyncadd.s32 $0xFFFFD800  }
.Ltmp1:
0x47: {  	[bflag:$0x0] =	sbarrier.arrive $0xFFFF;
	(pc) =	sbr.rel @p0 .LBB2_1-.Ltmp1, $4  }
0x48: {  	[hbm:s7], [sflag:s6] =	dma.local [spmem:s11], $0x2800  }
0x49: {  	_ =	swait.ge [sflag:s12], $0x2800  }
0x4a: {  	[sflag:s12] =	ssyncset.done $0x0  }
0x4b: {  	[sflag:s12] =	ssyncadd.s32 $0xFFFFD800  }
0x4c: {  	_ =	sfence.sel $0x180000  }
0x4d: {  	[bflag:$0x0] =	sbarrier.arrive $0xFFFF  }
0x4e: {  	p0 =	sne.s32 s0, $0x0;
	_ =	strace $0x9000004A  }
0x4f: {  	s0 =	sadd.s32 @!p0 $0x100000, s1;
	[bflag:$0x2] =	sbarrier.arrive $0xFFFF  }
0x50: {  	[sflag:s0] =	ssyncadd.tile.s32 @!p0 $0x1;
	_ =	shalt  }
.Lfunc_end2:
_tile_overlayer_lowered:
.L_overlay_start_2:
0x51: {  	(tag) =	ssettag $0x2  }
0x52: {  	s0 =	rddreg [dreg:$0x0];
	s2 =	stileid.u32  }
0x53: {  	s1 =	rddreg [dreg:$0x1];
	p0 =	sne.s32 s2, $0x0  }
0x54: {  	s3 =	rddreg [dreg:$0x2];
	[bflag:$0x3] =	sbarrier.arrive $0xFFFF;
	s2 =	simm.s32 @!p0 $0x1C01  }
0x55: {  	[timem:s3], [sflag:s2] =	dma.local @!p0 [hbm:s0], s1  }
0x56: {  	s0 =	simm.s32 @!p0 $0x1  }
0x57: {  	_ =	swait.ge @!p0 [sflag:s0], s1  }
0x58: {  	s1 =	ssub.s32 @!p0 $0x0, s1;
	[sflag:s0] =	ssyncset.done @!p0 $0x0  }
0x59: {  	[sflag:s0] =	ssyncadd.s32 @!p0 s1  }
0x5a: {  	[bflag:$0x3] =	sbarrier.arrive $0xFFFF  }
0x5b: {  	_ =	shalt  }

// kernel: kernel.19.cloned.1.call-start
scs
__scs_entry_jumppad:
0x0: {  	(pc) =	sbr.rel $0x88, $3  }
0x1: {  	(tag) =	ssettag $0x0;
	lr =	simm.s32 $0x1  }
0x2: {  	[smem:$0x3F78] =	sst lr;
	_ =	strace $0xD0000000  }
0x3: {  	_ = 	snop  }
0x4: {  	_ = 	snop  }
0x5: {  	_ = 	snop  }
0x6: {  	_ = 	snop  }
0x7: {  	_ = 	snop  }
__scs_overlays_trampoline_lowered:
0x8: {  	[smem:$0x3F87] =	sst s0  }
0x9: {  	[smem:$0x3F88] =	sst s1  }
0xa: {  	[smem:$0x3F89] =	sst s2  }
0xb: {  	[smem:$0x3F8A] =	sst s3  }
0xc: {  	[smem:$0x3F8B] =	sst s4  }
0xd: {  	[smem:$0x3F8C] =	sst s5  }
0xe: {  	[smem:$0x3F8D] =	sst s6  }
0xf: {  	[smem:$0x3F8E] =	sst s7  }
0x10: {  	[smem:$0x3F8F] =	sst s8  }
0x11: {  	[smem:$0x3F90] =	sst s9;
	s0 =	simm.s32 @!p0 $0x0  }
0x12: {  	s1 =	sld [smem:$0x3F76];
	s0 =	simm.s32 @p0 $0x1  }
0x13: {  	[smem:$0x3F91] =	sst s0;
	s0 =	simm.s32 @!p1 $0x0  }
0x14: {  	s2 =	sld [smem:$0x3F75];
	s0 =	simm.s32 @p1 $0x1  }
0x15: {  	[smem:$0x3F92] =	sst s0;
	s0 =	simm.s32 @!p2 $0x0  }
0x16: {  	s3 =	sld [smem:$0x3FDB];
	s0 =	simm.s32 @p2 $0x1  }
0x17: {  	s4 =	simm.s32 $0x1BF5;
	[smem:$0x3F94] =	sst s0  }
0x18: {  	s0 =	sld [smem:$0x3F77];
	_ =	swait.ge [sflag:s4], $0x0  }
0x19: {  	s7 =	sld [smem:$0x3F78]  }
0x1a: {  	s8 =	sadd.s32 $0xFFFFE003, lr  }
0x1b: {  	s9 =	sadd.s32 $0xFFFFFEF7, lr;
	s5 =	simm.s32 $0xFFFFFFFF;
	p2 =	slt.u32 s8, $0xFFFFF086  }
0x1c: {  	p1 =	slt.u32 s9, $0xF7A;
	s5 =	simm.s32 @!p2 $0x0  }
0x1d: {  	s5 =	simm.s32 @p1 $0x1;
	p0 =	seq.s32 s7, s2  }
0x1e: {  	s7 =	smul.u32 @!p0 $0xF7A, s2;
	p2 =	seq.s32 @!p0 s5, $0x0  }
0x1f: {  	s9 =	smul.u32 $0xF7A, s1;
	s8 =	simm.s32 @!p0 $0x1BF5;
	p2 =	por !p2, p0  }
0x20: {  	[sflag:s8] =	ssyncset.s32 @!p0 $0xFFFFF086;
	s6 =	sadd.s32 @!p0 s3, s7;
	s7 =	simm.s32 @!p0 $0x108  }
0x21: {  	s3 =	sadd.s32 s3, s9;
	s6 =	sadd.s32 @!p0 $0x88, s6;
	s7 =	simm.s32 @p2 $0x1082  }
0x22: {  	[simem:s7], [sflag:s8] =	dma.local @!p0 [hbm:s6], $0xF7A  }
0x23: {  	s9 =	sor.u32 $0xD0000000, s2;
	s6 =	simm.s32 $0x108;
	_ =	swait.ge @!p0 [sflag:s8], $0x0  }
0x24: {  	s3 =	sadd.s32 $0x88, s3;
	s6 =	simm.s32 @!p1 $0x1082;
	[sflag:s4] =	ssyncset.s32 $0xFFFFF086  }
0x25: {  	[simem:s6], [sflag:s4] =	dma.local [hbm:s3], $0xF7A  }
0x26: {  	[smem:$0x3F78] =	sst s1;
	(tag) =	ssettag s2;
	_ =	strace s9  }
0x27: {  	s1 =	sld [smem:$0x3F88]  }
0x28: {  	s2 =	sld [smem:$0x3F89]  }
0x29: {  	s4 =	sld [smem:$0x3F8B]  }
0x2a: {  	p0 =	seq.s32 s5, $0x0;
	s5 =	sld [smem:$0x3F8C]  }
0x2b: {  	s6 =	sld [smem:$0x3F8D]  }
0x2c: {  	s7 =	sld [smem:$0x3F8E]  }
0x2d: {  	s3 =	simm.s32 $0x108;
	s8 =	sld [smem:$0x3F8F]  }
0x2e: {  	s3 =	simm.s32 @!p0 $0x1082;
	s9 =	sld [smem:$0x3F90]  }
0x2f: {  	lr =	sadd.s32 s0, s3;
	s0 =	sld [smem:$0x3F87]  }
0x30: {  	s3 =	sld [smem:$0x3F8A]  }
0x31: {  	[smem:$0x3F93] =	sst s10  }
0x32: {  	s10 =	sld [smem:$0x3F91];
	_ =	sdelay $0x3  }
0x33: {  	p0 =	seq.s32 s10, $0x1;
	s10 =	sld [smem:$0x3F93];
	_ =	sdelay $0x3  }
0x34: {  	[smem:$0x3F93] =	sst s10  }
0x35: {  	s10 =	sld [smem:$0x3F92];
	_ =	sdelay $0x3  }
0x36: {  	p1 =	seq.s32 s10, $0x1;
	s10 =	sld [smem:$0x3F93];
	_ =	sdelay $0x3  }
0x37: {  	[smem:$0x3F93] =	sst s10  }
0x38: {  	s10 =	sld [smem:$0x3F94]  }
0x39: {  	_ = 	snop;
	(pc) =	sbr.ind lr, $3  }
0x3a: {  	_ = 	snop  }
0x3b: {  	_ = 	snop  }
0x3c: {  	p2 =	seq.s32 s10, $0x1;
	s10 =	sld [smem:$0x3F93]  }
0x3d: {  	_ =	shalt  }
0x3e: {  	_ =	shalt  }
0x3f: {  	_ =	shalt  }
0x40: {  	_ =	shalt  }
0x41: {  	_ =	shalt  }
0x42: {  	_ =	shalt  }
0x43: {  	_ =	shalt  }
0x44: {  	_ =	shalt  }
0x45: {  	_ =	shalt  }
0x46: {  	_ =	shalt  }
0x47: {  	_ =	shalt  }
0x48: {  	_ =	shalt  }
0x49: {  	_ =	shalt  }
0x4a: {  	_ =	shalt  }
0x4b: {  	_ =	shalt  }
0x4c: {  	_ =	shalt  }
0x4d: {  	_ =	shalt  }
0x4e: {  	_ =	shalt  }
0x4f: {  	_ =	shalt  }
0x50: {  	_ =	shalt  }
0x51: {  	_ =	shalt  }
0x52: {  	_ =	shalt  }
0x53: {  	_ =	shalt  }
0x54: {  	_ =	shalt  }
0x55: {  	_ =	shalt  }
0x56: {  	_ =	shalt  }
0x57: {  	_ =	shalt  }
0x58: {  	_ =	shalt  }
0x59: {  	_ =	shalt  }
0x5a: {  	_ =	shalt  }
0x5b: {  	_ =	shalt  }
0x5c: {  	_ =	shalt  }
0x5d: {  	_ =	shalt  }
0x5e: {  	_ =	shalt  }
0x5f: {  	_ =	shalt  }
0x60: {  	_ =	shalt  }
0x61: {  	_ =	shalt  }
0x62: {  	_ =	shalt  }
0x63: {  	_ =	shalt  }
0x64: {  	_ =	shalt  }
0x65: {  	_ =	shalt  }
0x66: {  	_ =	shalt  }
0x67: {  	_ =	shalt  }
0x68: {  	_ =	shalt  }
0x69: {  	_ =	shalt  }
0x6a: {  	_ =	shalt  }
0x6b: {  	_ =	shalt  }
0x6c: {  	_ =	shalt  }
0x6d: {  	_ =	shalt  }
0x6e: {  	_ =	shalt  }
0x6f: {  	_ =	shalt  }
0x70: {  	_ =	shalt  }
0x71: {  	_ =	shalt  }
0x72: {  	_ =	shalt  }
0x73: {  	_ =	shalt  }
0x74: {  	_ =	shalt  }
0x75: {  	_ =	shalt  }
0x76: {  	_ =	shalt  }
0x77: {  	_ =	shalt  }
0x78: {  	_ =	shalt  }
0x79: {  	_ =	shalt  }
0x7a: {  	_ =	shalt  }
0x7b: {  	_ =	shalt  }
0x7c: {  	_ =	shalt  }
0x7d: {  	_ =	shalt  }
0x7e: {  	_ =	shalt  }
0x7f: {  	_ =	shalt  }
0x80: {  	_ =	shalt  }
0x81: {  	_ =	shalt  }
0x82: {  	_ =	shalt  }
0x83: {  	_ =	shalt  }
0x84: {  	_ =	shalt  }
0x85: {  	_ =	shalt  }
0x86: {  	_ =	shalt  }
0x87: {  	_ =	shalt  }
.Lfunc_end0:
.L_simem_size_0:
called_computation.2_lowered:
.L_overlay_start_0:
0x88: {  	s2 =	sld [smem:$0x3FD9]  }
0x89: {  	s3 =	sld [smem:$0x3FFE];
	_ =	sdelay $0x1  }
0x8a: {  	s1 =	srdreg.scid  }
0x8b: {  	s0 =	sand.u32 $0x1, s1  }
0x8c: {  	s14 =	sshll.u32 s0, $0xA;
	s2 =	sadd.s32 s3, s2  }
0x8d: {  	s2 =	sadd.s32 s2, s14  }
0x8e: {  	[smem:$0x3F9F] =	sst s2  }
0x8f: {  	_ = 	snop  }
0x90: {  	s2 =	sld [smem:$0x3FD0];
	_ =	sdelay $0x2  }
0x91: {  	s15 =	simm.s32 $0xA;
	s4 =	simm.s32 $0x10  }
0x92: {  	[smem:s4], [sflag:s15] =	dma.local [hbm:s2], $0x1  }
0x93: {  	_ =	swait.eq [sflag:s15], $0x1  }
0x94: {  	[sflag:s15] =	ssyncset.done $0x0  }
0x95: {  	[sflag:s15] =	ssyncadd.s32 $0xFFFFFFFF  }
0x96: {  	s16 =	sld [smem:$0x13];
	(tm) =	ssettm $0x1  }
0x97: {  	s17 =	sld [smem:$0x3FFB];
	_ =	sdelay $0x3  }
0x98: {  	_ =	strace s17  }
0x99: {  	s3 =	sld [smem:$0x3FFC];
	_ =	sdelay $0x3  }
0x9a: {  	_ =	strace s3  }
0x9b: {  	s3 =	sld [smem:$0x3FFD];
	_ =	sdelay $0x3  }
0x9c: {  	_ =	strace s3  }
0x9d: {  	_ =	strace $0x8FFFFFFF  }
0x9e: {  	s18 =	sld [smem:$0x3FDB];
	_ =	sdelay $0x1  }
0x9f: {  	s19 =	simm.s32 $_scs_section_size  }
0xa0: {  	s5 =	simm.s32 $_size__tile_overlayer_lowered;
	s6 =	simm.s32 $_tile_overlayer_lowered  }
0xa1: {  	s22 =	simm.s32 $0x1BFF;
	s21 =	sshll.u32 s6, $0x1;
	s3 =	sadd.s32 s19, s18  }
0xa2: {  	s7 =	simm.s32 $0x0;
	s20 =	sshll.u32 s5, $0x1;
	s5 =	sadd.s32 s21, s3  }
0xa3: {  	[timem:s7], [sflag:s22] =	dma.local [hbm:s5], s20  }
0xa4: {  	_ =	swait.ge [sflag:s22], s20  }
0xa5: {  	s4 =	ssub.s32 $0x0, s20;
	[sflag:s22] =	ssyncset.done $0x0  }
0xa6: {  	[sflag:s22] =	ssyncadd.s32 s4;
	_ =	sdelay $0x1  }
0xa7: {  	s23 =	simm.s32 $0x1B8B  }
0xa8: {  	_ =	swait.ge [sflag:s23], $0x1  }
0xa9: {  	[sflag:s23] =	ssyncset.done $0x0  }
0xaa: {  	s25 =	simm.s32 $0x1B8E;
	s24 =	sld [smem:$0x3FFE];
	[sflag:s23] =	ssyncadd.s32 $0xFFFFFFFF  }
0xab: {  	s26 =	simm.s32 $execute0_lowered;
	[smem:$0x3FD2] =	sst s25  }
0xac: {  	s5 =	sshll.u32 s26, $0x1;
	_ =	strace $0x8000004C;
	[dreg:$0x1] =	wrdreg $0xFFFFFFFF  }
0xad: {  	s28 =	simm.s32 $_size_execute0_lowered;
	s3 =	sadd.s32 s3, s5;
	[dreg:$0x0] =	wrdreg $0x0  }
0xae: {  	s5 =	sshll.u32 s28, $0x1;
	[dreg:$0x2] =	wrdreg s3  }
0xaf: {  	[dreg:$0x3] =	wrdreg s5  }
0xb0: {  	[dreg:$0x4] =	wrdreg $0xC0  }
0xb1: {  	_ =	task [dreg:s7], $0x5FFFF  }
0xb2: {  	[dreg:$0x1] =	wrdreg $0xFFFFFFFF  }
0xb3: {  	[dreg:$0x0] =	wrdreg $0x60  }
0xb4: {  	[dreg:$0x2] =	wrdreg s24  }
0xb5: {  	[dreg:$0x3] =	wrdreg s16  }
0xb6: {  	[dreg:$0x4] =	wrdreg $0x29000  }
0xb7: {  	[dreg:$0x5] =	wrdreg $0x9  }
0xb8: {  	_ =	task.clear_ibuf [dreg:s7], $0x6FFFF;
	_ =	strace $0x9000004C  }
0xb9: {  	s29 =	simm.s32 $0x9;
	_ =	strace $0x8000004E  }
0xba: {  	_ =	swait.ge [sflag:s29], $0x1  }
0xbb: {  	[sflag:s29] =	ssyncadd.s32 $0xFFFFFFFF  }
0xbc: {  	_ =	strace $0x9000004E  }
0xbd: {  	_ =	sfence  }
0xbe: {  	s30 =	sld [smem:$0x0];
	_ =	sdelay $0x2  }
0xbf: {  	s31 =	sshll.u32 s1, $0xD;
	s1 =	sshrl.u32 s1, $0x2  }
0xc0: {  	s3 =	sand.u32 $0x4000, s31;
	s1 =	sadd.s32 s1, s30  }
0xc1: {  	s0 =	sor.u32 s3, s0;
	s1 =	sshll.u32 s1, $0x11  }
0xc2: {  	s0 =	sor.u32 s1, s0  }
0xc3: {  	s0 =	sadd.s32 $0x8F2B, s0  }
0xc4: {  	[sflag:s0] =	ssyncadd.remote.s32 $0x1  }
0xc5: {  	_ =	sfence.sel $0xFFFF  }
0xc6: {  	[dreg:$0x0] =	wrdreg $0xFFFFFFFF;
	(pc) =	sbr.abs _section_cstart, $3  }
0xc7: {  	[dreg:$0x1] =	wrdreg $0xFFFFFFFF  }
0xc8: {  	_ =	task.clear_ibuf [dreg:s7], $0x2FFFF;
	_ =	strace $0x9FFFFFFF  }
0xc9: {  	(tm) =	ssettm $0x7FFFFFFF  }
tec
execute0_lowered:
.L_overlay_start_1:
0x0: {  	(tag) =	ssettag $0x1  }
0x1: {  	s5 =	rddreg [dreg:$0x0]  }
0x2: {  	s0 =	srdreg.scid;
	s10 =	rddreg [dreg:$0x1]  }
0x3: {  	s2 =	rddreg [dreg:$0x2];
	s6 =	sand.u32 $0x1, s0  }
0x4: {  	s0 =	stileid.u32;
	s4 =	smul.u32 $0x27100, s6  }
0x5: {  	s1 =	rddreg [dreg:$0x3];
	s7 =	smul.u32 $0x2710, s0  }
0x6: {  	s3 =	simm.s32 $0x0;
	s15 =	simm.s32 $0x100;
	s28 =	smul.u32 $0x14000, s0  }
0x7: {  	s16 =	simm.s32 $0x0;
	[smem:$0x7FF] =	sst s3;
	s8 =	smul.u32 $0x140000, s6  }
0x8: {  	_ =	strace $0x8000004D;
	s29 =	smul.u32 $0x50000, s0;
	s6 =	ssub.s32 $0x2, s6  }
0x9: {  	s31 =	sshll.u32 s0, $0x6;
	s30 =	sshrl.u32 s6, $0x1;
	s4 =	sadd.s32 s7, s4  }
0xa: {  	s12 =	sshrl.u32 s28, $0x3;
	s7 =	sadd.s32 s28, s8;
	s8 =	sshrl.u32 s29, $0x2  }
0xb: {  	s13 =	ssub.s32 s6, s30;
	s6 =	sor.u32 $0x1C01, s31;
	s11 =	sshrl.u32 s4, $0x3  }
0xc: {  	s4 =	sadd.s32 $0x13000, s5;
	s12 =	sadd.s32 s12, s5;
	s7 =	sshrl.u32 s7, $0x3  }
0xd: {  	s14 =	sadd.s32 s8, s2;
	s8 =	smax.u32 s13, $0x1;
	s13 =	simm.s32 $0x80  }
0xe: {  	s9 =	sadd.s32 s11, s5;
	s7 =	sadd.s32 s7, s5;
	s5 =	sadd.s32 $0x63600, s12  }
0xf: {  	s10 =	sadd.s32 s11, s10;
	s11 =	sshrl.u32 s14, $0x3;
	s12 =	simm.s32 $0x1  }
0x10: {  	s14 =	simm.s32 $0x50;
	s7 =	sadd.s32 $0x8B600, s7;
	s9 =	sadd.s32 $0x8C00, s9  }
.LBB2_1:
0x11: {  	[spmem:s11], [sflag:s6] =	dma.local [hbm:s5], $0x2800  }
0x12: {  	_ =	swait.ge [sflag:s12], $0x2800  }
0x13: {  	[sflag:s12] =	ssyncset.done $0x0  }
0x14: {  	[sflag:s12] =	ssyncadd.s32 $0xFFFFD800  }
0x15: {  	s17 =	sadd.s32 $0x0, s10;
	[bflag:$0x0] =	sbarrier.arrive $0xFFFF  }
0x16: {  	[tilespmem:s3], [sflag:$0x1] =	stream.linear.gather [hbm4b:s17+s3], $0x50, $0x38;
	[tilespmem:$0x16900] =	vst v63  }
0x17: {  	_ =	swait.ge [sflag:s12], $0x50  }
0x18: {  	[sflag:s12] =	ssyncset.done $0x0  }
0x19: {  	s31 =	sadd.s32 $0x0, s9;
	[sflag:s12] =	ssyncadd.s32 $0xFFFFFFB0  }
0x1a: {  	[tilespmem:s13], [sflag:$0x1] =	stream.linear.gather [hbm4b:s31+s3], $0x50, $0x38;
	[tilespmem:$0x16900] =	vst v63  }
0x1b: {  	_ =	swait.ge [sflag:s12], $0x50  }
0x1c: {  	[sflag:s12] =	ssyncset.done $0x0  }
0x1d: {  	[sflag:s12] =	ssyncadd.s32 $0xFFFFFFB0  }
0x1e: {  	[tilespmem:s15], [sflag:$0x1] =	stream.indirect.gather [hbm4b:s4+s14], $0x80, s3, s14, $0xb8;
	[tilespmem:$0x16900] =	vst v63  }
0x1f: {  	_ =	swait.ge [sflag:s12], $0x2800  }
0x20: {  	[sflag:s12] =	ssyncset.done $0x0  }
0x21: {  	[sflag:s12] =	ssyncadd.s32 $0xFFFFD800  }
0x22: {  	[spmem:s2] =	stream.indirect.scatter.add.f32 [tilespmem:s15], [sflag:$0x1], $0x80, s13, s14, $0xb8;
	[tilespmem:$0x16900] =	vst v63  }
0x23: {  	_ =	swait.ge [sflag:s12], $0x2800  }
0x24: {  	s18 =	simm.s32 $0x14;
	s17 =	simm.s32 $0xA;
	[sflag:s12] =	ssyncset.done $0x0  }
.LBB2_2:
0x25: {  	s19 =	sadd.s32 s17, s10  }
0x26: {  	[sflag:s12] =	ssyncadd.s32 $0xFFFFD800;
	s20 =	smov.u32 s18;
	s21 =	sadd.s32 $0xA, s18  }
0x27: {  	[tilespmem:s3], [sflag:$0x1] =	stream.linear.gather [hbm4b:s19+s3], $0x50, $0x38;
	[tilespmem:$0x16900] =	vst v63  }
0x28: {  	p0 =	sne.s32 s18, $0x4D8;
	_ =	swait.ge [sflag:s12], $0x50  }
0x29: {  	[sflag:s12] =	ssyncset.done $0x0  }
0x2a: {  	s18 =	sadd.s32 s17, s9;
	s17 =	smov.u32 s20;
	[sflag:s12] =	ssyncadd.s32 $0xFFFFFFB0  }
0x2b: {  	[tilespmem:s13], [sflag:$0x1] =	stream.linear.gather [hbm4b:s18+s3], $0x50, $0x38;
	[tilespmem:$0x16900] =	vst v63  }
0x2c: {  	_ =	swait.ge [sflag:s12], $0x50  }
0x2d: {  	[sflag:s12] =	ssyncset.done $0x0  }
0x2e: {  	[sflag:s12] =	ssyncadd.s32 $0xFFFFFFB0  }
0x2f: {  	[tilespmem:s15], [sflag:$0x1] =	stream.indirect.gather [hbm4b:s4+s14], $0x80, s3, s14, $0xb8;
	[tilespmem:$0x16900] =	vst v63  }
0x30: {  	_ =	swait.ge [sflag:s12], $0x2800  }
.Ltmp0:
0x31: {  	[sflag:s12] =	ssyncset.done $0x0;
	(pc) =	sbr.rel @p0 .LBB2_2-.Ltmp0, $4  }
0x32: {  	[sflag:s12] =	ssyncadd.s32 $0xFFFFD800  }
0x33: {  	[spmem:s2] =	stream.indirect.scatter.add.f32 [tilespmem:s15], [sflag:$0x1], $0x80, s13, s14, $0xb8;
	[tilespmem:$0x16900] =	vst v63  }
0x34: {  	_ =	swait.ge [sflag:s12], $0x2800  }
0x35: {  	s18 =	smov.u32 s21;
	[sflag:s12] =	ssyncset.done $0x0  }
0x36: {  	s18 =	sadd.s32 s17, s10;
	[sflag:s12] =	ssyncadd.s32 $0xFFFFD800  }
0x37: {  	[tilespmem:s3], [sflag:$0x1] =	stream.linear.gather [hbm4b:s18+s3], $0x50, $0x38;
	[tilespmem:$0x16900] =	vst v63  }
0x38: {  	_ =	swait.ge [sflag:s12], $0x50  }
0x39: {  	[sflag:s12] =	ssyncset.done $0x0  }
0x3a: {  	s31 =	sadd.s32 s17, s9;
	[sflag:s12] =	ssyncadd.s32 $0xFFFFFFB0  }
0x3b: {  	[tilespmem:s13], [sflag:$0x1] =	stream.linear.gather [hbm4b:s31+s3], $0x50, $0x38;
	[tilespmem:$0x16900] =	vst v63  }
0x3c: {  	_ =	swait.ge [sflag:s12], $0x50  }
0x3d: {  	[sflag:s12] =	ssyncset.done $0x0  }
0x3e: {  	[sflag:s12] =	ssyncadd.s32 $0xFFFFFFB0  }
0x3f: {  	[tilespmem:s15], [sflag:$0x1] =	stream.indirect.gather [hbm4b:s4+s14], $0x80, s3, s14, $0xb8;
	[tilespmem:$0x16900] =	vst v63  }
0x40: {  	_ =	swait.ge [sflag:s12], $0x2800  }
0x41: {  	[sflag:s12] =	ssyncset.done $0x0  }
0x42: {  	[sflag:s12] =	ssyncadd.s32 $0xFFFFD800  }
0x43: {  	[spmem:s2] =	stream.indirect.scatter.add.f32 [tilespmem:s15], [sflag:$0x1], $0x80, s13, s14, $0xb8;
	[tilespmem:$0x16900] =	vst v63  }
0x44: {  	_ =	swait.ge [sflag:s12], $0x2800  }
0x45: {  	s16 =	sadd.s32 $0x1, s16;
	[sflag:s12] =	ssyncset.done $0x0  }
0x46: {  	p0 =	sne.s32 s16, s8;
	[sflag:s12] =	ssyncadd.s32 $0xFFFFD800  }
.Ltmp1:
0x47: {  	[bflag:$0x0] =	sbarrier.arrive $0xFFFF;
	(pc) =	sbr.rel @p0 .LBB2_1-.Ltmp1, $4  }
0x48: {  	[hbm:s7], [sflag:s6] =	dma.local [spmem:s11], $0x2800  }
0x49: {  	_ =	swait.ge [sflag:s12], $0x2800  }
0x4a: {  	[sflag:s12] =	ssyncset.done $0x0  }
0x4b: {  	[sflag:s12] =	ssyncadd.s32 $0xFFFFD800  }
0x4c: {  	_ =	sfence.sel $0x180000  }
0x4d: {  	[bflag:$0x0] =	sbarrier.arrive $0xFFFF  }
0x4e: {  	p0 =	sne.s32 s0, $0x0;
	_ =	strace $0x9000004D  }
0x4f: {  	s0 =	sadd.s32 @!p0 $0x100000, s1;
	[bflag:$0x2] =	sbarrier.arrive $0xFFFF  }
0x50: {  	[sflag:s0] =	ssyncadd.tile.s32 @!p0 $0x1;
	_ =	shalt  }
.Lfunc_end2:
_tile_overlayer_lowered:
.L_overlay_start_2:
0x51: {  	(tag) =	ssettag $0x2  }
0x52: {  	s0 =	rddreg [dreg:$0x0];
	s2 =	stileid.u32  }
0x53: {  	s1 =	rddreg [dreg:$0x1];
	p0 =	sne.s32 s2, $0x0  }
0x54: {  	s3 =	rddreg [dreg:$0x2];
	[bflag:$0x3] =	sbarrier.arrive $0xFFFF;
	s2 =	simm.s32 @!p0 $0x1C01  }
0x55: {  	[timem:s3], [sflag:s2] =	dma.local @!p0 [hbm:s0], s1  }
0x56: {  	s0 =	simm.s32 @!p0 $0x1  }
0x57: {  	_ =	swait.ge @!p0 [sflag:s0], s1  }
0x58: {  	s1 =	ssub.s32 @!p0 $0x0, s1;
	[sflag:s0] =	ssyncset.done @!p0 $0x0  }
0x59: {  	[sflag:s0] =	ssyncadd.s32 @!p0 s1  }
0x5a: {  	[bflag:$0x3] =	sbarrier.arrive $0xFFFF  }
0x5b: {  	_ =	shalt  }

// kernel: kernel.22.cloned.1.call-start
scs
__scs_entry_jumppad:
0x0: {  	(pc) =	sbr.rel $0x88, $3  }
0x1: {  	(tag) =	ssettag $0x0;
	lr =	simm.s32 $0x1  }
0x2: {  	[smem:$0x3F78] =	sst lr;
	_ =	strace $0xD0000000  }
0x3: {  	_ = 	snop  }
0x4: {  	_ = 	snop  }
0x5: {  	_ = 	snop  }
0x6: {  	_ = 	snop  }
0x7: {  	_ = 	snop  }
__scs_overlays_trampoline_lowered:
0x8: {  	[smem:$0x3F87] =	sst s0  }
0x9: {  	[smem:$0x3F88] =	sst s1  }
0xa: {  	[smem:$0x3F89] =	sst s2  }
0xb: {  	[smem:$0x3F8A] =	sst s3  }
0xc: {  	[smem:$0x3F8B] =	sst s4  }
0xd: {  	[smem:$0x3F8C] =	sst s5  }
0xe: {  	[smem:$0x3F8D] =	sst s6  }
0xf: {  	[smem:$0x3F8E] =	sst s7  }
0x10: {  	[smem:$0x3F8F] =	sst s8  }
0x11: {  	[smem:$0x3F90] =	sst s9;
	s0 =	simm.s32 @!p0 $0x0  }
0x12: {  	s1 =	sld [smem:$0x3F76];
	s0 =	simm.s32 @p0 $0x1  }
0x13: {  	[smem:$0x3F91] =	sst s0;
	s0 =	simm.s32 @!p1 $0x0  }
0x14: {  	s2 =	sld [smem:$0x3F75];
	s0 =	simm.s32 @p1 $0x1  }
0x15: {  	[smem:$0x3F92] =	sst s0;
	s0 =	simm.s32 @!p2 $0x0  }
0x16: {  	s3 =	sld [smem:$0x3FDB];
	s0 =	simm.s32 @p2 $0x1  }
0x17: {  	s4 =	simm.s32 $0x1BF5;
	[smem:$0x3F94] =	sst s0  }
0x18: {  	s0 =	sld [smem:$0x3F77];
	_ =	swait.ge [sflag:s4], $0x0  }
0x19: {  	s7 =	sld [smem:$0x3F78]  }
0x1a: {  	s8 =	sadd.s32 $0xFFFFE003, lr  }
0x1b: {  	s9 =	sadd.s32 $0xFFFFFEF7, lr;
	s5 =	simm.s32 $0xFFFFFFFF;
	p2 =	slt.u32 s8, $0xFFFFF086  }
0x1c: {  	p1 =	slt.u32 s9, $0xF7A;
	s5 =	simm.s32 @!p2 $0x0  }
0x1d: {  	s5 =	simm.s32 @p1 $0x1;
	p0 =	seq.s32 s7, s2  }
0x1e: {  	s7 =	smul.u32 @!p0 $0xF7A, s2;
	p2 =	seq.s32 @!p0 s5, $0x0  }
0x1f: {  	s9 =	smul.u32 $0xF7A, s1;
	s8 =	simm.s32 @!p0 $0x1BF5;
	p2 =	por !p2, p0  }
0x20: {  	[sflag:s8] =	ssyncset.s32 @!p0 $0xFFFFF086;
	s6 =	sadd.s32 @!p0 s3, s7;
	s7 =	simm.s32 @!p0 $0x108  }
0x21: {  	s3 =	sadd.s32 s3, s9;
	s6 =	sadd.s32 @!p0 $0x88, s6;
	s7 =	simm.s32 @p2 $0x1082  }
0x22: {  	[simem:s7], [sflag:s8] =	dma.local @!p0 [hbm:s6], $0xF7A  }
0x23: {  	s9 =	sor.u32 $0xD0000000, s2;
	s6 =	simm.s32 $0x108;
	_ =	swait.ge @!p0 [sflag:s8], $0x0  }
0x24: {  	s3 =	sadd.s32 $0x88, s3;
	s6 =	simm.s32 @!p1 $0x1082;
	[sflag:s4] =	ssyncset.s32 $0xFFFFF086  }
0x25: {  	[simem:s6], [sflag:s4] =	dma.local [hbm:s3], $0xF7A  }
0x26: {  	[smem:$0x3F78] =	sst s1;
	(tag) =	ssettag s2;
	_ =	strace s9  }
0x27: {  	s1 =	sld [smem:$0x3F88]  }
0x28: {  	s2 =	sld [smem:$0x3F89]  }
0x29: {  	s4 =	sld [smem:$0x3F8B]  }
0x2a: {  	p0 =	seq.s32 s5, $0x0;
	s5 =	sld [smem:$0x3F8C]  }
0x2b: {  	s6 =	sld [smem:$0x3F8D]  }
0x2c: {  	s7 =	sld [smem:$0x3F8E]  }
0x2d: {  	s3 =	simm.s32 $0x108;
	s8 =	sld [smem:$0x3F8F]  }
0x2e: {  	s3 =	simm.s32 @!p0 $0x1082;
	s9 =	sld [smem:$0x3F90]  }
0x2f: {  	lr =	sadd.s32 s0, s3;
	s0 =	sld [smem:$0x3F87]  }
0x30: {  	s3 =	sld [smem:$0x3F8A]  }
0x31: {  	[smem:$0x3F93] =	sst s10  }
0x32: {  	s10 =	sld [smem:$0x3F91];
	_ =	sdelay $0x3  }
0x33: {  	p0 =	seq.s32 s10, $0x1;
	s10 =	sld [smem:$0x3F93];
	_ =	sdelay $0x3  }
0x34: {  	[smem:$0x3F93] =	sst s10  }
0x35: {  	s10 =	sld [smem:$0x3F92];
	_ =	sdelay $0x3  }
0x36: {  	p1 =	seq.s32 s10, $0x1;
	s10 =	sld [smem:$0x3F93];
	_ =	sdelay $0x3  }
0x37: {  	[smem:$0x3F93] =	sst s10  }
0x38: {  	s10 =	sld [smem:$0x3F94]  }
0x39: {  	_ = 	snop;
	(pc) =	sbr.ind lr, $3  }
0x3a: {  	_ = 	snop  }
0x3b: {  	_ = 	snop  }
0x3c: {  	p2 =	seq.s32 s10, $0x1;
	s10 =	sld [smem:$0x3F93]  }
0x3d: {  	_ =	shalt  }
0x3e: {  	_ =	shalt  }
0x3f: {  	_ =	shalt  }
0x40: {  	_ =	shalt  }
0x41: {  	_ =	shalt  }
0x42: {  	_ =	shalt  }
0x43: {  	_ =	shalt  }
0x44: {  	_ =	shalt  }
0x45: {  	_ =	shalt  }
0x46: {  	_ =	shalt  }
0x47: {  	_ =	shalt  }
0x48: {  	_ =	shalt  }
0x49: {  	_ =	shalt  }
0x4a: {  	_ =	shalt  }
0x4b: {  	_ =	shalt  }
0x4c: {  	_ =	shalt  }
0x4d: {  	_ =	shalt  }
0x4e: {  	_ =	shalt  }
0x4f: {  	_ =	shalt  }
0x50: {  	_ =	shalt  }
0x51: {  	_ =	shalt  }
0x52: {  	_ =	shalt  }
0x53: {  	_ =	shalt  }
0x54: {  	_ =	shalt  }
0x55: {  	_ =	shalt  }
0x56: {  	_ =	shalt  }
0x57: {  	_ =	shalt  }
0x58: {  	_ =	shalt  }
0x59: {  	_ =	shalt  }
0x5a: {  	_ =	shalt  }
0x5b: {  	_ =	shalt  }
0x5c: {  	_ =	shalt  }
0x5d: {  	_ =	shalt  }
0x5e: {  	_ =	shalt  }
0x5f: {  	_ =	shalt  }
0x60: {  	_ =	shalt  }
0x61: {  	_ =	shalt  }
0x62: {  	_ =	shalt  }
0x63: {  	_ =	shalt  }
0x64: {  	_ =	shalt  }
0x65: {  	_ =	shalt  }
0x66: {  	_ =	shalt  }
0x67: {  	_ =	shalt  }
0x68: {  	_ =	shalt  }
0x69: {  	_ =	shalt  }
0x6a: {  	_ =	shalt  }
0x6b: {  	_ =	shalt  }
0x6c: {  	_ =	shalt  }
0x6d: {  	_ =	shalt  }
0x6e: {  	_ =	shalt  }
0x6f: {  	_ =	shalt  }
0x70: {  	_ =	shalt  }
0x71: {  	_ =	shalt  }
0x72: {  	_ =	shalt  }
0x73: {  	_ =	shalt  }
0x74: {  	_ =	shalt  }
0x75: {  	_ =	shalt  }
0x76: {  	_ =	shalt  }
0x77: {  	_ =	shalt  }
0x78: {  	_ =	shalt  }
0x79: {  	_ =	shalt  }
0x7a: {  	_ =	shalt  }
0x7b: {  	_ =	shalt  }
0x7c: {  	_ =	shalt  }
0x7d: {  	_ =	shalt  }
0x7e: {  	_ =	shalt  }
0x7f: {  	_ =	shalt  }
0x80: {  	_ =	shalt  }
0x81: {  	_ =	shalt  }
0x82: {  	_ =	shalt  }
0x83: {  	_ =	shalt  }
0x84: {  	_ =	shalt  }
0x85: {  	_ =	shalt  }
0x86: {  	_ =	shalt  }
0x87: {  	_ =	shalt  }
.Lfunc_end0:
.L_simem_size_0:
called_computation.3_lowered:
.L_overlay_start_0:
0x88: {  	s2 =	sld [smem:$0x3FD9]  }
0x89: {  	s3 =	sld [smem:$0x3FFE];
	_ =	sdelay $0x1  }
0x8a: {  	s1 =	srdreg.scid  }
0x8b: {  	s0 =	sand.u32 $0x1, s1  }
0x8c: {  	s14 =	sshll.u32 s0, $0xA;
	s2 =	sadd.s32 s3, s2  }
0x8d: {  	s2 =	sadd.s32 s2, s14  }
0x8e: {  	[smem:$0x3F9F] =	sst s2  }
0x8f: {  	_ = 	snop  }
0x90: {  	s2 =	sld [smem:$0x3FD0];
	_ =	sdelay $0x2  }
0x91: {  	s15 =	simm.s32 $0xA;
	s4 =	simm.s32 $0x10  }
0x92: {  	[smem:s4], [sflag:s15] =	dma.local [hbm:s2], $0x1  }
0x93: {  	_ =	swait.eq [sflag:s15], $0x1  }
0x94: {  	[sflag:s15] =	ssyncset.done $0x0  }
0x95: {  	[sflag:s15] =	ssyncadd.s32 $0xFFFFFFFF  }
0x96: {  	s16 =	sld [smem:$0x13];
	(tm) =	ssettm $0x1  }
0x97: {  	s17 =	sld [smem:$0x3FFB];
	_ =	sdelay $0x3  }
0x98: {  	_ =	strace s17  }
0x99: {  	s3 =	sld [smem:$0x3FFC];
	_ =	sdelay $0x3  }
0x9a: {  	_ =	strace s3  }
0x9b: {  	s3 =	sld [smem:$0x3FFD];
	_ =	sdelay $0x3  }
0x9c: {  	_ =	strace s3  }
0x9d: {  	_ =	strace $0x8FFFFFFF  }
0x9e: {  	s18 =	sld [smem:$0x3FDB];
	_ =	sdelay $0x1  }
0x9f: {  	s19 =	simm.s32 $_scs_section_size  }
0xa0: {  	s5 =	simm.s32 $_size__tile_overlayer_lowered;
	s6 =	simm.s32 $_tile_overlayer_lowered  }
0xa1: {  	s22 =	simm.s32 $0x1BFF;
	s21 =	sshll.u32 s6, $0x1;
	s3 =	sadd.s32 s19, s18  }
0xa2: {  	s7 =	simm.s32 $0x0;
	s20 =	sshll.u32 s5, $0x1;
	s5 =	sadd.s32 s21, s3  }
0xa3: {  	[timem:s7], [sflag:s22] =	dma.local [hbm:s5], s20  }
0xa4: {  	_ =	swait.ge [sflag:s22], s20  }
0xa5: {  	s4 =	ssub.s32 $0x0, s20;
	[sflag:s22] =	ssyncset.done $0x0  }
0xa6: {  	[sflag:s22] =	ssyncadd.s32 s4;
	_ =	sdelay $0x1  }
0xa7: {  	s23 =	simm.s32 $0x1B8B  }
0xa8: {  	_ =	swait.ge [sflag:s23], $0x1  }
0xa9: {  	[sflag:s23] =	ssyncset.done $0x0  }
0xaa: {  	s25 =	simm.s32 $0x1B8E;
	s24 =	sld [smem:$0x3FFE];
	[sflag:s23] =	ssyncadd.s32 $0xFFFFFFFF  }
0xab: {  	s26 =	simm.s32 $execute0_lowered;
	[smem:$0x3FD2] =	sst s25  }
0xac: {  	s5 =	sshll.u32 s26, $0x1;
	_ =	strace $0x8000004F;
	[dreg:$0x1] =	wrdreg $0xFFFFFFFF  }
0xad: {  	s28 =	simm.s32 $_size_execute0_lowered;
	s3 =	sadd.s32 s3, s5;
	[dreg:$0x0] =	wrdreg $0x0  }
0xae: {  	s5 =	sshll.u32 s28, $0x1;
	[dreg:$0x2] =	wrdreg s3  }
0xaf: {  	[dreg:$0x3] =	wrdreg s5  }
0xb0: {  	[dreg:$0x4] =	wrdreg $0xC0  }
0xb1: {  	_ =	task [dreg:s7], $0x5FFFF  }
0xb2: {  	[dreg:$0x1] =	wrdreg $0xFFFFFFFF  }
0xb3: {  	[dreg:$0x0] =	wrdreg $0x60  }
0xb4: {  	[dreg:$0x2] =	wrdreg s24  }
0xb5: {  	[dreg:$0x3] =	wrdreg s16  }
0xb6: {  	[dreg:$0x4] =	wrdreg $0x29000  }
0xb7: {  	[dreg:$0x5] =	wrdreg $0x9  }
0xb8: {  	_ =	task.clear_ibuf [dreg:s7], $0x6FFFF;
	_ =	strace $0x9000004F  }
0xb9: {  	s29 =	simm.s32 $0x9;
	_ =	strace $0x80000051  }
0xba: {  	_ =	swait.ge [sflag:s29], $0x1  }
0xbb: {  	[sflag:s29] =	ssyncadd.s32 $0xFFFFFFFF  }
0xbc: {  	_ =	strace $0x90000051  }
0xbd: {  	_ =	sfence  }
0xbe: {  	s30 =	sld [smem:$0x0];
	_ =	sdelay $0x2  }
0xbf: {  	s31 =	sshll.u32 s1, $0xD;
	s1 =	sshrl.u32 s1, $0x2  }
0xc0: {  	s3 =	sand.u32 $0x4000, s31;
	s1 =	sadd.s32 s1, s30  }
0xc1: {  	s0 =	sor.u32 s3, s0;
	s1 =	sshll.u32 s1, $0x11  }
0xc2: {  	s0 =	sor.u32 s1, s0  }
0xc3: {  	s0 =	sadd.s32 $0x8F2B, s0  }
0xc4: {  	[sflag:s0] =	ssyncadd.remote.s32 $0x1  }
0xc5: {  	_ =	sfence.sel $0xFFFF  }
0xc6: {  	[dreg:$0x0] =	wrdreg $0xFFFFFFFF;
	(pc) =	sbr.abs _section_cstart, $3  }
0xc7: {  	[dreg:$0x1] =	wrdreg $0xFFFFFFFF  }
0xc8: {  	_ =	task.clear_ibuf [dreg:s7], $0x2FFFF;
	_ =	strace $0x9FFFFFFF  }
0xc9: {  	(tm) =	ssettm $0x7FFFFFFF  }
tec
execute0_lowered:
.L_overlay_start_1:
0x0: {  	(tag) =	ssettag $0x1  }
0x1: {  	s5 =	rddreg [dreg:$0x0]  }
0x2: {  	s0 =	srdreg.scid;
	s10 =	rddreg [dreg:$0x1]  }
0x3: {  	s2 =	rddreg [dreg:$0x2];
	s6 =	sand.u32 $0x1, s0  }
0x4: {  	s0 =	stileid.u32;
	s4 =	smul.u32 $0x27100, s6  }
0x5: {  	s1 =	rddreg [dreg:$0x3];
	s7 =	smul.u32 $0x2710, s0  }
0x6: {  	s3 =	simm.s32 $0x0;
	s15 =	simm.s32 $0x100;
	s28 =	smul.u32 $0x14000, s0  }
0x7: {  	s16 =	simm.s32 $0x0;
	[smem:$0x7FF] =	sst s3;
	s8 =	smul.u32 $0x140000, s6  }
0x8: {  	_ =	strace $0x80000050;
	s29 =	smul.u32 $0x50000, s0;
	s6 =	ssub.s32 $0x2, s6  }
0x9: {  	s31 =	sshll.u32 s0, $0x6;
	s30 =	sshrl.u32 s6, $0x1;
	s4 =	sadd.s32 s7, s4  }
0xa: {  	s12 =	sshrl.u32 s28, $0x3;
	s7 =	sadd.s32 s28, s8;
	s8 =	sshrl.u32 s29, $0x2  }
0xb: {  	s13 =	ssub.s32 s6, s30;
	s6 =	sor.u32 $0x1C01, s31;
	s11 =	sshrl.u32 s4, $0x3  }
0xc: {  	s4 =	sadd.s32 $0x13000, s5;
	s12 =	sadd.s32 s12, s5;
	s7 =	sshrl.u32 s7, $0x3  }
0xd: {  	s14 =	sadd.s32 s8, s2;
	s8 =	smax.u32 s13, $0x1;
	s13 =	simm.s32 $0x80  }
0xe: {  	s9 =	sadd.s32 s11, s5;
	s7 =	sadd.s32 s7, s5;
	s5 =	sadd.s32 $0x63600, s12  }
0xf: {  	s10 =	sadd.s32 s11, s10;
	s11 =	sshrl.u32 s14, $0x3;
	s12 =	simm.s32 $0x1  }
0x10: {  	s14 =	simm.s32 $0x50;
	s7 =	sadd.s32 $0x8B600, s7;
	s9 =	sadd.s32 $0x8C00, s9  }
.LBB2_1:
0x11: {  	[spmem:s11], [sflag:s6] =	dma.local [hbm:s5], $0x2800  }
0x12: {  	_ =	swait.ge [sflag:s12], $0x2800  }
0x13: {  	[sflag:s12] =	ssyncset.done $0x0  }
0x14: {  	[sflag:s12] =	ssyncadd.s32 $0xFFFFD800  }
0x15: {  	s17 =	sadd.s32 $0x0, s10;
	[bflag:$0x0] =	sbarrier.arrive $0xFFFF  }
0x16: {  	[tilespmem:s3], [sflag:$0x1] =	stream.linear.gather [hbm4b:s17+s3], $0x50, $0x38;
	[tilespmem:$0x16900] =	vst v63  }
0x17: {  	_ =	swait.ge [sflag:s12], $0x50  }
0x18: {  	[sflag:s12] =	ssyncset.done $0x0  }
0x19: {  	s31 =	sadd.s32 $0x0, s9;
	[sflag:s12] =	ssyncadd.s32 $0xFFFFFFB0  }
0x1a: {  	[tilespmem:s13], [sflag:$0x1] =	stream.linear.gather [hbm4b:s31+s3], $0x50, $0x38;
	[tilespmem:$0x16900] =	vst v63  }
0x1b: {  	_ =	swait.ge [sflag:s12], $0x50  }
0x1c: {  	[sflag:s12] =	ssyncset.done $0x0  }
0x1d: {  	[sflag:s12] =	ssyncadd.s32 $0xFFFFFFB0  }
0x1e: {  	[tilespmem:s15], [sflag:$0x1] =	stream.indirect.gather [hbm4b:s4+s14], $0x80, s3, s14, $0xb8;
	[tilespmem:$0x16900] =	vst v63  }
0x1f: {  	_ =	swait.ge [sflag:s12], $0x2800  }
0x20: {  	[sflag:s12] =	ssyncset.done $0x0  }
0x21: {  	[sflag:s12] =	ssyncadd.s32 $0xFFFFD800  }
0x22: {  	[spmem:s2] =	stream.indirect.scatter.add.f32 [tilespmem:s15], [sflag:$0x1], $0x80, s13, s14, $0xb8;
	[tilespmem:$0x16900] =	vst v63  }
0x23: {  	_ =	swait.ge [sflag:s12], $0x2800  }
0x24: {  	s18 =	simm.s32 $0x14;
	s17 =	simm.s32 $0xA;
	[sflag:s12] =	ssyncset.done $0x0  }
.LBB2_2:
0x25: {  	s19 =	sadd.s32 s17, s10  }
0x26: {  	[sflag:s12] =	ssyncadd.s32 $0xFFFFD800;
	s20 =	smov.u32 s18;
	s21 =	sadd.s32 $0xA, s18  }
0x27: {  	[tilespmem:s3], [sflag:$0x1] =	stream.linear.gather [hbm4b:s19+s3], $0x50, $0x38;
	[tilespmem:$0x16900] =	vst v63  }
0x28: {  	p0 =	sne.s32 s18, $0x4D8;
	_ =	swait.ge [sflag:s12], $0x50  }
0x29: {  	[sflag:s12] =	ssyncset.done $0x0  }
0x2a: {  	s18 =	sadd.s32 s17, s9;
	s17 =	smov.u32 s20;
	[sflag:s12] =	ssyncadd.s32 $0xFFFFFFB0  }
0x2b: {  	[tilespmem:s13], [sflag:$0x1] =	stream.linear.gather [hbm4b:s18+s3], $0x50, $0x38;
	[tilespmem:$0x16900] =	vst v63  }
0x2c: {  	_ =	swait.ge [sflag:s12], $0x50  }
0x2d: {  	[sflag:s12] =	ssyncset.done $0x0  }
0x2e: {  	[sflag:s12] =	ssyncadd.s32 $0xFFFFFFB0  }
0x2f: {  	[tilespmem:s15], [sflag:$0x1] =	stream.indirect.gather [hbm4b:s4+s14], $0x80, s3, s14, $0xb8;
	[tilespmem:$0x16900] =	vst v63  }
0x30: {  	_ =	swait.ge [sflag:s12], $0x2800  }
.Ltmp0:
0x31: {  	[sflag:s12] =	ssyncset.done $0x0;
	(pc) =	sbr.rel @p0 .LBB2_2-.Ltmp0, $4  }
0x32: {  	[sflag:s12] =	ssyncadd.s32 $0xFFFFD800  }
0x33: {  	[spmem:s2] =	stream.indirect.scatter.add.f32 [tilespmem:s15], [sflag:$0x1], $0x80, s13, s14, $0xb8;
	[tilespmem:$0x16900] =	vst v63  }
0x34: {  	_ =	swait.ge [sflag:s12], $0x2800  }
0x35: {  	s18 =	smov.u32 s21;
	[sflag:s12] =	ssyncset.done $0x0  }
0x36: {  	s18 =	sadd.s32 s17, s10;
	[sflag:s12] =	ssyncadd.s32 $0xFFFFD800  }
0x37: {  	[tilespmem:s3], [sflag:$0x1] =	stream.linear.gather [hbm4b:s18+s3], $0x50, $0x38;
	[tilespmem:$0x16900] =	vst v63  }
0x38: {  	_ =	swait.ge [sflag:s12], $0x50  }
0x39: {  	[sflag:s12] =	ssyncset.done $0x0  }
0x3a: {  	s31 =	sadd.s32 s17, s9;
	[sflag:s12] =	ssyncadd.s32 $0xFFFFFFB0  }
0x3b: {  	[tilespmem:s13], [sflag:$0x1] =	stream.linear.gather [hbm4b:s31+s3], $0x50, $0x38;
	[tilespmem:$0x16900] =	vst v63  }
0x3c: {  	_ =	swait.ge [sflag:s12], $0x50  }
0x3d: {  	[sflag:s12] =	ssyncset.done $0x0  }
0x3e: {  	[sflag:s12] =	ssyncadd.s32 $0xFFFFFFB0  }
0x3f: {  	[tilespmem:s15], [sflag:$0x1] =	stream.indirect.gather [hbm4b:s4+s14], $0x80, s3, s14, $0xb8;
	[tilespmem:$0x16900] =	vst v63  }
0x40: {  	_ =	swait.ge [sflag:s12], $0x2800  }
0x41: {  	[sflag:s12] =	ssyncset.done $0x0  }
0x42: {  	[sflag:s12] =	ssyncadd.s32 $0xFFFFD800  }
0x43: {  	[spmem:s2] =	stream.indirect.scatter.add.f32 [tilespmem:s15], [sflag:$0x1], $0x80, s13, s14, $0xb8;
	[tilespmem:$0x16900] =	vst v63  }
0x44: {  	_ =	swait.ge [sflag:s12], $0x2800  }
0x45: {  	s16 =	sadd.s32 $0x1, s16;
	[sflag:s12] =	ssyncset.done $0x0  }
0x46: {  	p0 =	sne.s32 s16, s8;
	[sflag:s12] =	ssyncadd.s32 $0xFFFFD800  }
.Ltmp1:
0x47: {  	[bflag:$0x0] =	sbarrier.arrive $0xFFFF;
	(pc) =	sbr.rel @p0 .LBB2_1-.Ltmp1, $4  }
0x48: {  	[hbm:s7], [sflag:s6] =	dma.local [spmem:s11], $0x2800  }
0x49: {  	_ =	swait.ge [sflag:s12], $0x2800  }
0x4a: {  	[sflag:s12] =	ssyncset.done $0x0  }
0x4b: {  	[sflag:s12] =	ssyncadd.s32 $0xFFFFD800  }
0x4c: {  	_ =	sfence.sel $0x180000  }
0x4d: {  	[bflag:$0x0] =	sbarrier.arrive $0xFFFF  }
0x4e: {  	p0 =	sne.s32 s0, $0x0;
	_ =	strace $0x90000050  }
0x4f: {  	s0 =	sadd.s32 @!p0 $0x100000, s1;
	[bflag:$0x2] =	sbarrier.arrive $0xFFFF  }
0x50: {  	[sflag:s0] =	ssyncadd.tile.s32 @!p0 $0x1;
	_ =	shalt  }
.Lfunc_end2:
_tile_overlayer_lowered:
.L_overlay_start_2:
0x51: {  	(tag) =	ssettag $0x2  }
0x52: {  	s0 =	rddreg [dreg:$0x0];
	s2 =	stileid.u32  }
0x53: {  	s1 =	rddreg [dreg:$0x1];
	p0 =	sne.s32 s2, $0x0  }
0x54: {  	s3 =	rddreg [dreg:$0x2];
	[bflag:$0x3] =	sbarrier.arrive $0xFFFF;
	s2 =	simm.s32 @!p0 $0x1C01  }
0x55: {  	[timem:s3], [sflag:s2] =	dma.local @!p0 [hbm:s0], s1  }
0x56: {  	s0 =	simm.s32 @!p0 $0x1  }
0x57: {  	_ =	swait.ge @!p0 [sflag:s0], s1  }
0x58: {  	s1 =	ssub.s32 @!p0 $0x0, s1;
	[sflag:s0] =	ssyncset.done @!p0 $0x0  }
0x59: {  	[sflag:s0] =	ssyncadd.s32 @!p0 s1  }
0x5a: {  	[bflag:$0x3] =	sbarrier.arrive $0xFFFF  }
0x5b: {  	_ =	shalt  }

// kernel: kernel.25.cloned.1.call-start
scs
__scs_entry_jumppad:
0x0: {  	(pc) =	sbr.rel $0x88, $3  }
0x1: {  	(tag) =	ssettag $0x0;
	lr =	simm.s32 $0x1  }
0x2: {  	[smem:$0x3F78] =	sst lr;
	_ =	strace $0xD0000000  }
0x3: {  	_ = 	snop  }
0x4: {  	_ = 	snop  }
0x5: {  	_ = 	snop  }
0x6: {  	_ = 	snop  }
0x7: {  	_ = 	snop  }
__scs_overlays_trampoline_lowered:
0x8: {  	[smem:$0x3F87] =	sst s0  }
0x9: {  	[smem:$0x3F88] =	sst s1  }
0xa: {  	[smem:$0x3F89] =	sst s2  }
0xb: {  	[smem:$0x3F8A] =	sst s3  }
0xc: {  	[smem:$0x3F8B] =	sst s4  }
0xd: {  	[smem:$0x3F8C] =	sst s5  }
0xe: {  	[smem:$0x3F8D] =	sst s6  }
0xf: {  	[smem:$0x3F8E] =	sst s7  }
0x10: {  	[smem:$0x3F8F] =	sst s8  }
0x11: {  	[smem:$0x3F90] =	sst s9;
	s0 =	simm.s32 @!p0 $0x0  }
0x12: {  	s1 =	sld [smem:$0x3F76];
	s0 =	simm.s32 @p0 $0x1  }
0x13: {  	[smem:$0x3F91] =	sst s0;
	s0 =	simm.s32 @!p1 $0x0  }
0x14: {  	s2 =	sld [smem:$0x3F75];
	s0 =	simm.s32 @p1 $0x1  }
0x15: {  	[smem:$0x3F92] =	sst s0;
	s0 =	simm.s32 @!p2 $0x0  }
0x16: {  	s3 =	sld [smem:$0x3FDB];
	s0 =	simm.s32 @p2 $0x1  }
0x17: {  	s4 =	simm.s32 $0x1BF5;
	[smem:$0x3F94] =	sst s0  }
0x18: {  	s0 =	sld [smem:$0x3F77];
	_ =	swait.ge [sflag:s4], $0x0  }
0x19: {  	s7 =	sld [smem:$0x3F78]  }
0x1a: {  	s8 =	sadd.s32 $0xFFFFE003, lr  }
0x1b: {  	s9 =	sadd.s32 $0xFFFFFEF7, lr;
	s5 =	simm.s32 $0xFFFFFFFF;
	p2 =	slt.u32 s8, $0xFFFFF086  }
0x1c: {  	p1 =	slt.u32 s9, $0xF7A;
	s5 =	simm.s32 @!p2 $0x0  }
0x1d: {  	s5 =	simm.s32 @p1 $0x1;
	p0 =	seq.s32 s7, s2  }
0x1e: {  	s7 =	smul.u32 @!p0 $0xF7A, s2;
	p2 =	seq.s32 @!p0 s5, $0x0  }
0x1f: {  	s9 =	smul.u32 $0xF7A, s1;
	s8 =	simm.s32 @!p0 $0x1BF5;
	p2 =	por !p2, p0  }
0x20: {  	[sflag:s8] =	ssyncset.s32 @!p0 $0xFFFFF086;
	s6 =	sadd.s32 @!p0 s3, s7;
	s7 =	simm.s32 @!p0 $0x108  }
0x21: {  	s3 =	sadd.s32 s3, s9;
	s6 =	sadd.s32 @!p0 $0x88, s6;
	s7 =	simm.s32 @p2 $0x1082  }
0x22: {  	[simem:s7], [sflag:s8] =	dma.local @!p0 [hbm:s6], $0xF7A  }
0x23: {  	s9 =	sor.u32 $0xD0000000, s2;
	s6 =	simm.s32 $0x108;
	_ =	swait.ge @!p0 [sflag:s8], $0x0  }
0x24: {  	s3 =	sadd.s32 $0x88, s3;
	s6 =	simm.s32 @!p1 $0x1082;
	[sflag:s4] =	ssyncset.s32 $0xFFFFF086  }
0x25: {  	[simem:s6], [sflag:s4] =	dma.local [hbm:s3], $0xF7A  }
0x26: {  	[smem:$0x3F78] =	sst s1;
	(tag) =	ssettag s2;
	_ =	strace s9  }
0x27: {  	s1 =	sld [smem:$0x3F88]  }
0x28: {  	s2 =	sld [smem:$0x3F89]  }
0x29: {  	s4 =	sld [smem:$0x3F8B]  }
0x2a: {  	p0 =	seq.s32 s5, $0x0;
	s5 =	sld [smem:$0x3F8C]  }
0x2b: {  	s6 =	sld [smem:$0x3F8D]  }
0x2c: {  	s7 =	sld [smem:$0x3F8E]  }
0x2d: {  	s3 =	simm.s32 $0x108;
	s8 =	sld [smem:$0x3F8F]  }
0x2e: {  	s3 =	simm.s32 @!p0 $0x1082;
	s9 =	sld [smem:$0x3F90]  }
0x2f: {  	lr =	sadd.s32 s0, s3;
	s0 =	sld [smem:$0x3F87]  }
0x30: {  	s3 =	sld [smem:$0x3F8A]  }
0x31: {  	[smem:$0x3F93] =	sst s10  }
0x32: {  	s10 =	sld [smem:$0x3F91];
	_ =	sdelay $0x3  }
0x33: {  	p0 =	seq.s32 s10, $0x1;
	s10 =	sld [smem:$0x3F93];
	_ =	sdelay $0x3  }
0x34: {  	[smem:$0x3F93] =	sst s10  }
0x35: {  	s10 =	sld [smem:$0x3F92];
	_ =	sdelay $0x3  }
0x36: {  	p1 =	seq.s32 s10, $0x1;
	s10 =	sld [smem:$0x3F93];
	_ =	sdelay $0x3  }
0x37: {  	[smem:$0x3F93] =	sst s10  }
0x38: {  	s10 =	sld [smem:$0x3F94]  }
0x39: {  	_ = 	snop;
	(pc) =	sbr.ind lr, $3  }
0x3a: {  	_ = 	snop  }
0x3b: {  	_ = 	snop  }
0x3c: {  	p2 =	seq.s32 s10, $0x1;
	s10 =	sld [smem:$0x3F93]  }
0x3d: {  	_ =	shalt  }
0x3e: {  	_ =	shalt  }
0x3f: {  	_ =	shalt  }
0x40: {  	_ =	shalt  }
0x41: {  	_ =	shalt  }
0x42: {  	_ =	shalt  }
0x43: {  	_ =	shalt  }
0x44: {  	_ =	shalt  }
0x45: {  	_ =	shalt  }
0x46: {  	_ =	shalt  }
0x47: {  	_ =	shalt  }
0x48: {  	_ =	shalt  }
0x49: {  	_ =	shalt  }
0x4a: {  	_ =	shalt  }
0x4b: {  	_ =	shalt  }
0x4c: {  	_ =	shalt  }
0x4d: {  	_ =	shalt  }
0x4e: {  	_ =	shalt  }
0x4f: {  	_ =	shalt  }
0x50: {  	_ =	shalt  }
0x51: {  	_ =	shalt  }
0x52: {  	_ =	shalt  }
0x53: {  	_ =	shalt  }
0x54: {  	_ =	shalt  }
0x55: {  	_ =	shalt  }
0x56: {  	_ =	shalt  }
0x57: {  	_ =	shalt  }
0x58: {  	_ =	shalt  }
0x59: {  	_ =	shalt  }
0x5a: {  	_ =	shalt  }
0x5b: {  	_ =	shalt  }
0x5c: {  	_ =	shalt  }
0x5d: {  	_ =	shalt  }
0x5e: {  	_ =	shalt  }
0x5f: {  	_ =	shalt  }
0x60: {  	_ =	shalt  }
0x61: {  	_ =	shalt  }
0x62: {  	_ =	shalt  }
0x63: {  	_ =	shalt  }
0x64: {  	_ =	shalt  }
0x65: {  	_ =	shalt  }
0x66: {  	_ =	shalt  }
0x67: {  	_ =	shalt  }
0x68: {  	_ =	shalt  }
0x69: {  	_ =	shalt  }
0x6a: {  	_ =	shalt  }
0x6b: {  	_ =	shalt  }
0x6c: {  	_ =	shalt  }
0x6d: {  	_ =	shalt  }
0x6e: {  	_ =	shalt  }
0x6f: {  	_ =	shalt  }
0x70: {  	_ =	shalt  }
0x71: {  	_ =	shalt  }
0x72: {  	_ =	shalt  }
0x73: {  	_ =	shalt  }
0x74: {  	_ =	shalt  }
0x75: {  	_ =	shalt  }
0x76: {  	_ =	shalt  }
0x77: {  	_ =	shalt  }
0x78: {  	_ =	shalt  }
0x79: {  	_ =	shalt  }
0x7a: {  	_ =	shalt  }
0x7b: {  	_ =	shalt  }
0x7c: {  	_ =	shalt  }
0x7d: {  	_ =	shalt  }
0x7e: {  	_ =	shalt  }
0x7f: {  	_ =	shalt  }
0x80: {  	_ =	shalt  }
0x81: {  	_ =	shalt  }
0x82: {  	_ =	shalt  }
0x83: {  	_ =	shalt  }
0x84: {  	_ =	shalt  }
0x85: {  	_ =	shalt  }
0x86: {  	_ =	shalt  }
0x87: {  	_ =	shalt  }
.Lfunc_end0:
.L_simem_size_0:
called_computation.4_lowered:
.L_overlay_start_0:
0x88: {  	s2 =	sld [smem:$0x3FD9]  }
0x89: {  	s3 =	sld [smem:$0x3FFE];
	_ =	sdelay $0x1  }
0x8a: {  	s1 =	srdreg.scid  }
0x8b: {  	s0 =	sand.u32 $0x1, s1  }
0x8c: {  	s14 =	sshll.u32 s0, $0xA;
	s2 =	sadd.s32 s3, s2  }
0x8d: {  	s2 =	sadd.s32 s2, s14  }
0x8e: {  	[smem:$0x3F9F] =	sst s2  }
0x8f: {  	_ = 	snop  }
0x90: {  	s2 =	sld [smem:$0x3FD0];
	_ =	sdelay $0x1  }
0x91: {  	s15 =	sld [smem:$0x3FC6]  }
0x92: {  	s5 =	simm.s32 $0xA;
	s6 =	simm.s32 $0x10;
	s4 =	sld [smem:$0x3FC5]  }
0x93: {  	[smem:s6], [sflag:s5] =	dma.local [hbm:s2], $0x1  }
0x94: {  	_ =	swait.eq [sflag:s5], $0x1  }
0x95: {  	[sflag:s5] =	ssyncset.done $0x0  }
0x96: {  	s16 =	sld [smem:$0x11];
	[sflag:s5] =	ssyncadd.s32 $0xFFFFFFFF  }
0x97: {  	s17 =	sld [smem:$0x15];
	(tm) =	ssettm $0x1  }
0x98: {  	s18 =	sld [smem:$0x3FFB];
	_ =	sdelay $0x3  }
0x99: {  	_ =	strace s18  }
0x9a: {  	s6 =	sld [smem:$0x3FFC];
	_ =	sdelay $0x3  }
0x9b: {  	_ =	strace s6  }
0x9c: {  	s6 =	sld [smem:$0x3FFD];
	_ =	sdelay $0x3  }
0x9d: {  	_ =	strace s6  }
0x9e: {  	_ =	strace $0x8FFFFFFF  }
0x9f: {  	s19 =	sld [smem:$0x3FDB];
	_ =	sdelay $0x1  }
0xa0: {  	s7 =	simm.s32 $_scs_section_size  }
0xa1: {  	s8 =	simm.s32 $_size__tile_overlayer_lowered;
	s9 =	simm.s32 $_tile_overlayer_lowered  }
0xa2: {  	s22 =	simm.s32 $0x1BFF;
	s21 =	sshll.u32 s9, $0x1;
	s6 =	sadd.s32 s7, s19  }
0xa3: {  	s10 =	simm.s32 $0x0;
	s20 =	sshll.u32 s8, $0x1;
	s8 =	sadd.s32 s21, s6  }
0xa4: {  	[timem:s10], [sflag:s22] =	dma.local [hbm:s8], s20  }
0xa5: {  	_ =	swait.ge [sflag:s22], s20  }
0xa6: {  	s7 =	ssub.s32 $0x0, s20;
	[sflag:s22] =	ssyncset.done $0x0  }
0xa7: {  	[sflag:s22] =	ssyncadd.s32 s7;
	_ =	sdelay $0x1  }
0xa8: {  	s23 =	simm.s32 $0x1B8B  }
0xa9: {  	_ =	swait.ge [sflag:s23], $0x1  }
0xaa: {  	[sflag:s23] =	ssyncset.done $0x0  }
0xab: {  	s25 =	simm.s32 $0x1B8E;
	s24 =	sld [smem:$0x3FFE];
	[sflag:s23] =	ssyncadd.s32 $0xFFFFFFFF  }
0xac: {  	s26 =	simm.s32 $execute0_lowered;
	[smem:$0x3FD2] =	sst s25  }
0xad: {  	s8 =	sshll.u32 s26, $0x1;
	_ =	strace $0x80000052;
	[dreg:$0x1] =	wrdreg $0xFFFFFFFF  }
0xae: {  	s28 =	simm.s32 $_size_execute0_lowered;
	s6 =	sadd.s32 s6, s8;
	[dreg:$0x0] =	wrdreg $0x0  }
0xaf: {  	s8 =	sshll.u32 s28, $0x1;
	[dreg:$0x2] =	wrdreg s6  }
0xb0: {  	[dreg:$0x3] =	wrdreg s8  }
0xb1: {  	[dreg:$0x4] =	wrdreg $0xC0  }
0xb2: {  	_ =	task [dreg:s10], $0x5FFFF  }
0xb3: {  	[dreg:$0x1] =	wrdreg $0xFFFFFFFF  }
0xb4: {  	[dreg:$0x0] =	wrdreg $0x60  }
0xb5: {  	[dreg:$0x2] =	wrdreg s24  }
0xb6: {  	[dreg:$0x3] =	wrdreg s16  }
0xb7: {  	[dreg:$0x4] =	wrdreg s4  }
0xb8: {  	[dreg:$0x5] =	wrdreg s15  }
0xb9: {  	[dreg:$0x6] =	wrdreg s17  }
0xba: {  	[dreg:$0x7] =	wrdreg $0x55800  }
0xbb: {  	[dreg:$0x8] =	wrdreg $0x9  }
0xbc: {  	_ =	task.clear_ibuf [dreg:s10], $0x9FFFF;
	_ =	strace $0x90000052  }
0xbd: {  	s29 =	simm.s32 $0x9;
	_ =	strace $0x80000054  }
0xbe: {  	_ =	swait.ge [sflag:s29], $0x1  }
0xbf: {  	[sflag:s29] =	ssyncadd.s32 $0xFFFFFFFF  }
0xc0: {  	_ =	strace $0x90000054  }
0xc1: {  	_ =	sfence  }
0xc2: {  	s30 =	sld [smem:$0x0];
	_ =	sdelay $0x2  }
0xc3: {  	s31 =	sshll.u32 s1, $0xD;
	s1 =	sshrl.u32 s1, $0x2  }
0xc4: {  	s3 =	sand.u32 $0x4000, s31;
	s1 =	sadd.s32 s1, s30  }
0xc5: {  	s0 =	sor.u32 s3, s0;
	s1 =	sshll.u32 s1, $0x11  }
0xc6: {  	s0 =	sor.u32 s1, s0  }
0xc7: {  	s0 =	sadd.s32 $0x8F2B, s0  }
0xc8: {  	[sflag:s0] =	ssyncadd.remote.s32 $0x1  }
0xc9: {  	_ =	sfence.sel $0xFFFF  }
0xca: {  	[dreg:$0x0] =	wrdreg $0xFFFFFFFF;
	(pc) =	sbr.abs _section_cstart, $3  }
0xcb: {  	[dreg:$0x1] =	wrdreg $0xFFFFFFFF  }
0xcc: {  	_ =	task.clear_ibuf [dreg:s10], $0x2FFFF;
	_ =	strace $0x9FFFFFFF  }
0xcd: {  	(tm) =	ssettm $0x7FFFFFFF  }
tec
execute0_lowered:
.L_overlay_start_1:
0x0: {  	(tag) =	ssettag $0x1  }
0x1: {  	s14 =	rddreg [dreg:$0x0]  }
0x2: {  	s1 =	rddreg [dreg:$0x1]  }
0x3: {  	s4 =	rddreg [dreg:$0x2]  }
0x4: {  	s5 =	rddreg [dreg:$0x3]  }
0x5: {  	s6 =	rddreg [dreg:$0x4]  }
0x6: {  	s2 =	rddreg [dreg:$0x5];
	s3 =	simm.s32 $0x0;
	s7 =	srdreg.scid  }
0x7: {  	s28 =	stileid.u32;
	[smem:$0x7FF] =	sst s3  }
0x8: {  	s29 =	sand.u32 $0x1, s7;
	s9 =	sadd.s32 $0x63600, s14;
	s10 =	smul.u32 $0xC00, s28  }
0x9: {  	p0 =	sne.s32 s28, $0x0;
	s7 =	smul.u32 $0xC000, s29;
	s8 =	sshll.u32 s29, $0x4  }
0xa: {  	_ =	strace $0x80000053;
	[dreg:$0x7] =	wrdreg s9;
	s8 =	sor.u32 s28, s8  }
0xb: {  	s17 =	sshll.u32 s8, $0x7;
	s7 =	sadd.s32 s10, s7;
	s4 =	sadd.s32 s4, s8  }
0xc: {  	s20 =	sadd.s32 s5, s8;
	s21 =	smul.u32 $0x140, s8;
	[dreg:$0x8] =	wrdreg s4  }
0xd: {  	s18 =	sadd.s32 s17, s14;
	[dreg:$0xa] =	wrdreg s20;
	s22 =	sadd.s32 s6, s17  }
0xe: {  	s7 =	sshrl.u32 s7, $0x3;
	s19 =	sadd.s32 $0xBC00, s18;
	[dreg:$0xb] =	wrdreg s22  }
0xf: {  	s7 =	sadd.s32 s7, s14;
	s22 =	sadd.s32 $0x12A00, s14;
	[dreg:$0x9] =	wrdreg s19  }
0x10: {  	s24 =	sshrl.u32 s21, $0x3;
	s23 =	sadd.s32 $0x8C00, s7;
	s7 =	rddreg [dreg:$0x7]  }
0x11: {  	s5 =	sshrl.u32 @!p0 s2, $0x3;
	s4 =	sadd.s32 s22, s24;
	[dreg:$0xc] =	wrdreg s23  }
0x12: {  	s6 =	simm.s32 @!p0 $0x1C01;
	[dreg:$0xd] =	wrdreg s4;
	s4 =	simm.s32 @!p0 $0x1  }
0x13: {  	[spmem:s5], [sflag:s6] =	dma.local @!p0 [hbm:s7], $0x1800  }
0x14: {  	_ =	swait.ge @!p0 [sflag:s4], $0x1800  }
0x15: {  	[sflag:s4] =	ssyncset.done @!p0 $0x0  }
0x16: {  	[sflag:s4] =	ssyncadd.s32 @!p0 $0xFFFFE800  }
0x17: {  	[bflag:$0x0] =	sbarrier.arrive $0xFFFF  }
0x18: {  	s7 =	simm.s32 $0x1;
	s25 =	rddreg [dreg:$0xd]  }
0x19: {  	[tilespmem:s3], [sflag:$0x1] =	stream.linear.gather [hbm4b:s25+s3], $0x50, $0x38;
	[tilespmem:$0x6180] =	vst v63  }
0x1a: {  	s15 =	smul.u32 $0x1400, s8;
	_ =	swait.ge [sflag:s7], $0x50  }
0x1b: {  	s8 =	sadd.s32 $0x13000, s14;
	[sflag:s7] =	ssyncset.done $0x0  }
0x1c: {  	s10 =	simm.s32 $0x100;
	s9 =	sadd.s32 s8, s15;
	[sflag:s7] =	ssyncadd.s32 $0xFFFFFFB0  }
0x1d: {  	[tilespmem:s10], [sflag:$0x1] =	stream.linear.gather [hbm4b:s9+s3], $0x2800, $0x38;
	[tilespmem:$0x6180] =	vst v63  }
0x1e: {  	_ =	swait.ge [sflag:s7], $0x2800  }
0x1f: {  	[sflag:s7] =	ssyncset.done $0x0  }
0x20: {  	s11 =	simm.s32 $0x50;
	[sflag:s7] =	ssyncadd.s32 $0xFFFFD800  }
0x21: {  	[spmem:s2] =	stream.indirect.scatter.add.f32 [tilespmem:s10], [sflag:$0x1], $0x80, s3, s11, $0xb8;
	[tilespmem:$0x6180] =	vst v63  }
0x22: {  	_ =	swait.ge [sflag:s7], $0x2800  }
0x23: {  	[sflag:s7] =	ssyncset.done $0x0  }
0x24: {  	s12 =	simm.s32 $0x80;
	[sflag:s7] =	ssyncadd.s32 $0xFFFFD800  }
0x25: {  	[tilespmem:s12], [sflag:$0x1] =	stream.indirect.gather [hbm4b:s1+s11], $0x1, s3, s11, $0xb8;
	[tilespmem:$0x6180] =	vst v63  }
0x26: {  	_ =	swait.ge [sflag:s7], $0x50  }
0x27: {  	[sflag:s7] =	ssyncset.done $0x0  }
0x28: {  	s13 =	simm.s32 $0x2900;
	[sflag:s7] =	ssyncadd.s32 $0xFFFFFFB0  }
0x29: {  	[tilespmem:s13], [sflag:$0x1] =	stream.indirect.gather [hbm4b:s8+s11], $0x80, s12, s11, $0xb8;
	[tilespmem:$0x6180] =	vst v63  }
0x2a: {  	_ =	swait.ge [sflag:s7], $0x2800  }
0x2b: {  	s23 =	sadd.s32 $0x3B000, s14;
	[sflag:s7] =	ssyncset.done $0x0  }
0x2c: {  	s14 =	sadd.s32 s23, s15;
	[sflag:s7] =	ssyncadd.s32 $0xFFFFD800  }
0x2d: {  	[hbm4b:s14+s3] =	stream.linear.scatter [tilespmem:s13], [sflag:$0x1], $0x2800, $0x38;
	[tilespmem:$0x6180] =	vst v63  }
0x2e: {  	s16 =	sadd.s32 $0x50, s21;
	_ =	swait.ge [sflag:s7], $0x2800  }
0x2f: {  	s26 =	sshrl.u32 s16, $0x3;
	[sflag:s7] =	ssyncset.done $0x0  }
0x30: {  	s15 =	sadd.s32 s22, s26;
	[sflag:s7] =	ssyncadd.s32 $0xFFFFD800  }
0x31: {  	[tilespmem:s3], [sflag:$0x1] =	stream.linear.gather [hbm4b:s15+s3], $0x50, $0x38;
	[tilespmem:$0x6180] =	vst v63  }
0x32: {  	_ =	swait.ge [sflag:s7], $0x50  }
0x33: {  	s17 =	sshll.u32 s16, $0x4;
	[sflag:s7] =	ssyncset.done $0x0  }
0x34: {  	s16 =	sadd.s32 s8, s17;
	[sflag:s7] =	ssyncadd.s32 $0xFFFFFFB0  }
0x35: {  	[tilespmem:s10], [sflag:$0x1] =	stream.linear.gather [hbm4b:s16+s3], $0x2800, $0x38;
	[tilespmem:$0x6180] =	vst v63  }
0x36: {  	_ =	swait.ge [sflag:s7], $0x2800  }
0x37: {  	[sflag:s7] =	ssyncset.done $0x0  }
0x38: {  	[sflag:s7] =	ssyncadd.s32 $0xFFFFD800  }
0x39: {  	[spmem:s2] =	stream.indirect.scatter.add.f32 [tilespmem:s10], [sflag:$0x1], $0x80, s3, s11, $0xb8;
	[tilespmem:$0x6180] =	vst v63  }
0x3a: {  	_ =	swait.ge [sflag:s7], $0x2800  }
0x3b: {  	[sflag:s7] =	ssyncset.done $0x0  }
0x3c: {  	[sflag:s7] =	ssyncadd.s32 $0xFFFFD800  }
0x3d: {  	[tilespmem:s12], [sflag:$0x1] =	stream.indirect.gather [hbm4b:s1+s11], $0x1, s3, s11, $0xb8;
	[tilespmem:$0x6180] =	vst v63  }
0x3e: {  	_ =	swait.ge [sflag:s7], $0x50  }
0x3f: {  	[sflag:s7] =	ssyncset.done $0x0  }
0x40: {  	[sflag:s7] =	ssyncadd.s32 $0xFFFFFFB0  }
0x41: {  	[tilespmem:s13], [sflag:$0x1] =	stream.indirect.gather [hbm4b:s8+s11], $0x80, s12, s11, $0xb8;
	[tilespmem:$0x6180] =	vst v63  }
0x42: {  	_ =	swait.ge [sflag:s7], $0x2800  }
0x43: {  	[sflag:s7] =	ssyncset.done $0x0  }
0x44: {  	s17 =	sadd.s32 s23, s17;
	[sflag:s7] =	ssyncadd.s32 $0xFFFFD800  }
0x45: {  	[hbm4b:s17+s3] =	stream.linear.scatter [tilespmem:s13], [sflag:$0x1], $0x2800, $0x38;
	[tilespmem:$0x6180] =	vst v63  }
0x46: {  	s19 =	sadd.s32 $0xA0, s21;
	_ =	swait.ge [sflag:s7], $0x2800  }
0x47: {  	s18 =	sshrl.u32 s19, $0x3;
	[sflag:s7] =	ssyncset.done $0x0  }
0x48: {  	s18 =	sadd.s32 s22, s18;
	[sflag:s7] =	ssyncadd.s32 $0xFFFFD800  }
0x49: {  	[tilespmem:s3], [sflag:$0x1] =	stream.linear.gather [hbm4b:s18+s3], $0x50, $0x38;
	[tilespmem:$0x6180] =	vst v63  }
0x4a: {  	_ =	swait.ge [sflag:s7], $0x50  }
0x4b: {  	s20 =	sshll.u32 s19, $0x4;
	[sflag:s7] =	ssyncset.done $0x0  }
0x4c: {  	s19 =	sadd.s32 s8, s20;
	[sflag:s7] =	ssyncadd.s32 $0xFFFFFFB0  }
0x4d: {  	[tilespmem:s10], [sflag:$0x1] =	stream.linear.gather [hbm4b:s19+s3], $0x2800, $0x38;
	[tilespmem:$0x6180] =	vst v63  }
0x4e: {  	_ =	swait.ge [sflag:s7], $0x2800  }
0x4f: {  	[sflag:s7] =	ssyncset.done $0x0  }
0x50: {  	[sflag:s7] =	ssyncadd.s32 $0xFFFFD800  }
0x51: {  	[spmem:s2] =	stream.indirect.scatter.add.f32 [tilespmem:s10], [sflag:$0x1], $0x80, s3, s11, $0xb8;
	[tilespmem:$0x6180] =	vst v63  }
0x52: {  	_ =	swait.ge [sflag:s7], $0x2800  }
0x53: {  	[sflag:s7] =	ssyncset.done $0x0  }
0x54: {  	[sflag:s7] =	ssyncadd.s32 $0xFFFFD800  }
0x55: {  	[tilespmem:s12], [sflag:$0x1] =	stream.indirect.gather [hbm4b:s1+s11], $0x1, s3, s11, $0xb8;
	[tilespmem:$0x6180] =	vst v63  }
0x56: {  	_ =	swait.ge [sflag:s7], $0x50  }
0x57: {  	[sflag:s7] =	ssyncset.done $0x0  }
0x58: {  	[sflag:s7] =	ssyncadd.s32 $0xFFFFFFB0  }
0x59: {  	[tilespmem:s13], [sflag:$0x1] =	stream.indirect.gather [hbm4b:s8+s11], $0x80, s12, s11, $0xb8;
	[tilespmem:$0x6180] =	vst v63  }
0x5a: {  	_ =	swait.ge [sflag:s7], $0x2800  }
0x5b: {  	[sflag:s7] =	ssyncset.done $0x0  }
0x5c: {  	s20 =	sadd.s32 s23, s20;
	[sflag:s7] =	ssyncadd.s32 $0xFFFFD800  }
0x5d: {  	[hbm4b:s20+s3] =	stream.linear.scatter [tilespmem:s13], [sflag:$0x1], $0x2800, $0x38;
	[tilespmem:$0x6180] =	vst v63  }
0x5e: {  	s24 =	sadd.s32 $0xF0, s21;
	_ =	swait.ge [sflag:s7], $0x2800  }
0x5f: {  	s21 =	sshrl.u32 s24, $0x3;
	[sflag:s7] =	ssyncset.done $0x0  }
0x60: {  	s21 =	sadd.s32 s22, s21;
	[sflag:s7] =	ssyncadd.s32 $0xFFFFD800  }
0x61: {  	[tilespmem:s3], [sflag:$0x1] =	stream.linear.gather [hbm4b:s21+s3], $0x50, $0x38;
	[tilespmem:$0x6180] =	vst v63  }
0x62: {  	_ =	swait.ge [sflag:s7], $0x50  }
0x63: {  	s24 =	sshll.u32 s24, $0x4;
	[sflag:s7] =	ssyncset.done $0x0  }
0x64: {  	s22 =	sadd.s32 s8, s24;
	[sflag:s7] =	ssyncadd.s32 $0xFFFFFFB0  }
0x65: {  	[tilespmem:s10], [sflag:$0x1] =	stream.linear.gather [hbm4b:s22+s3], $0x2800, $0x38;
	[tilespmem:$0x6180] =	vst v63  }
0x66: {  	_ =	swait.ge [sflag:s7], $0x2800  }
0x67: {  	[sflag:s7] =	ssyncset.done $0x0  }
0x68: {  	[sflag:s7] =	ssyncadd.s32 $0xFFFFD800  }
0x69: {  	[spmem:s2] =	stream.indirect.scatter.add.f32 [tilespmem:s10], [sflag:$0x1], $0x80, s3, s11, $0xb8;
	[tilespmem:$0x6180] =	vst v63  }
0x6a: {  	_ =	swait.ge [sflag:s7], $0x2800  }
0x6b: {  	[sflag:s7] =	ssyncset.done $0x0  }
0x6c: {  	[sflag:s7] =	ssyncadd.s32 $0xFFFFD800  }
0x6d: {  	[tilespmem:s12], [sflag:$0x1] =	stream.indirect.gather [hbm4b:s1+s11], $0x1, s3, s11, $0xb8;
	[tilespmem:$0x6180] =	vst v63  }
0x6e: {  	_ =	swait.ge [sflag:s7], $0x50  }
0x6f: {  	[sflag:s7] =	ssyncset.done $0x0  }
0x70: {  	[sflag:s7] =	ssyncadd.s32 $0xFFFFFFB0  }
0x71: {  	[tilespmem:s13], [sflag:$0x1] =	stream.indirect.gather [hbm4b:s8+s11], $0x80, s12, s11, $0xb8;
	[tilespmem:$0x6180] =	vst v63  }
0x72: {  	_ =	swait.ge [sflag:s7], $0x2800  }
0x73: {  	[sflag:s7] =	ssyncset.done $0x0  }
0x74: {  	s23 =	sadd.s32 s23, s24;
	[sflag:s7] =	ssyncadd.s32 $0xFFFFD800  }
0x75: {  	[hbm4b:s23+s3] =	stream.linear.scatter [tilespmem:s13], [sflag:$0x1], $0x2800, $0x38;
	[tilespmem:$0x6180] =	vst v63  }
0x76: {  	_ =	swait.ge [sflag:s7], $0x2800  }
0x77: {  	[sflag:s7] =	ssyncset.done $0x0  }
0x78: {  	s24 =	simm.s32 $0x5100;
	s25 =	rddreg [dreg:$0x8];
	[sflag:s7] =	ssyncadd.s32 $0xFFFFD800  }
0x79: {  	[tilespmem:s24], [sflag:$0x1] =	stream.linear.gather [hbm4b:s25+s3], $0x8, $0x38;
	[tilespmem:$0x6180] =	vst v63  }
0x7a: {  	_ =	swait.ge [sflag:s7], $0x8  }
0x7b: {  	[sflag:s7] =	ssyncset.done $0x0  }
0x7c: {  	s26 =	simm.s32 $0x5180;
	s25 =	simm.s32 $0x8;
	[sflag:s7] =	ssyncadd.s32 $0xFFFFFFF8  }
0x7d: {  	[tilespmem:s26], [sflag:$0x1] =	stream.indirect.gather [hbm4b:s8+s25], $0x80, s24, s25, $0xb8;
	[tilespmem:$0x6180] =	vst v63  }
0x7e: {  	_ =	swait.ge [sflag:s7], $0x400  }
0x7f: {  	[sflag:s7] =	ssyncset.done $0x0  }
0x80: {  	s30 =	rddreg [dreg:$0x9];
	[sflag:s7] =	ssyncadd.s32 $0xFFFFFC00  }
0x81: {  	[hbm4b:s30+s3] =	stream.linear.scatter [tilespmem:s26], [sflag:$0x1], $0x400, $0x38;
	[tilespmem:$0x6180] =	vst v63  }
0x82: {  	_ =	swait.ge [sflag:s7], $0x400  }
0x83: {  	[sflag:s7] =	ssyncset.done $0x0  }
0x84: {  	s30 =	rddreg [dreg:$0xa];
	[sflag:s7] =	ssyncadd.s32 $0xFFFFFC00  }
0x85: {  	[tilespmem:s24], [sflag:$0x1] =	stream.linear.gather [hbm4b:s30+s3], $0x8, $0x38;
	[tilespmem:$0x6180] =	vst v63  }
0x86: {  	_ =	swait.ge [sflag:s7], $0x8  }
0x87: {  	[sflag:s7] =	ssyncset.done $0x0  }
0x88: {  	[sflag:s7] =	ssyncadd.s32 $0xFFFFFFF8  }
0x89: {  	[tilespmem:s26], [sflag:$0x1] =	stream.indirect.gather [hbm4b:s8+s25], $0x80, s24, s25, $0xb8;
	[tilespmem:$0x6180] =	vst v63  }
0x8a: {  	_ =	swait.ge [sflag:s7], $0x400  }
0x8b: {  	[sflag:s7] =	ssyncset.done $0x0  }
0x8c: {  	s30 =	rddreg [dreg:$0xb];
	[sflag:s7] =	ssyncadd.s32 $0xFFFFFC00  }
0x8d: {  	[hbm4b:s30+s3] =	stream.linear.scatter [tilespmem:s26], [sflag:$0x1], $0x400, $0x38;
	[tilespmem:$0x6180] =	vst v63  }
0x8e: {  	_ =	swait.ge [sflag:s7], $0x400  }
0x8f: {  	[sflag:s7] =	ssyncset.done $0x0  }
0x90: {  	[sflag:s7] =	ssyncadd.s32 $0xFFFFFC00  }
0x91: {  	[bflag:$0x0] =	sbarrier.arrive $0xFFFF  }
0x92: {  	s29 =	ssub.s32 $0x2, s29;
	s30 =	smul.u32 $0x3000, s28;
	s0 =	rddreg [dreg:$0xc]  }
0x93: {  	[dreg:$0xe] =	wrdreg s0;
	s0 =	sshll.u32 s28, $0x6;
	s28 =	sshrl.u32 s29, $0x1  }
0x94: {  	s30 =	sshrl.u32 s30, $0x2;
	s31 =	ssub.s32 s29, s28  }
0x95: {  	s30 =	sadd.s32 s30, s2;
	s31 =	smax.u32 s31, $0x1  }
0x96: {  	s28 =	sshrl.u32 s30, $0x3;
	s30 =	sadd.s32 $0xFFFFFFFF, s31  }
0x97: {  	p1 =	sne.s32 s30, $0x0  }
.Ltmp0:
0x98: {  	_ = 	snop;
	(pc) =	sbr.rel @!p1 .LBB2_2-.Ltmp0, $4  }
0x99: {  	_ = 	snop  }
0x9a: {  	s29 =	sor.u32 $0x1C01, s0;
	s0 =	rddreg [dreg:$0xe]  }
0x9b: {  	[hbm:s0], [sflag:s29] =	dma.local [spmem:s28], $0x180  }
0x9c: {  	_ =	swait.ge [sflag:s7], $0x180  }
.LBB2_1:
0x9d: {  	[sflag:s7] =	ssyncset.done $0x0  }
0x9e: {  	s0 =	rddreg [dreg:$0x7];
	[sflag:s7] =	ssyncadd.s32 $0xFFFFFE80  }
0x9f: {  	[spmem:s5], [sflag:s6] =	dma.local @!p0 [hbm:s0], $0x1800  }
0xa0: {  	_ =	swait.ge @!p0 [sflag:s4], $0x1800  }
0xa1: {  	[sflag:s4] =	ssyncset.done @!p0 $0x0  }
0xa2: {  	[sflag:s4] =	ssyncadd.s32 @!p0 $0xFFFFE800  }
0xa3: {  	[bflag:$0x0] =	sbarrier.arrive $0xFFFF  }
0xa4: {  	s31 =	rddreg [dreg:$0xd]  }
0xa5: {  	[tilespmem:s3], [sflag:$0x1] =	stream.linear.gather [hbm4b:s31+s3], $0x50, $0x38;
	[tilespmem:$0x6180] =	vst v63  }
0xa6: {  	_ =	swait.ge [sflag:s7], $0x50  }
0xa7: {  	[sflag:s7] =	ssyncset.done $0x0  }
0xa8: {  	[sflag:s7] =	ssyncadd.s32 $0xFFFFFFB0  }
0xa9: {  	[tilespmem:s10], [sflag:$0x1] =	stream.linear.gather [hbm4b:s9+s3], $0x2800, $0x38;
	[tilespmem:$0x6180] =	vst v63  }
0xaa: {  	_ =	swait.ge [sflag:s7], $0x2800  }
0xab: {  	[sflag:s7] =	ssyncset.done $0x0  }
0xac: {  	[sflag:s7] =	ssyncadd.s32 $0xFFFFD800  }
0xad: {  	[spmem:s2] =	stream.indirect.scatter.add.f32 [tilespmem:s10], [sflag:$0x1], $0x80, s3, s11, $0xb8;
	[tilespmem:$0x6180] =	vst v63  }
0xae: {  	_ =	swait.ge [sflag:s7], $0x2800  }
0xaf: {  	[sflag:s7] =	ssyncset.done $0x0  }
0xb0: {  	[sflag:s7] =	ssyncadd.s32 $0xFFFFD800  }
0xb1: {  	[tilespmem:s12], [sflag:$0x1] =	stream.indirect.gather [hbm4b:s1+s11], $0x1, s3, s11, $0xb8;
	[tilespmem:$0x6180] =	vst v63  }
0xb2: {  	_ =	swait.ge [sflag:s7], $0x50  }
0xb3: {  	[sflag:s7] =	ssyncset.done $0x0  }
0xb4: {  	[sflag:s7] =	ssyncadd.s32 $0xFFFFFFB0  }
0xb5: {  	[tilespmem:s13], [sflag:$0x1] =	stream.indirect.gather [hbm4b:s8+s11], $0x80, s12, s11, $0xb8;
	[tilespmem:$0x6180] =	vst v63  }
0xb6: {  	_ =	swait.ge [sflag:s7], $0x2800  }
0xb7: {  	[sflag:s7] =	ssyncset.done $0x0  }
0xb8: {  	[sflag:s7] =	ssyncadd.s32 $0xFFFFD800  }
0xb9: {  	[hbm4b:s14+s3] =	stream.linear.scatter [tilespmem:s13], [sflag:$0x1], $0x2800, $0x38;
	[tilespmem:$0x6180] =	vst v63  }
0xba: {  	_ =	swait.ge [sflag:s7], $0x2800  }
0xbb: {  	[sflag:s7] =	ssyncset.done $0x0  }
0xbc: {  	[sflag:s7] =	ssyncadd.s32 $0xFFFFD800  }
0xbd: {  	[tilespmem:s3], [sflag:$0x1] =	stream.linear.gather [hbm4b:s15+s3], $0x50, $0x38;
	[tilespmem:$0x6180] =	vst v63  }
0xbe: {  	_ =	swait.ge [sflag:s7], $0x50  }
0xbf: {  	[sflag:s7] =	ssyncset.done $0x0  }
0xc0: {  	[sflag:s7] =	ssyncadd.s32 $0xFFFFFFB0  }
0xc1: {  	[tilespmem:s10], [sflag:$0x1] =	stream.linear.gather [hbm4b:s16+s3], $0x2800, $0x38;
	[tilespmem:$0x6180] =	vst v63  }
0xc2: {  	_ =	swait.ge [sflag:s7], $0x2800  }
0xc3: {  	[sflag:s7] =	ssyncset.done $0x0  }
0xc4: {  	[sflag:s7] =	ssyncadd.s32 $0xFFFFD800  }
0xc5: {  	[spmem:s2] =	stream.indirect.scatter.add.f32 [tilespmem:s10], [sflag:$0x1], $0x80, s3, s11, $0xb8;
	[tilespmem:$0x6180] =	vst v63  }
0xc6: {  	_ =	swait.ge [sflag:s7], $0x2800  }
0xc7: {  	[sflag:s7] =	ssyncset.done $0x0  }
0xc8: {  	[sflag:s7] =	ssyncadd.s32 $0xFFFFD800  }
0xc9: {  	[tilespmem:s12], [sflag:$0x1] =	stream.indirect.gather [hbm4b:s1+s11], $0x1, s3, s11, $0xb8;
	[tilespmem:$0x6180] =	vst v63  }
0xca: {  	_ =	swait.ge [sflag:s7], $0x50  }
0xcb: {  	[sflag:s7] =	ssyncset.done $0x0  }
0xcc: {  	[sflag:s7] =	ssyncadd.s32 $0xFFFFFFB0  }
0xcd: {  	[tilespmem:s13], [sflag:$0x1] =	stream.indirect.gather [hbm4b:s8+s11], $0x80, s12, s11, $0xb8;
	[tilespmem:$0x6180] =	vst v63  }
0xce: {  	_ =	swait.ge [sflag:s7], $0x2800  }
0xcf: {  	[sflag:s7] =	ssyncset.done $0x0  }
0xd0: {  	[sflag:s7] =	ssyncadd.s32 $0xFFFFD800  }
0xd1: {  	[hbm4b:s17+s3] =	stream.linear.scatter [tilespmem:s13], [sflag:$0x1], $0x2800, $0x38;
	[tilespmem:$0x6180] =	vst v63  }
0xd2: {  	_ =	swait.ge [sflag:s7], $0x2800  }
0xd3: {  	[sflag:s7] =	ssyncset.done $0x0  }
0xd4: {  	[sflag:s7] =	ssyncadd.s32 $0xFFFFD800  }
0xd5: {  	[tilespmem:s3], [sflag:$0x1] =	stream.linear.gather [hbm4b:s18+s3], $0x50, $0x38;
	[tilespmem:$0x6180] =	vst v63  }
0xd6: {  	_ =	swait.ge [sflag:s7], $0x50  }
0xd7: {  	[sflag:s7] =	ssyncset.done $0x0  }
0xd8: {  	[sflag:s7] =	ssyncadd.s32 $0xFFFFFFB0  }
0xd9: {  	[tilespmem:s10], [sflag:$0x1] =	stream.linear.gather [hbm4b:s19+s3], $0x2800, $0x38;
	[tilespmem:$0x6180] =	vst v63  }
0xda: {  	_ =	swait.ge [sflag:s7], $0x2800  }
0xdb: {  	[sflag:s7] =	ssyncset.done $0x0  }
0xdc: {  	[sflag:s7] =	ssyncadd.s32 $0xFFFFD800  }
0xdd: {  	[spmem:s2] =	stream.indirect.scatter.add.f32 [tilespmem:s10], [sflag:$0x1], $0x80, s3, s11, $0xb8;
	[tilespmem:$0x6180] =	vst v63  }
0xde: {  	_ =	swait.ge [sflag:s7], $0x2800  }
0xdf: {  	[sflag:s7] =	ssyncset.done $0x0  }
0xe0: {  	[sflag:s7] =	ssyncadd.s32 $0xFFFFD800  }
0xe1: {  	[tilespmem:s12], [sflag:$0x1] =	stream.indirect.gather [hbm4b:s1+s11], $0x1, s3, s11, $0xb8;
	[tilespmem:$0x6180] =	vst v63  }
0xe2: {  	_ =	swait.ge [sflag:s7], $0x50  }
0xe3: {  	[sflag:s7] =	ssyncset.done $0x0  }
0xe4: {  	[sflag:s7] =	ssyncadd.s32 $0xFFFFFFB0  }
0xe5: {  	[tilespmem:s13], [sflag:$0x1] =	stream.indirect.gather [hbm4b:s8+s11], $0x80, s12, s11, $0xb8;
	[tilespmem:$0x6180] =	vst v63  }
0xe6: {  	_ =	swait.ge [sflag:s7], $0x2800  }
0xe7: {  	[sflag:s7] =	ssyncset.done $0x0  }
0xe8: {  	[sflag:s7] =	ssyncadd.s32 $0xFFFFD800  }
0xe9: {  	[hbm4b:s20+s3] =	stream.linear.scatter [tilespmem:s13], [sflag:$0x1], $0x2800, $0x38;
	[tilespmem:$0x6180] =	vst v63  }
0xea: {  	_ =	swait.ge [sflag:s7], $0x2800  }
0xeb: {  	[sflag:s7] =	ssyncset.done $0x0  }
0xec: {  	[sflag:s7] =	ssyncadd.s32 $0xFFFFD800  }
0xed: {  	[tilespmem:s3], [sflag:$0x1] =	stream.linear.gather [hbm4b:s21+s3], $0x50, $0x38;
	[tilespmem:$0x6180] =	vst v63  }
0xee: {  	_ =	swait.ge [sflag:s7], $0x50  }
0xef: {  	[sflag:s7] =	ssyncset.done $0x0  }
0xf0: {  	[sflag:s7] =	ssyncadd.s32 $0xFFFFFFB0  }
0xf1: {  	[tilespmem:s10], [sflag:$0x1] =	stream.linear.gather [hbm4b:s22+s3], $0x2800, $0x38;
	[tilespmem:$0x6180] =	vst v63  }
0xf2: {  	_ =	swait.ge [sflag:s7], $0x2800  }
0xf3: {  	[sflag:s7] =	ssyncset.done $0x0  }
0xf4: {  	[sflag:s7] =	ssyncadd.s32 $0xFFFFD800  }
0xf5: {  	[spmem:s2] =	stream.indirect.scatter.add.f32 [tilespmem:s10], [sflag:$0x1], $0x80, s3, s11, $0xb8;
	[tilespmem:$0x6180] =	vst v63  }
0xf6: {  	_ =	swait.ge [sflag:s7], $0x2800  }
0xf7: {  	[sflag:s7] =	ssyncset.done $0x0  }
0xf8: {  	[sflag:s7] =	ssyncadd.s32 $0xFFFFD800  }
0xf9: {  	[tilespmem:s12], [sflag:$0x1] =	stream.indirect.gather [hbm4b:s1+s11], $0x1, s3, s11, $0xb8;
	[tilespmem:$0x6180] =	vst v63  }
0xfa: {  	_ =	swait.ge [sflag:s7], $0x50  }
0xfb: {  	[sflag:s7] =	ssyncset.done $0x0  }
0xfc: {  	[sflag:s7] =	ssyncadd.s32 $0xFFFFFFB0  }
0xfd: {  	[tilespmem:s13], [sflag:$0x1] =	stream.indirect.gather [hbm4b:s8+s11], $0x80, s12, s11, $0xb8;
	[tilespmem:$0x6180] =	vst v63  }
0xfe: {  	_ =	swait.ge [sflag:s7], $0x2800  }
0xff: {  	[sflag:s7] =	ssyncset.done $0x0  }
0x100: {  	[sflag:s7] =	ssyncadd.s32 $0xFFFFD800  }
0x101: {  	[hbm4b:s23+s3] =	stream.linear.scatter [tilespmem:s13], [sflag:$0x1], $0x2800, $0x38;
	[tilespmem:$0x6180] =	vst v63  }
0x102: {  	_ =	swait.ge [sflag:s7], $0x2800  }
0x103: {  	[sflag:s7] =	ssyncset.done $0x0  }
0x104: {  	s31 =	rddreg [dreg:$0x8];
	[sflag:s7] =	ssyncadd.s32 $0xFFFFD800  }
0x105: {  	[tilespmem:s24], [sflag:$0x1] =	stream.linear.gather [hbm4b:s31+s3], $0x8, $0x38;
	[tilespmem:$0x6180] =	vst v63  }
0x106: {  	_ =	swait.ge [sflag:s7], $0x8  }
0x107: {  	[sflag:s7] =	ssyncset.done $0x0  }
0x108: {  	[sflag:s7] =	ssyncadd.s32 $0xFFFFFFF8  }
0x109: {  	[tilespmem:s26], [sflag:$0x1] =	stream.indirect.gather [hbm4b:s8+s25], $0x80, s24, s25, $0xb8;
	[tilespmem:$0x6180] =	vst v63  }
0x10a: {  	_ =	swait.ge [sflag:s7], $0x400  }
0x10b: {  	[sflag:s7] =	ssyncset.done $0x0  }
0x10c: {  	s31 =	rddreg [dreg:$0x9];
	[sflag:s7] =	ssyncadd.s32 $0xFFFFFC00  }
0x10d: {  	[hbm4b:s31+s3] =	stream.linear.scatter [tilespmem:s26], [sflag:$0x1], $0x400, $0x38;
	[tilespmem:$0x6180] =	vst v63  }
0x10e: {  	_ =	swait.ge [sflag:s7], $0x400  }
0x10f: {  	[sflag:s7] =	ssyncset.done $0x0  }
0x110: {  	s31 =	rddreg [dreg:$0xa];
	[sflag:s7] =	ssyncadd.s32 $0xFFFFFC00  }
0x111: {  	[tilespmem:s24], [sflag:$0x1] =	stream.linear.gather [hbm4b:s31+s3], $0x8, $0x38;
	[tilespmem:$0x6180] =	vst v63  }
0x112: {  	_ =	swait.ge [sflag:s7], $0x8  }
0x113: {  	[sflag:s7] =	ssyncset.done $0x0  }
0x114: {  	[sflag:s7] =	ssyncadd.s32 $0xFFFFFFF8  }
0x115: {  	[tilespmem:s26], [sflag:$0x1] =	stream.indirect.gather [hbm4b:s8+s25], $0x80, s24, s25, $0xb8;
	[tilespmem:$0x6180] =	vst v63  }
0x116: {  	_ =	swait.ge [sflag:s7], $0x400  }
0x117: {  	[sflag:s7] =	ssyncset.done $0x0  }
0x118: {  	s31 =	rddreg [dreg:$0xb];
	[sflag:s7] =	ssyncadd.s32 $0xFFFFFC00  }
0x119: {  	[hbm4b:s31+s3] =	stream.linear.scatter [tilespmem:s26], [sflag:$0x1], $0x400, $0x38;
	[tilespmem:$0x6180] =	vst v63  }
0x11a: {  	s30 =	sadd.s32 $0xFFFFFFFF, s30;
	_ =	swait.ge [sflag:s7], $0x400  }
0x11b: {  	p1 =	sne.s32 s30, $0x0;
	[sflag:s7] =	ssyncset.done $0x0  }
.Ltmp1:
0x11c: {  	[sflag:s7] =	ssyncadd.s32 $0xFFFFFC00;
	(pc) =	sbr.rel @p1 .LBB2_1-.Ltmp1, $4  }
0x11d: {  	[bflag:$0x0] =	sbarrier.arrive $0xFFFF  }
0x11e: {  	s31 =	rddreg [dreg:$0xc]  }
0x11f: {  	[hbm:s31], [sflag:s29] =	dma.local [spmem:s28], $0x180  }
0x120: {  	_ =	swait.ge [sflag:s7], $0x180  }
.LBB2_2:
0x121: {  	[sflag:s7] =	ssyncset.done $0x0  }
0x122: {  	[sflag:s7] =	ssyncadd.s32 $0xFFFFFE80  }
0x123: {  	_ =	sfence.sel $0x180000  }
0x124: {  	[bflag:$0x0] =	sbarrier.arrive $0xFFFF  }
0x125: {  	_ =	strace $0x90000053  }
0x126: {  	[bflag:$0x2] =	sbarrier.arrive $0xFFFF  }
0x127: {  	s0 =	rddreg [dreg:$0x6]  }
0x128: {  	s0 =	sadd.s32 @!p0 $0x100000, s0  }
0x129: {  	[sflag:s0] =	ssyncadd.tile.s32 @!p0 $0x1;
	_ =	shalt  }
.Lfunc_end2:
_tile_overlayer_lowered:
.L_overlay_start_2:
0x12a: {  	(tag) =	ssettag $0x2  }
0x12b: {  	s0 =	rddreg [dreg:$0x0];
	s2 =	stileid.u32  }
0x12c: {  	s1 =	rddreg [dreg:$0x1];
	p0 =	sne.s32 s2, $0x0  }
0x12d: {  	s3 =	rddreg [dreg:$0x2];
	[bflag:$0x3] =	sbarrier.arrive $0xFFFF;
	s2 =	simm.s32 @!p0 $0x1C01  }
0x12e: {  	[timem:s3], [sflag:s2] =	dma.local @!p0 [hbm:s0], s1  }
0x12f: {  	s0 =	simm.s32 @!p0 $0x1  }
0x130: {  	_ =	swait.ge @!p0 [sflag:s0], s1  }
0x131: {  	s1 =	ssub.s32 @!p0 $0x0, s1;
	[sflag:s0] =	ssyncset.done @!p0 $0x0  }
0x132: {  	[sflag:s0] =	ssyncadd.s32 @!p0 s1  }
0x133: {  	[bflag:$0x3] =	sbarrier.arrive $0xFFFF  }
0x134: {  	_ =	shalt  }

</sc_bundles>
